<compile_context>
chip_gen: v7x
topology: tpu7x:2x2x1
jax: 0.10.2.dev20260603
libtpu: 0.0.44.dev20260713+nightly
codegen_flags: <defaults>
</compile_context>

<pallas_src>
import functools
import jax
import jax.numpy as jnp
from jax import lax
from jax.experimental import pallas as pl
from jax.experimental.pallas import tpu as pltpu
from jax.experimental.pallas import tpu_sc as plsc

N = 10000
E = 320000
D = 128
NC, NS = 2, 16
NW = NC * NS
EPW = 10240
E_PAD = NW * EPW
NPAD = 10240
RPT = NPAD // NS

CH = 128
CPW = EPW // CH
SCH = 8
NSC = CPW // SCH

CH3 = 80
CPW3 = EPW // CH3
NSCH3 = CPW3 // SCH
NB3 = 4
ZC3 = RPT // CH3


def _sc_mesh():
    return plsc.VectorSubcoreMesh(
        core_axis_name="c", subcore_axis_name="s", num_cores=NC, num_subcores=NS
    )


@functools.partial(
    pl.kernel,
    out_type=jax.ShapeDtypeStruct((NC, NPAD), jnp.float32),
    mesh=_sc_mesh(),
    scratch_types=[
        pltpu.VMEM((CPW, CH), jnp.int32),
        pltpu.VMEM((CH,), jnp.float32),
        pltpu.VMEM((RPT,), jnp.float32),
        pltpu.VMEM_SHARED((NPAD,), jnp.float32),
        pltpu.SemaphoreType.DMA,
    ],
)
def _deg_kernel(row_hbm, deg_out, idx_all, ones_v, zer_v, acc_sh, sem):
    cid = lax.axis_index("c")
    sid = lax.axis_index("s")
    wid = sid * NC + cid

    @pl.loop(0, RPT // 16)
    def _zinit(k):
        zer_v[pl.ds(k * 16, 16)] = jnp.zeros((16,), jnp.float32)

    @pl.loop(0, CH // 16)
    def _oinit(k):
        ones_v[pl.ds(k * 16, 16)] = jnp.full((16,), 1.0, jnp.float32)

    pltpu.sync_copy(zer_v, acc_sh.at[pl.ds(sid * RPT, RPT)])
    pltpu.sync_copy(row_hbm.at[wid], idx_all)
    plsc.subcore_barrier()

    @pl.loop(0, NSC)
    def _scat(s):
        for k in range(SCH):
            pltpu.async_copy(ones_v, acc_sh.at[idx_all.at[s * SCH + k]], sem,
                             add=True)
        for k in range(SCH):
            pltpu.make_async_copy(ones_v, acc_sh.at[idx_all.at[s * SCH + k]],
                                  sem).wait()

    plsc.subcore_barrier()
    pltpu.sync_copy(acc_sh.at[pl.ds(sid * RPT, RPT)],
                    deg_out.at[cid, pl.ds(sid * RPT, RPT)])


def _mm_body(x_ref, w_ref, degp_ref, hp_ref, dis_ref):
    h = lax.dot_general(x_ref[...], w_ref[...], (((1,), (1,)), ((), ())),
                        preferred_element_type=jnp.float32)
    r0 = pl.program_id(0) * _MM_R
    deg = (degp_ref[0:1, pl.ds(r0, _MM_R)] +
           degp_ref[1:2, pl.ds(r0, _MM_R)])
    dis_row = jnp.where(deg > 0.0, lax.rsqrt(deg), 0.0)
    dis = jnp.transpose(dis_row, (1, 0))
    hp_ref[...] = h * dis
    dis_ref[...] = dis


_MM_R = 2048


def _mm_call(x, w, degt):
    return pl.pallas_call(
        _mm_body,
        grid=(NPAD // _MM_R,),
        in_specs=[
            pl.BlockSpec((_MM_R, D), lambda i: (i, 0)),
            pl.BlockSpec((D, D), lambda i: (0, 0)),
            pl.BlockSpec((NC, NPAD), lambda i: (0, 0)),
        ],
        out_specs=[
            pl.BlockSpec((_MM_R, D), lambda i: (i, 0)),
            pl.BlockSpec((_MM_R, 1), lambda i: (i, 0)),
        ],
        out_shape=[
            jax.ShapeDtypeStruct((NPAD, D), jnp.float32),
            jax.ShapeDtypeStruct((NPAD, 1), jnp.float32),
        ],
    )(x, w, degt)


@functools.partial(
    pl.kernel,
    out_type=jax.ShapeDtypeStruct((NC, NPAD, D), jnp.float32),
    mesh=_sc_mesh(),
    scratch_types=[
        pltpu.VMEM((2, SCH, CH3), jnp.int32),
        pltpu.VMEM((2, SCH, CH3), jnp.int32),
        pltpu.VMEM((NB3 * CH3, D), jnp.float32),
        pltpu.VMEM_SHARED((NPAD, D), jnp.float32),
        pltpu.SemaphoreType.DMA,
        pltpu.SemaphoreType.DMA,
        pltpu.SemaphoreType.DMA,
        pltpu.SemaphoreType.DMA,
        pltpu.SemaphoreType.DMA,
        pltpu.SemaphoreType.DMA,
        pltpu.SemaphoreType.DMA,
        pltpu.SemaphoreType.DMA,
        pltpu.SemaphoreType.DMA,
        pltpu.SemaphoreType.DMA,
    ],
)
def _prop_kernel(hp_hbm, row_hbm, col_hbm, out_hbm, ridx, cidx, rows_v,
                 acc_sh, semg0, semg1, semg2, semg3, sems0, sems1, sems2,
                 sems3, semi, semz):
    cid = lax.axis_index("c")
    sid = lax.axis_index("s")
    wid = sid * NC + cid
    semg = (semg0, semg1, semg2, semg3)
    sems = (sems0, sems1, sems2, sems3)

    def buf(b):
        return rows_v.at[pl.ds(b * CH3, CH3)]

    def gather(p, slot, b):
        pltpu.async_copy(hp_hbm.at[ridx.at[p, slot]], buf(b), semg[b])

    def gather_wait(b):
        pltpu.make_async_copy(hp_hbm.at[ridx.at[0, 0]], buf(b),
                              semg[b]).wait()

    def scatter(p, slot, b):
        pltpu.async_copy(buf(b), acc_sh.at[cidx.at[p, slot]], sems[b],
                         add=True)

    def scatter_wait(b):
        pltpu.make_async_copy(buf(b), acc_sh.at[cidx.at[0, 0]],
                              sems[b]).wait()

    def load_idx(sc, p):
        pltpu.async_copy(row_hbm.at[wid, pl.ds(sc * SCH, SCH)], ridx.at[p],
                         semi)
        pltpu.async_copy(col_hbm.at[wid, pl.ds(sc * SCH, SCH)], cidx.at[p],
                         semi)

    @pl.loop(0, CH3)
    def _zr(r):
        @pl.loop(0, D // 16)
        def _zc(k):
            rows_v[r, pl.ds(k * 16, 16)] = jnp.zeros((16,), jnp.float32)

    for j in range(ZC3):
        pltpu.async_copy(buf(0), acc_sh.at[pl.ds(sid * RPT + j * CH3, CH3)],
                         semz)
    for j in range(ZC3):
        pltpu.make_async_copy(buf(0), acc_sh.at[pl.ds(0, CH3)], semz).wait()

    pltpu.sync_copy(row_hbm.at[wid, pl.ds(0, SCH)], ridx.at[0])
    pltpu.sync_copy(col_hbm.at[wid, pl.ds(0, SCH)], cidx.at[0])
    load_idx(1, 1)
    gather(0, 0, 0)
    gather(0, 1, 1)
    plsc.subcore_barrier()

    @pl.loop(0, NSCH3)
    def _super(s):
        p = s % 2
        for k in range(SCH):
            b = k % NB3
            bw = (k + 2) % NB3
            if k < 2:
                @pl.when(s > 0)
                def _w():
                    scatter_wait(bw)
            else:
                scatter_wait(bw)
            if k == 2:
                @pl.when((s > 0) & (s < NSCH3 - 1))
                def _pf():
                    load_idx(s + 1, 1 - p)
            if k <= SCH - 3:
                gather(p, k + 2, bw)
            else:
                if k == SCH - 2:
                    @pl.when(s < NSCH3 - 1)
                    def _wi():
                        pltpu.make_async_copy(
                            row_hbm.at[wid, pl.ds(0, SCH)], ridx.at[1 - p],
                            semi).wait()
                        pltpu.make_async_copy(
                            col_hbm.at[wid, pl.ds(0, SCH)], cidx.at[1 - p],
                            semi).wait()
                @pl.when(s < NSCH3 - 1)
                def _g():
                    gather(1 - p, k - (SCH - 2), bw)
            gather_wait(b)
            scatter(p, k, b)

    scatter_wait((CPW3 - 2) % NB3)
    scatter_wait((CPW3 - 1) % NB3)
    plsc.subcore_barrier()

    for j in range(ZC3):
        r0 = sid * RPT + j * CH3
        pltpu.async_copy(acc_sh.at[pl.ds(r0, CH3)],
                         out_hbm.at[cid, pl.ds(r0, CH3)], semz)
    for j in range(ZC3):
        pltpu.make_async_copy(acc_sh.at[pl.ds(0, CH3)],
                              out_hbm.at[cid, pl.ds(0, CH3)], semz).wait()


def _out_body(p_ref, dis_ref, b_ref, o_ref):
    s = p_ref[0] + p_ref[1]
    o_ref[...] = s * dis_ref[...] + b_ref[...]


_OUT_R = 2000


def _out_call(parts, dis, bias2d):
    return pl.pallas_call(
        _out_body,
        grid=(N // _OUT_R,),
        in_specs=[
            pl.BlockSpec((NC, _OUT_R, D), lambda i: (0, i, 0)),
            pl.BlockSpec((_OUT_R, 1), lambda i: (i, 0)),
            pl.BlockSpec((1, D), lambda i: (0, 0)),
        ],
        out_specs=pl.BlockSpec((_OUT_R, D), lambda i: (i, 0)),
        out_shape=jax.ShapeDtypeStruct((N, D), jnp.float32),
    )(parts, dis, bias2d)


def kernel(x, edge_index, adj_norm_sp, W, bias):
    row = edge_index[0].astype(jnp.int32)
    col = edge_index[1].astype(jnp.int32)
    ppw = EPW - E // NW
    pad = jnp.broadcast_to(N + jnp.arange(ppw, dtype=jnp.int32), (NW, ppw))
    row_p = jnp.concatenate([row.reshape(NW, E // NW), pad], axis=1)
    col_p = jnp.concatenate([col.reshape(NW, E // NW), pad], axis=1)

    deg_part = _deg_kernel(row_p.reshape(NW, CPW, CH))
    hp, dis = _mm_call(x, W, deg_part)
    parts = _prop_kernel(hp, row_p.reshape(NW, CPW3, CH3),
                         col_p.reshape(NW, CPW3, CH3))
    out = _out_call(parts, dis, bias.reshape(1, D))
    return out

# --- scband reference (transcript-rebuilt; emitter-appended) ---
"""Pipeline reference for scband-gcn-encoder-scatter-10969346474301 (READ-ONLY COPY).

The authoritative reference and input builder live on the scoring server;
editing this copy changes nothing except your own understanding.
"""

import jax, jax.numpy as jnp
import numpy as np

N_NODES = 10000
N_EDGES = 320000
D_IN = 128
D_HID = 128


def setup_inputs(seed: int = 0) -> dict:
    key = jax.random.key(seed)
    k1, k2, k3, k4 = jax.random.split(key, 4)
    x = jax.random.normal(k1, (N_NODES, D_IN), dtype=jnp.float32)
    edge_index = jax.random.randint(k2, (2, N_EDGES), 0, N_NODES, dtype=jnp.int64)
    adj_norm_sp = jnp.zeros((N_NODES,), dtype=jnp.float32)
    # Linear(num_features, hidden, bias=False): weight shape [hidden, num_features]
    W = jax.random.normal(k3, (D_HID, D_IN), dtype=jnp.float32) * (1.0 / np.sqrt(D_IN))
    bias = jnp.zeros((D_HID,), dtype=jnp.float32)
    return {"x": x, "edge_index": edge_index, "adj_norm_sp": adj_norm_sp, "W": W, "bias": bias}


def _propagate2(h, edge_index):
    # GCN-normalized scatter-add propagation:
    # deg computed over source (row) indices, symmetric normalization,
    # messages h[row] * norm scattered-added into col (dst) rows.
    n = h.shape[0]
    row = edge_index[0]
    col = edge_index[1]
    edge_weight = jnp.ones((edge_index.shape[1],), dtype=h.dtype)
    deg = jnp.zeros((n,), dtype=h.dtype).at[row].add(edge_weight)
    deg_inv_sqrt = jnp.where(deg > 0, deg ** -0.5, 0.0)
    ew = deg_inv_sqrt[row] * edge_weight * deg_inv_sqrt[col]
    out = jnp.zeros_like(h).at[col].add(ew[:, None] * h[row])
    return out


def reference(x, edge_index, adj_norm_sp, W, bias):
    h = x @ W.T
    h = _propagate2(h, edge_index) + bias
    return h

if __name__ == "__main__":
    import jax
    _d = setup_inputs()
    print(jax.jit(kernel)(*tuple(_d.values())))

</pallas_src>

<mosaic_0001>
#map = affine_map<(d0, d1) -> (0, 0, 0)>
#map1 = affine_map<(d0, d1) -> (0, 0)>
module attributes {stable_mosaic.version = 14 : i64} {
  func.func @_deg_kernel(%arg0: i32, %arg1: i32, %arg2: memref<32x80x128xi32, #tpu.memory_space<hbm>>, %arg3: memref<2x10240xf32, #tpu.memory_space<hbm>>, %arg4: memref<80x128xi32, #tpu.memory_space<vmem>>, %arg5: memref<128xf32, #tpu.memory_space<vmem>>, %arg6: memref<640xf32, #tpu.memory_space<vmem>>, %arg7: memref<10240xf32, #tpu.memory_space<vmem_shared>>, %arg8: memref<!tpu.dma_semaphore, #tpu.memory_space<semaphore_mem>>) attributes {dimension_semantics = [#tpu.dimension_semantics<core_parallel>, #tpu.dimension_semantics<subcore_parallel>], iteration_bounds = array<i64: 2, 16>, scalar_prefetch = 0 : i64, scratch_operands = 5 : i64, tpu.core_type = #tpu.core_type<sc_vector_subcore>, window_params = [{transform_indices = #map}, {transform_indices = #map1}]} {
    %mul3A = arith.constant 2 : i32
    %mul3A_0 = arith.muli %arg1, %mul3A : i32
    %add3A = arith.addi %mul3A_0, %arg0 : i32
    %scan3A = arith.constant 0 : i32
    %scan3A_1 = arith.constant 40 : i32
    %scan3A_2 = arith.addi %scan3A, %scan3A_1 : i32
    %scan3A_3 = arith.constant 1 : i32
    scf.for %scan3A_22 = %scan3A to %scan3A_2 step %scan3A_3  : i32 {
      %mul3A_23 = arith.constant 1 : i32
      %mul3A_24 = arith.muli %scan3A_22, %mul3A_23 : i32
      %add3A_25 = arith.constant 0 : i32
      %add3A_26 = arith.addi %add3A_25, %mul3A_24 : i32
      %broadcast_in_dim3A = arith.constant 0.000000e+00 : f32
      %broadcast_in_dim3A_27 = vector.broadcast %broadcast_in_dim3A : f32 to vector<16xf32>
      %mul3A_28 = arith.constant 16 : i32
      %mul3A_29 = arith.muli %add3A_26, %mul3A_28 : i32
      %swap3A = arith.index_cast %mul3A_29 : i32 to index
      %swap3A_30 = tpu.vector_load %arg6[%swap3A] {strides = array<i32>} : memref<640xf32, #tpu.memory_space<vmem>>, vector<16xf32>,
      %swap3A_31 = vector.shape_cast %swap3A_30 : vector<16xf32> to vector<16xf32>
      %swap3A_32 = vector.shape_cast %broadcast_in_dim3A_27 : vector<16xf32> to vector<16xf32>
      tpu.vector_store %arg6[%swap3A], %swap3A_32 {strides = array<i32>} : memref<640xf32, #tpu.memory_space<vmem>>, vector<16xf32>,
    }
    %scan3A_4 = arith.constant 40 : i32
    %scan3A_5 = arith.constant 0 : i32
    %scan3A_6 = arith.constant 8 : i32
    %scan3A_7 = arith.addi %scan3A_5, %scan3A_6 : i32
    %scan3A_8 = arith.constant 1 : i32
    scf.for %scan3A_22 = %scan3A_5 to %scan3A_7 step %scan3A_8  : i32 {
      %mul3A_23 = arith.constant 1 : i32
      %mul3A_24 = arith.muli %scan3A_22, %mul3A_23 : i32
      %add3A_25 = arith.constant 0 : i32
      %add3A_26 = arith.addi %add3A_25, %mul3A_24 : i32
      %broadcast_in_dim3A = arith.constant 1.000000e+00 : f32
      %broadcast_in_dim3A_27 = vector.broadcast %broadcast_in_dim3A : f32 to vector<16xf32>
      %mul3A_28 = arith.constant 16 : i32
      %mul3A_29 = arith.muli %add3A_26, %mul3A_28 : i32
      %swap3A = arith.index_cast %mul3A_29 : i32 to index
      %swap3A_30 = tpu.vector_load %arg5[%swap3A] {strides = array<i32>} : memref<128xf32, #tpu.memory_space<vmem>>, vector<16xf32>,
      %swap3A_31 = vector.shape_cast %swap3A_30 : vector<16xf32> to vector<16xf32>
      %swap3A_32 = vector.shape_cast %broadcast_in_dim3A_27 : vector<16xf32> to vector<16xf32>
      tpu.vector_store %arg5[%swap3A], %swap3A_32 {strides = array<i32>} : memref<128xf32, #tpu.memory_space<vmem>>, vector<16xf32>,
    }
    %scan3A_9 = arith.constant 8 : i32
    %mul3A_10 = arith.constant 640 : i32
    %mul3A_11 = arith.muli %arg1, %mul3A_10 : i32
    "tpu.region"() ({
      %run_scoped3A = tpu.sem_alloc : memref<!tpu.dma_semaphore, #tpu.memory_space<semaphore_mem>>
      %dma_start3A = tpu.memref_slice %arg7[%mul3A_11] : memref<10240xf32, #tpu.memory_space<vmem_shared>> -> memref<640xf32, #tpu.memory_space<vmem_shared>>
      %dma_start3A_22 = tpu.memref_slice %arg7[%mul3A_11] : memref<10240xf32, #tpu.memory_space<vmem_shared>> -> memref<640xf32, #tpu.memory_space<vmem_shared>>
      tpu.enqueue_dma source(%arg6 : memref<640xf32, #tpu.memory_space<vmem>>) target(%dma_start3A_22 : memref<640xf32, #tpu.memory_space<vmem_shared>>) target_semaphore(%run_scoped3A : memref<!tpu.dma_semaphore, #tpu.memory_space<semaphore_mem>>)
      %dma_wait3A = tpu.memref_slice %arg7[%mul3A_11] : memref<10240xf32, #tpu.memory_space<vmem_shared>> -> memref<640xf32, #tpu.memory_space<vmem_shared>>
      %dma_wait3A_23 = tpu.memref_slice %arg7[%mul3A_11] : memref<10240xf32, #tpu.memory_space<vmem_shared>> -> memref<640xf32, #tpu.memory_space<vmem_shared>>
      tpu.wait_dma2 semaphore(%run_scoped3A : memref<!tpu.dma_semaphore, #tpu.memory_space<semaphore_mem>>) src(%arg6 : memref<640xf32, #tpu.memory_space<vmem>>) dst(%dma_wait3A_23 : memref<640xf32, #tpu.memory_space<vmem_shared>>)
      tpu.yield
    }) : () -> ()
    "tpu.region"() ({
      %run_scoped3A = tpu.sem_alloc : memref<!tpu.dma_semaphore, #tpu.memory_space<semaphore_mem>>
      %dma_start3A = arith.constant 0 : i32
      %dma_start3A_22 = arith.constant 0 : i32
      %dma_start3A_23 = tpu.memref_slice %arg2[%add3A, %dma_start3A, %dma_start3A_22] : memref<32x80x128xi32, #tpu.memory_space<hbm>> -> memref<1x80x128xi32, #tpu.memory_space<hbm>>
      %dma_start3A_24 = tpu.memref_squeeze %dma_start3A_23 : memref<1x80x128xi32, #tpu.memory_space<hbm>> -> memref<80x128xi32, #tpu.memory_space<hbm>>
      %dma_start3A_25 = arith.constant 0 : i32
      %dma_start3A_26 = arith.constant 0 : i32
      %dma_start3A_27 = tpu.memref_slice %arg2[%add3A, %dma_start3A_25, %dma_start3A_26] : memref<32x80x128xi32, #tpu.memory_space<hbm>> -> memref<1x80x128xi32, #tpu.memory_space<hbm>>
      %dma_start3A_28 = tpu.memref_squeeze %dma_start3A_27 : memref<1x80x128xi32, #tpu.memory_space<hbm>> -> memref<80x128xi32, #tpu.memory_space<hbm>>
      tpu.enqueue_dma source(%dma_start3A_28 : memref<80x128xi32, #tpu.memory_space<hbm>>) target(%arg4 : memref<80x128xi32, #tpu.memory_space<vmem>>) target_semaphore(%run_scoped3A : memref<!tpu.dma_semaphore, #tpu.memory_space<semaphore_mem>>)
      %dma_wait3A = arith.constant 0 : i32
      %dma_wait3A_29 = arith.constant 0 : i32
      %dma_wait3A_30 = tpu.memref_slice %arg2[%add3A, %dma_wait3A, %dma_wait3A_29] : memref<32x80x128xi32, #tpu.memory_space<hbm>> -> memref<1x80x128xi32, #tpu.memory_space<hbm>>
      %dma_wait3A_31 = tpu.memref_squeeze %dma_wait3A_30 : memref<1x80x128xi32, #tpu.memory_space<hbm>> -> memref<80x128xi32, #tpu.memory_space<hbm>>
      %dma_wait3A_32 = arith.constant 0 : i32
      %dma_wait3A_33 = arith.constant 0 : i32
      %dma_wait3A_34 = tpu.memref_slice %arg2[%add3A, %dma_wait3A_32, %dma_wait3A_33] : memref<32x80x128xi32, #tpu.memory_space<hbm>> -> memref<1x80x128xi32, #tpu.memory_space<hbm>>
      %dma_wait3A_35 = tpu.memref_squeeze %dma_wait3A_34 : memref<1x80x128xi32, #tpu.memory_space<hbm>> -> memref<80x128xi32, #tpu.memory_space<hbm>>
      tpu.wait_dma2 semaphore(%run_scoped3A : memref<!tpu.dma_semaphore, #tpu.memory_space<semaphore_mem>>) src(%dma_wait3A_35 : memref<80x128xi32, #tpu.memory_space<hbm>>) dst(%arg4 : memref<80x128xi32, #tpu.memory_space<vmem>>)
      tpu.yield
    }) : () -> ()
    %barrier3A = arith.constant 0 : index
    tpu.barrier barrier_id(%barrier3A)
    %scan3A_12 = arith.constant 0 : i32
    %scan3A_13 = arith.constant 10 : i32
    %scan3A_14 = arith.addi %scan3A_12, %scan3A_13 : i32
    %scan3A_15 = arith.constant 1 : i32
    scf.for %scan3A_22 = %scan3A_12 to %scan3A_14 step %scan3A_15  : i32 {
      %mul3A_23 = arith.constant 1 : i32
      %mul3A_24 = arith.muli %scan3A_22, %mul3A_23 : i32
      %add3A_25 = arith.constant 0 : i32
      %add3A_26 = arith.addi %add3A_25, %mul3A_24 : i32
      %mul3A_27 = arith.constant 8 : i32
      %mul3A_28 = arith.muli %add3A_26, %mul3A_27 : i32
      %add3A_29 = arith.constant 0 : i32
      %add3A_30 = arith.addi %mul3A_28, %add3A_29 : i32
      %dma_start3A = arith.constant 0 : i32
      %dma_start3A_31 = tpu.memref_slice %arg4[%add3A_30, %dma_start3A] : memref<80x128xi32, #tpu.memory_space<vmem>> -> memref<1x128xi32, #tpu.memory_space<vmem>>
      %dma_start3A_32 = tpu.memref_squeeze %dma_start3A_31 : memref<1x128xi32, #tpu.memory_space<vmem>> -> memref<128xi32, #tpu.memory_space<vmem>>
      %dma_start3A_33 = arith.constant 0 : i32
      %dma_start3A_34 = tpu.memref_slice %arg7[%dma_start3A_33] : memref<10240xf32, #tpu.memory_space<vmem_shared>> -> memref<10240xf32, #tpu.memory_space<vmem_shared>>
      tpu.enqueue_indirect_dma source(%arg5 : memref<128xf32, #tpu.memory_space<vmem>>) target(%dma_start3A_34 : memref<10240xf32, #tpu.memory_space<vmem_shared>>) offsets(%dma_start3A_32 : memref<128xi32, #tpu.memory_space<vmem>>) semaphore(%arg8 : memref<!tpu.dma_semaphore, #tpu.memory_space<semaphore_mem>>) {add = true}
      %mul3A_35 = arith.constant 8 : i32
      %mul3A_36 = arith.muli %add3A_26, %mul3A_35 : i32
      %add3A_37 = arith.constant 1 : i32
      %add3A_38 = arith.addi %mul3A_36, %add3A_37 : i32
      %dma_start3A_39 = arith.constant 0 : i32
      %dma_start3A_40 = tpu.memref_slice %arg4[%add3A_38, %dma_start3A_39] : memref<80x128xi32, #tpu.memory_space<vmem>> -> memref<1x128xi32, #tpu.memory_space<vmem>>
      %dma_start3A_41 = tpu.memref_squeeze %dma_start3A_40 : memref<1x128xi32, #tpu.memory_space<vmem>> -> memref<128xi32, #tpu.memory_space<vmem>>
      %dma_start3A_42 = arith.constant 0 : i32
      %dma_start3A_43 = tpu.memref_slice %arg7[%dma_start3A_42] : memref<10240xf32, #tpu.memory_space<vmem_shared>> -> memref<10240xf32, #tpu.memory_space<vmem_shared>>
      tpu.enqueue_indirect_dma source(%arg5 : memref<128xf32, #tpu.memory_space<vmem>>) target(%dma_start3A_43 : memref<10240xf32, #tpu.memory_space<vmem_shared>>) offsets(%dma_start3A_41 : memref<128xi32, #tpu.memory_space<vmem>>) semaphore(%arg8 : memref<!tpu.dma_semaphore, #tpu.memory_space<semaphore_mem>>) {add = true}
      %mul3A_44 = arith.constant 8 : i32
      %mul3A_45 = arith.muli %add3A_26, %mul3A_44 : i32
      %add3A_46 = arith.constant 2 : i32
      %add3A_47 = arith.addi %mul3A_45, %add3A_46 : i32
      %dma_start3A_48 = arith.constant 0 : i32
      %dma_start3A_49 = tpu.memref_slice %arg4[%add3A_47, %dma_start3A_48] : memref<80x128xi32, #tpu.memory_space<vmem>> -> memref<1x128xi32, #tpu.memory_space<vmem>>
      %dma_start3A_50 = tpu.memref_squeeze %dma_start3A_49 : memref<1x128xi32, #tpu.memory_space<vmem>> -> memref<128xi32, #tpu.memory_space<vmem>>
      %dma_start3A_51 = arith.constant 0 : i32
      %dma_start3A_52 = tpu.memref_slice %arg7[%dma_start3A_51] : memref<10240xf32, #tpu.memory_space<vmem_shared>> -> memref<10240xf32, #tpu.memory_space<vmem_shared>>
      tpu.enqueue_indirect_dma source(%arg5 : memref<128xf32, #tpu.memory_space<vmem>>) target(%dma_start3A_52 : memref<10240xf32, #tpu.memory_space<vmem_shared>>) offsets(%dma_start3A_50 : memref<128xi32, #tpu.memory_space<vmem>>) semaphore(%arg8 : memref<!tpu.dma_semaphore, #tpu.memory_space<semaphore_mem>>) {add = true}
      %mul3A_53 = arith.constant 8 : i32
      %mul3A_54 = arith.muli %add3A_26, %mul3A_53 : i32
      %add3A_55 = arith.constant 3 : i32
      %add3A_56 = arith.addi %mul3A_54, %add3A_55 : i32
      %dma_start3A_57 = arith.constant 0 : i32
      %dma_start3A_58 = tpu.memref_slice %arg4[%add3A_56, %dma_start3A_57] : memref<80x128xi32, #tpu.memory_space<vmem>> -> memref<1x128xi32, #tpu.memory_space<vmem>>
      %dma_start3A_59 = tpu.memref_squeeze %dma_start3A_58 : memref<1x128xi32, #tpu.memory_space<vmem>> -> memref<128xi32, #tpu.memory_space<vmem>>
      %dma_start3A_60 = arith.constant 0 : i32
      %dma_start3A_61 = tpu.memref_slice %arg7[%dma_start3A_60] : memref<10240xf32, #tpu.memory_space<vmem_shared>> -> memref<10240xf32, #tpu.memory_space<vmem_shared>>
      tpu.enqueue_indirect_dma source(%arg5 : memref<128xf32, #tpu.memory_space<vmem>>) target(%dma_start3A_61 : memref<10240xf32, #tpu.memory_space<vmem_shared>>) offsets(%dma_start3A_59 : memref<128xi32, #tpu.memory_space<vmem>>) semaphore(%arg8 : memref<!tpu.dma_semaphore, #tpu.memory_space<semaphore_mem>>) {add = true}
      %mul3A_62 = arith.constant 8 : i32
      %mul3A_63 = arith.muli %add3A_26, %mul3A_62 : i32
      %add3A_64 = arith.constant 4 : i32
      %add3A_65 = arith.addi %mul3A_63, %add3A_64 : i32
      %dma_start3A_66 = arith.constant 0 : i32
      %dma_start3A_67 = tpu.memref_slice %arg4[%add3A_65, %dma_start3A_66] : memref<80x128xi32, #tpu.memory_space<vmem>> -> memref<1x128xi32, #tpu.memory_space<vmem>>
      %dma_start3A_68 = tpu.memref_squeeze %dma_start3A_67 : memref<1x128xi32, #tpu.memory_space<vmem>> -> memref<128xi32, #tpu.memory_space<vmem>>
      %dma_start3A_69 = arith.constant 0 : i32
      %dma_start3A_70 = tpu.memref_slice %arg7[%dma_start3A_69] : memref<10240xf32, #tpu.memory_space<vmem_shared>> -> memref<10240xf32, #tpu.memory_space<vmem_shared>>
      tpu.enqueue_indirect_dma source(%arg5 : memref<128xf32, #tpu.memory_space<vmem>>) target(%dma_start3A_70 : memref<10240xf32, #tpu.memory_space<vmem_shared>>) offsets(%dma_start3A_68 : memref<128xi32, #tpu.memory_space<vmem>>) semaphore(%arg8 : memref<!tpu.dma_semaphore, #tpu.memory_space<semaphore_mem>>) {add = true}
      %mul3A_71 = arith.constant 8 : i32
      %mul3A_72 = arith.muli %add3A_26, %mul3A_71 : i32
      %add3A_73 = arith.constant 5 : i32
      %add3A_74 = arith.addi %mul3A_72, %add3A_73 : i32
      %dma_start3A_75 = arith.constant 0 : i32
      %dma_start3A_76 = tpu.memref_slice %arg4[%add3A_74, %dma_start3A_75] : memref<80x128xi32, #tpu.memory_space<vmem>> -> memref<1x128xi32, #tpu.memory_space<vmem>>
      %dma_start3A_77 = tpu.memref_squeeze %dma_start3A_76 : memref<1x128xi32, #tpu.memory_space<vmem>> -> memref<128xi32, #tpu.memory_space<vmem>>
      %dma_start3A_78 = arith.constant 0 : i32
      %dma_start3A_79 = tpu.memref_slice %arg7[%dma_start3A_78] : memref<10240xf32, #tpu.memory_space<vmem_shared>> -> memref<10240xf32, #tpu.memory_space<vmem_shared>>
      tpu.enqueue_indirect_dma source(%arg5 : memref<128xf32, #tpu.memory_space<vmem>>) target(%dma_start3A_79 : memref<10240xf32, #tpu.memory_space<vmem_shared>>) offsets(%dma_start3A_77 : memref<128xi32, #tpu.memory_space<vmem>>) semaphore(%arg8 : memref<!tpu.dma_semaphore, #tpu.memory_space<semaphore_mem>>) {add = true}
      %mul3A_80 = arith.constant 8 : i32
      %mul3A_81 = arith.muli %add3A_26, %mul3A_80 : i32
      %add3A_82 = arith.constant 6 : i32
      %add3A_83 = arith.addi %mul3A_81, %add3A_82 : i32
      %dma_start3A_84 = arith.constant 0 : i32
      %dma_start3A_85 = tpu.memref_slice %arg4[%add3A_83, %dma_start3A_84] : memref<80x128xi32, #tpu.memory_space<vmem>> -> memref<1x128xi32, #tpu.memory_space<vmem>>
      %dma_start3A_86 = tpu.memref_squeeze %dma_start3A_85 : memref<1x128xi32, #tpu.memory_space<vmem>> -> memref<128xi32, #tpu.memory_space<vmem>>
      %dma_start3A_87 = arith.constant 0 : i32
      %dma_start3A_88 = tpu.memref_slice %arg7[%dma_start3A_87] : memref<10240xf32, #tpu.memory_space<vmem_shared>> -> memref<10240xf32, #tpu.memory_space<vmem_shared>>
      tpu.enqueue_indirect_dma source(%arg5 : memref<128xf32, #tpu.memory_space<vmem>>) target(%dma_start3A_88 : memref<10240xf32, #tpu.memory_space<vmem_shared>>) offsets(%dma_start3A_86 : memref<128xi32, #tpu.memory_space<vmem>>) semaphore(%arg8 : memref<!tpu.dma_semaphore, #tpu.memory_space<semaphore_mem>>) {add = true}
      %mul3A_89 = arith.constant 8 : i32
      %mul3A_90 = arith.muli %add3A_26, %mul3A_89 : i32
      %add3A_91 = arith.constant 7 : i32
      %add3A_92 = arith.addi %mul3A_90, %add3A_91 : i32
      %dma_start3A_93 = arith.constant 0 : i32
      %dma_start3A_94 = tpu.memref_slice %arg4[%add3A_92, %dma_start3A_93] : memref<80x128xi32, #tpu.memory_space<vmem>> -> memref<1x128xi32, #tpu.memory_space<vmem>>
      %dma_start3A_95 = tpu.memref_squeeze %dma_start3A_94 : memref<1x128xi32, #tpu.memory_space<vmem>> -> memref<128xi32, #tpu.memory_space<vmem>>
      %dma_start3A_96 = arith.constant 0 : i32
      %dma_start3A_97 = tpu.memref_slice %arg7[%dma_start3A_96] : memref<10240xf32, #tpu.memory_space<vmem_shared>> -> memref<10240xf32, #tpu.memory_space<vmem_shared>>
      tpu.enqueue_indirect_dma source(%arg5 : memref<128xf32, #tpu.memory_space<vmem>>) target(%dma_start3A_97 : memref<10240xf32, #tpu.memory_space<vmem_shared>>) offsets(%dma_start3A_95 : memref<128xi32, #tpu.memory_space<vmem>>) semaphore(%arg8 : memref<!tpu.dma_semaphore, #tpu.memory_space<semaphore_mem>>) {add = true}
      %mul3A_98 = arith.constant 8 : i32
      %mul3A_99 = arith.muli %add3A_26, %mul3A_98 : i32
      %add3A_100 = arith.constant 0 : i32
      %add3A_101 = arith.addi %mul3A_99, %add3A_100 : i32
      %dma_wait3A = arith.constant 0 : i32
      %dma_wait3A_102 = tpu.memref_slice %arg4[%add3A_101, %dma_wait3A] : memref<80x128xi32, #tpu.memory_space<vmem>> -> memref<1x128xi32, #tpu.memory_space<vmem>>
      %dma_wait3A_103 = tpu.memref_squeeze %dma_wait3A_102 : memref<1x128xi32, #tpu.memory_space<vmem>> -> memref<128xi32, #tpu.memory_space<vmem>>
      %dma_wait3A_104 = arith.constant 0 : i32
      %dma_wait3A_105 = tpu.memref_slice %arg7[%dma_wait3A_104] : memref<10240xf32, #tpu.memory_space<vmem_shared>> -> memref<10240xf32, #tpu.memory_space<vmem_shared>>
      tpu.wait_indirect_dma semaphore(%arg8 : memref<!tpu.dma_semaphore, #tpu.memory_space<semaphore_mem>>) src(%arg5 : memref<128xf32, #tpu.memory_space<vmem>>) dst(%dma_wait3A_105 : memref<10240xf32, #tpu.memory_space<vmem_shared>>)
      %mul3A_106 = arith.constant 8 : i32
      %mul3A_107 = arith.muli %add3A_26, %mul3A_106 : i32
      %add3A_108 = arith.constant 1 : i32
      %add3A_109 = arith.addi %mul3A_107, %add3A_108 : i32
      %dma_wait3A_110 = arith.constant 0 : i32
      %dma_wait3A_111 = tpu.memref_slice %arg4[%add3A_109, %dma_wait3A_110] : memref<80x128xi32, #tpu.memory_space<vmem>> -> memref<1x128xi32, #tpu.memory_space<vmem>>
      %dma_wait3A_112 = tpu.memref_squeeze %dma_wait3A_111 : memref<1x128xi32, #tpu.memory_space<vmem>> -> memref<128xi32, #tpu.memory_space<vmem>>
      %dma_wait3A_113 = arith.constant 0 : i32
      %dma_wait3A_114 = tpu.memref_slice %arg7[%dma_wait3A_113] : memref<10240xf32, #tpu.memory_space<vmem_shared>> -> memref<10240xf32, #tpu.memory_space<vmem_shared>>
      tpu.wait_indirect_dma semaphore(%arg8 : memref<!tpu.dma_semaphore, #tpu.memory_space<semaphore_mem>>) src(%arg5 : memref<128xf32, #tpu.memory_space<vmem>>) dst(%dma_wait3A_114 : memref<10240xf32, #tpu.memory_space<vmem_shared>>)
      %mul3A_115 = arith.constant 8 : i32
      %mul3A_116 = arith.muli %add3A_26, %mul3A_115 : i32
      %add3A_117 = arith.constant 2 : i32
      %add3A_118 = arith.addi %mul3A_116, %add3A_117 : i32
      %dma_wait3A_119 = arith.constant 0 : i32
      %dma_wait3A_120 = tpu.memref_slice %arg4[%add3A_118, %dma_wait3A_119] : memref<80x128xi32, #tpu.memory_space<vmem>> -> memref<1x128xi32, #tpu.memory_space<vmem>>
      %dma_wait3A_121 = tpu.memref_squeeze %dma_wait3A_120 : memref<1x128xi32, #tpu.memory_space<vmem>> -> memref<128xi32, #tpu.memory_space<vmem>>
      %dma_wait3A_122 = arith.constant 0 : i32
      %dma_wait3A_123 = tpu.memref_slice %arg7[%dma_wait3A_122] : memref<10240xf32, #tpu.memory_space<vmem_shared>> -> memref<10240xf32, #tpu.memory_space<vmem_shared>>
      tpu.wait_indirect_dma semaphore(%arg8 : memref<!tpu.dma_semaphore, #tpu.memory_space<semaphore_mem>>) src(%arg5 : memref<128xf32, #tpu.memory_space<vmem>>) dst(%dma_wait3A_123 : memref<10240xf32, #tpu.memory_space<vmem_shared>>)
      %mul3A_124 = arith.constant 8 : i32
      %mul3A_125 = arith.muli %add3A_26, %mul3A_124 : i32
      %add3A_126 = arith.constant 3 : i32
      %add3A_127 = arith.addi %mul3A_125, %add3A_126 : i32
      %dma_wait3A_128 = arith.constant 0 : i32
      %dma_wait3A_129 = tpu.memref_slice %arg4[%add3A_127, %dma_wait3A_128] : memref<80x128xi32, #tpu.memory_space<vmem>> -> memref<1x128xi32, #tpu.memory_space<vmem>>
      %dma_wait3A_130 = tpu.memref_squeeze %dma_wait3A_129 : memref<1x128xi32, #tpu.memory_space<vmem>> -> memref<128xi32, #tpu.memory_space<vmem>>
      %dma_wait3A_131 = arith.constant 0 : i32
      %dma_wait3A_132 = tpu.memref_slice %arg7[%dma_wait3A_131] : memref<10240xf32, #tpu.memory_space<vmem_shared>> -> memref<10240xf32, #tpu.memory_space<vmem_shared>>
      tpu.wait_indirect_dma semaphore(%arg8 : memref<!tpu.dma_semaphore, #tpu.memory_space<semaphore_mem>>) src(%arg5 : memref<128xf32, #tpu.memory_space<vmem>>) dst(%dma_wait3A_132 : memref<10240xf32, #tpu.memory_space<vmem_shared>>)
      %mul3A_133 = arith.constant 8 : i32
      %mul3A_134 = arith.muli %add3A_26, %mul3A_133 : i32
      %add3A_135 = arith.constant 4 : i32
      %add3A_136 = arith.addi %mul3A_134, %add3A_135 : i32
      %dma_wait3A_137 = arith.constant 0 : i32
      %dma_wait3A_138 = tpu.memref_slice %arg4[%add3A_136, %dma_wait3A_137] : memref<80x128xi32, #tpu.memory_space<vmem>> -> memref<1x128xi32, #tpu.memory_space<vmem>>
      %dma_wait3A_139 = tpu.memref_squeeze %dma_wait3A_138 : memref<1x128xi32, #tpu.memory_space<vmem>> -> memref<128xi32, #tpu.memory_space<vmem>>
      %dma_wait3A_140 = arith.constant 0 : i32
      %dma_wait3A_141 = tpu.memref_slice %arg7[%dma_wait3A_140] : memref<10240xf32, #tpu.memory_space<vmem_shared>> -> memref<10240xf32, #tpu.memory_space<vmem_shared>>
      tpu.wait_indirect_dma semaphore(%arg8 : memref<!tpu.dma_semaphore, #tpu.memory_space<semaphore_mem>>) src(%arg5 : memref<128xf32, #tpu.memory_space<vmem>>) dst(%dma_wait3A_141 : memref<10240xf32, #tpu.memory_space<vmem_shared>>)
      %mul3A_142 = arith.constant 8 : i32
      %mul3A_143 = arith.muli %add3A_26, %mul3A_142 : i32
      %add3A_144 = arith.constant 5 : i32
      %add3A_145 = arith.addi %mul3A_143, %add3A_144 : i32
      %dma_wait3A_146 = arith.constant 0 : i32
      %dma_wait3A_147 = tpu.memref_slice %arg4[%add3A_145, %dma_wait3A_146] : memref<80x128xi32, #tpu.memory_space<vmem>> -> memref<1x128xi32, #tpu.memory_space<vmem>>
      %dma_wait3A_148 = tpu.memref_squeeze %dma_wait3A_147 : memref<1x128xi32, #tpu.memory_space<vmem>> -> memref<128xi32, #tpu.memory_space<vmem>>
      %dma_wait3A_149 = arith.constant 0 : i32
      %dma_wait3A_150 = tpu.memref_slice %arg7[%dma_wait3A_149] : memref<10240xf32, #tpu.memory_space<vmem_shared>> -> memref<10240xf32, #tpu.memory_space<vmem_shared>>
      tpu.wait_indirect_dma semaphore(%arg8 : memref<!tpu.dma_semaphore, #tpu.memory_space<semaphore_mem>>) src(%arg5 : memref<128xf32, #tpu.memory_space<vmem>>) dst(%dma_wait3A_150 : memref<10240xf32, #tpu.memory_space<vmem_shared>>)
      %mul3A_151 = arith.constant 8 : i32
      %mul3A_152 = arith.muli %add3A_26, %mul3A_151 : i32
      %add3A_153 = arith.constant 6 : i32
      %add3A_154 = arith.addi %mul3A_152, %add3A_153 : i32
      %dma_wait3A_155 = arith.constant 0 : i32
      %dma_wait3A_156 = tpu.memref_slice %arg4[%add3A_154, %dma_wait3A_155] : memref<80x128xi32, #tpu.memory_space<vmem>> -> memref<1x128xi32, #tpu.memory_space<vmem>>
      %dma_wait3A_157 = tpu.memref_squeeze %dma_wait3A_156 : memref<1x128xi32, #tpu.memory_space<vmem>> -> memref<128xi32, #tpu.memory_space<vmem>>
      %dma_wait3A_158 = arith.constant 0 : i32
      %dma_wait3A_159 = tpu.memref_slice %arg7[%dma_wait3A_158] : memref<10240xf32, #tpu.memory_space<vmem_shared>> -> memref<10240xf32, #tpu.memory_space<vmem_shared>>
      tpu.wait_indirect_dma semaphore(%arg8 : memref<!tpu.dma_semaphore, #tpu.memory_space<semaphore_mem>>) src(%arg5 : memref<128xf32, #tpu.memory_space<vmem>>) dst(%dma_wait3A_159 : memref<10240xf32, #tpu.memory_space<vmem_shared>>)
      %mul3A_160 = arith.constant 8 : i32
      %mul3A_161 = arith.muli %add3A_26, %mul3A_160 : i32
      %add3A_162 = arith.constant 7 : i32
      %add3A_163 = arith.addi %mul3A_161, %add3A_162 : i32
      %dma_wait3A_164 = arith.constant 0 : i32
      %dma_wait3A_165 = tpu.memref_slice %arg4[%add3A_163, %dma_wait3A_164] : memref<80x128xi32, #tpu.memory_space<vmem>> -> memref<1x128xi32, #tpu.memory_space<vmem>>
      %dma_wait3A_166 = tpu.memref_squeeze %dma_wait3A_165 : memref<1x128xi32, #tpu.memory_space<vmem>> -> memref<128xi32, #tpu.memory_space<vmem>>
      %dma_wait3A_167 = arith.constant 0 : i32
      %dma_wait3A_168 = tpu.memref_slice %arg7[%dma_wait3A_167] : memref<10240xf32, #tpu.memory_space<vmem_shared>> -> memref<10240xf32, #tpu.memory_space<vmem_shared>>
      tpu.wait_indirect_dma semaphore(%arg8 : memref<!tpu.dma_semaphore, #tpu.memory_space<semaphore_mem>>) src(%arg5 : memref<128xf32, #tpu.memory_space<vmem>>) dst(%dma_wait3A_168 : memref<10240xf32, #tpu.memory_space<vmem_shared>>)
    }
    %scan3A_16 = arith.constant 10 : i32
    %barrier3A_17 = arith.constant 0 : index
    tpu.barrier barrier_id(%barrier3A_17)
    %mul3A_18 = arith.constant 640 : i32
    %mul3A_19 = arith.muli %arg1, %mul3A_18 : i32
    %mul3A_20 = arith.constant 640 : i32
    %mul3A_21 = arith.muli %arg1, %mul3A_20 : i32
    "tpu.region"() ({
      %run_scoped3A = tpu.sem_alloc : memref<!tpu.dma_semaphore, #tpu.memory_space<semaphore_mem>>
      %dma_start3A = tpu.memref_slice %arg3[%arg0, %mul3A_21] : memref<2x10240xf32, #tpu.memory_space<hbm>> -> memref<1x640xf32, #tpu.memory_space<hbm>>
      %dma_start3A_22 = tpu.memref_squeeze %dma_start3A : memref<1x640xf32, #tpu.memory_space<hbm>> -> memref<640xf32, #tpu.memory_space<hbm>>
      %dma_start3A_23 = tpu.memref_slice %arg7[%mul3A_19] : memref<10240xf32, #tpu.memory_space<vmem_shared>> -> memref<640xf32, #tpu.memory_space<vmem_shared>>
      tpu.enqueue_dma source(%dma_start3A_23 : memref<640xf32, #tpu.memory_space<vmem_shared>>) target(%dma_start3A_22 : memref<640xf32, #tpu.memory_space<hbm>>) target_semaphore(%run_scoped3A : memref<!tpu.dma_semaphore, #tpu.memory_space<semaphore_mem>>)
      %dma_wait3A = tpu.memref_slice %arg3[%arg0, %mul3A_21] : memref<2x10240xf32, #tpu.memory_space<hbm>> -> memref<1x640xf32, #tpu.memory_space<hbm>>
      %dma_wait3A_24 = tpu.memref_squeeze %dma_wait3A : memref<1x640xf32, #tpu.memory_space<hbm>> -> memref<640xf32, #tpu.memory_space<hbm>>
      %dma_wait3A_25 = tpu.memref_slice %arg7[%mul3A_19] : memref<10240xf32, #tpu.memory_space<vmem_shared>> -> memref<640xf32, #tpu.memory_space<vmem_shared>>
      tpu.wait_dma2 semaphore(%run_scoped3A : memref<!tpu.dma_semaphore, #tpu.memory_space<semaphore_mem>>) src(%dma_wait3A_25 : memref<640xf32, #tpu.memory_space<vmem_shared>>) dst(%dma_wait3A_24 : memref<640xf32, #tpu.memory_space<hbm>>)
      tpu.yield
    }) : () -> ()
    return
  }
}

#map = affine_map<(d0, d1) -> (0, 0)>
#map1 = affine_map<(d0, d1) -> (0, 0, 0)>
module attributes {stable_mosaic.version = 14 : i64} {
  func.func @_prop_kernel(%arg0: i32, %arg1: i32, %arg2: memref<10240x128xf32, #tpu.memory_space<hbm>>, %arg3: memref<32x128x80xi32, #tpu.memory_space<hbm>>, %arg4: memref<32x128x80xi32, #tpu.memory_space<hbm>>, %arg5: memref<2x10240x128xf32, #tpu.memory_space<hbm>>, %arg6: memref<2x8x80xi32, #tpu.memory_space<vmem>>, %arg7: memref<2x8x80xi32, #tpu.memory_space<vmem>>, %arg8: memref<320x128xf32, #tpu.memory_space<vmem>>, %arg9: memref<10240x128xf32, #tpu.memory_space<vmem_shared>>, %arg10: memref<!tpu.dma_semaphore, #tpu.memory_space<semaphore_mem>>, %arg11: memref<!tpu.dma_semaphore, #tpu.memory_space<semaphore_mem>>, %arg12: memref<!tpu.dma_semaphore, #tpu.memory_space<semaphore_mem>>, %arg13: memref<!tpu.dma_semaphore, #tpu.memory_space<semaphore_mem>>, %arg14: memref<!tpu.dma_semaphore, #tpu.memory_space<semaphore_mem>>, %arg15: memref<!tpu.dma_semaphore, #tpu.memory_space<semaphore_mem>>, %arg16: memref<!tpu.dma_semaphore, #tpu.memory_space<semaphore_mem>>, %arg17: memref<!tpu.dma_semaphore, #tpu.memory_space<semaphore_mem>>, %arg18: memref<!tpu.dma_semaphore, #tpu.memory_space<semaphore_mem>>, %arg19: memref<!tpu.dma_semaphore, #tpu.memory_space<semaphore_mem>>) attributes {dimension_semantics = [#tpu.dimension_semantics<core_parallel>, #tpu.dimension_semantics<subcore_parallel>], iteration_bounds = array<i64: 2, 16>, scalar_prefetch = 0 : i64, scratch_operands = 14 : i64, tpu.core_type = #tpu.core_type<sc_vector_subcore>, window_params = [{transform_indices = #map}, {transform_indices = #map1}, {transform_indices = #map1}, {transform_indices = #map1}]} {
    %mul3A = arith.constant 2 : i32
    %mul3A_0 = arith.muli %arg1, %mul3A : i32
    %add3A = arith.addi %mul3A_0, %arg0 : i32
    %scan3A = arith.constant 0 : i32
    %scan3A_1 = arith.constant 80 : i32
    %scan3A_2 = arith.addi %scan3A, %scan3A_1 : i32
    %scan3A_3 = arith.constant 1 : i32
    scf.for %scan3A_424 = %scan3A to %scan3A_2 step %scan3A_3  : i32 {
      %mul3A_425 = arith.constant 1 : i32
      %mul3A_426 = arith.muli %scan3A_424, %mul3A_425 : i32
      %add3A_427 = arith.constant 0 : i32
      %add3A_428 = arith.addi %add3A_427, %mul3A_426 : i32
      %scan3A_429 = arith.constant 0 : i32
      %scan3A_430 = arith.constant 8 : i32
      %scan3A_431 = arith.addi %scan3A_429, %scan3A_430 : i32
      %scan3A_432 = arith.constant 1 : i32
      scf.for %scan3A_434 = %scan3A_429 to %scan3A_431 step %scan3A_432  : i32 {
        %mul3A_435 = arith.constant 1 : i32
        %mul3A_436 = arith.muli %scan3A_434, %mul3A_435 : i32
        %add3A_437 = arith.constant 0 : i32
        %add3A_438 = arith.addi %add3A_437, %mul3A_436 : i32
        %broadcast_in_dim3A = arith.constant 0.000000e+00 : f32
        %broadcast_in_dim3A_439 = vector.broadcast %broadcast_in_dim3A : f32 to vector<16xf32>
        %mul3A_440 = arith.constant 16 : i32
        %mul3A_441 = arith.muli %add3A_438, %mul3A_440 : i32
        %swap3A = arith.index_cast %add3A_428 : i32 to index
        %swap3A_442 = arith.index_cast %mul3A_441 : i32 to index
        %swap3A_443 = tpu.vector_load %arg8[%swap3A, %swap3A_442] {strides = array<i32>} : memref<320x128xf32, #tpu.memory_space<vmem>>, vector<1x16xf32>,
        %swap3A_444 = vector.shape_cast %swap3A_443 : vector<1x16xf32> to vector<16xf32>
        %swap3A_445 = vector.shape_cast %broadcast_in_dim3A_439 : vector<16xf32> to vector<1x16xf32>
        tpu.vector_store %arg8[%swap3A, %swap3A_442], %swap3A_445 {strides = array<i32>} : memref<320x128xf32, #tpu.memory_space<vmem>>, vector<1x16xf32>,
      }
      %scan3A_433 = arith.constant 8 : i32
    }
    %scan3A_4 = arith.constant 80 : i32
    %mul3A_5 = arith.constant 640 : i32
    %mul3A_6 = arith.muli %arg1, %mul3A_5 : i32
    %add3A_7 = arith.constant 0 : i32
    %add3A_8 = arith.addi %mul3A_6, %add3A_7 : i32
    %dma_start3A = arith.constant 0 : i32
    %dma_start3A_9 = arith.constant 0 : i32
    %dma_start3A_10 = tpu.memref_slice %arg8[%dma_start3A, %dma_start3A_9] : memref<320x128xf32, #tpu.memory_space<vmem>> -> memref<80x128xf32, #tpu.memory_space<vmem>>
    %dma_start3A_11 = arith.constant 0 : i32
    %dma_start3A_12 = tpu.memref_slice %arg9[%add3A_8, %dma_start3A_11] : memref<10240x128xf32, #tpu.memory_space<vmem_shared>> -> memref<80x128xf32, #tpu.memory_space<vmem_shared>>
    %dma_start3A_13 = arith.constant 0 : i32
    %dma_start3A_14 = tpu.memref_slice %arg9[%add3A_8, %dma_start3A_13] : memref<10240x128xf32, #tpu.memory_space<vmem_shared>> -> memref<80x128xf32, #tpu.memory_space<vmem_shared>>
    %dma_start3A_15 = arith.constant 0 : i32
    %dma_start3A_16 = arith.constant 0 : i32
    %dma_start3A_17 = tpu.memref_slice %arg8[%dma_start3A_15, %dma_start3A_16] : memref<320x128xf32, #tpu.memory_space<vmem>> -> memref<80x128xf32, #tpu.memory_space<vmem>>
    tpu.enqueue_dma source(%dma_start3A_17 : memref<80x128xf32, #tpu.memory_space<vmem>>) target(%dma_start3A_14 : memref<80x128xf32, #tpu.memory_space<vmem_shared>>) target_semaphore(%arg19 : memref<!tpu.dma_semaphore, #tpu.memory_space<semaphore_mem>>)
    %mul3A_18 = arith.constant 640 : i32
    %mul3A_19 = arith.muli %arg1, %mul3A_18 : i32
    %add3A_20 = arith.constant 80 : i32
    %add3A_21 = arith.addi %mul3A_19, %add3A_20 : i32
    %dma_start3A_22 = arith.constant 0 : i32
    %dma_start3A_23 = arith.constant 0 : i32
    %dma_start3A_24 = tpu.memref_slice %arg8[%dma_start3A_22, %dma_start3A_23] : memref<320x128xf32, #tpu.memory_space<vmem>> -> memref<80x128xf32, #tpu.memory_space<vmem>>
    %dma_start3A_25 = arith.constant 0 : i32
    %dma_start3A_26 = tpu.memref_slice %arg9[%add3A_21, %dma_start3A_25] : memref<10240x128xf32, #tpu.memory_space<vmem_shared>> -> memref<80x128xf32, #tpu.memory_space<vmem_shared>>
    %dma_start3A_27 = arith.constant 0 : i32
    %dma_start3A_28 = tpu.memref_slice %arg9[%add3A_21, %dma_start3A_27] : memref<10240x128xf32, #tpu.memory_space<vmem_shared>> -> memref<80x128xf32, #tpu.memory_space<vmem_shared>>
    %dma_start3A_29 = arith.constant 0 : i32
    %dma_start3A_30 = arith.constant 0 : i32
    %dma_start3A_31 = tpu.memref_slice %arg8[%dma_start3A_29, %dma_start3A_30] : memref<320x128xf32, #tpu.memory_space<vmem>> -> memref<80x128xf32, #tpu.memory_space<vmem>>
    tpu.enqueue_dma source(%dma_start3A_31 : memref<80x128xf32, #tpu.memory_space<vmem>>) target(%dma_start3A_28 : memref<80x128xf32, #tpu.memory_space<vmem_shared>>) target_semaphore(%arg19 : memref<!tpu.dma_semaphore, #tpu.memory_space<semaphore_mem>>)
    %mul3A_32 = arith.constant 640 : i32
    %mul3A_33 = arith.muli %arg1, %mul3A_32 : i32
    %add3A_34 = arith.constant 160 : i32
    %add3A_35 = arith.addi %mul3A_33, %add3A_34 : i32
    %dma_start3A_36 = arith.constant 0 : i32
    %dma_start3A_37 = arith.constant 0 : i32
    %dma_start3A_38 = tpu.memref_slice %arg8[%dma_start3A_36, %dma_start3A_37] : memref<320x128xf32, #tpu.memory_space<vmem>> -> memref<80x128xf32, #tpu.memory_space<vmem>>
    %dma_start3A_39 = arith.constant 0 : i32
    %dma_start3A_40 = tpu.memref_slice %arg9[%add3A_35, %dma_start3A_39] : memref<10240x128xf32, #tpu.memory_space<vmem_shared>> -> memref<80x128xf32, #tpu.memory_space<vmem_shared>>
    %dma_start3A_41 = arith.constant 0 : i32
    %dma_start3A_42 = tpu.memref_slice %arg9[%add3A_35, %dma_start3A_41] : memref<10240x128xf32, #tpu.memory_space<vmem_shared>> -> memref<80x128xf32, #tpu.memory_space<vmem_shared>>
    %dma_start3A_43 = arith.constant 0 : i32
    %dma_start3A_44 = arith.constant 0 : i32
    %dma_start3A_45 = tpu.memref_slice %arg8[%dma_start3A_43, %dma_start3A_44] : memref<320x128xf32, #tpu.memory_space<vmem>> -> memref<80x128xf32, #tpu.memory_space<vmem>>
    tpu.enqueue_dma source(%dma_start3A_45 : memref<80x128xf32, #tpu.memory_space<vmem>>) target(%dma_start3A_42 : memref<80x128xf32, #tpu.memory_space<vmem_shared>>) target_semaphore(%arg19 : memref<!tpu.dma_semaphore, #tpu.memory_space<semaphore_mem>>)
    %mul3A_46 = arith.constant 640 : i32
    %mul3A_47 = arith.muli %arg1, %mul3A_46 : i32
    %add3A_48 = arith.constant 240 : i32
    %add3A_49 = arith.addi %mul3A_47, %add3A_48 : i32
    %dma_start3A_50 = arith.constant 0 : i32
    %dma_start3A_51 = arith.constant 0 : i32
    %dma_start3A_52 = tpu.memref_slice %arg8[%dma_start3A_50, %dma_start3A_51] : memref<320x128xf32, #tpu.memory_space<vmem>> -> memref<80x128xf32, #tpu.memory_space<vmem>>
    %dma_start3A_53 = arith.constant 0 : i32
    %dma_start3A_54 = tpu.memref_slice %arg9[%add3A_49, %dma_start3A_53] : memref<10240x128xf32, #tpu.memory_space<vmem_shared>> -> memref<80x128xf32, #tpu.memory_space<vmem_shared>>
    %dma_start3A_55 = arith.constant 0 : i32
    %dma_start3A_56 = tpu.memref_slice %arg9[%add3A_49, %dma_start3A_55] : memref<10240x128xf32, #tpu.memory_space<vmem_shared>> -> memref<80x128xf32, #tpu.memory_space<vmem_shared>>
    %dma_start3A_57 = arith.constant 0 : i32
    %dma_start3A_58 = arith.constant 0 : i32
    %dma_start3A_59 = tpu.memref_slice %arg8[%dma_start3A_57, %dma_start3A_58] : memref<320x128xf32, #tpu.memory_space<vmem>> -> memref<80x128xf32, #tpu.memory_space<vmem>>
    tpu.enqueue_dma source(%dma_start3A_59 : memref<80x128xf32, #tpu.memory_space<vmem>>) target(%dma_start3A_56 : memref<80x128xf32, #tpu.memory_space<vmem_shared>>) target_semaphore(%arg19 : memref<!tpu.dma_semaphore, #tpu.memory_space<semaphore_mem>>)
    %mul3A_60 = arith.constant 640 : i32
    %mul3A_61 = arith.muli %arg1, %mul3A_60 : i32
    %add3A_62 = arith.constant 320 : i32
    %add3A_63 = arith.addi %mul3A_61, %add3A_62 : i32
    %dma_start3A_64 = arith.constant 0 : i32
    %dma_start3A_65 = arith.constant 0 : i32
    %dma_start3A_66 = tpu.memref_slice %arg8[%dma_start3A_64, %dma_start3A_65] : memref<320x128xf32, #tpu.memory_space<vmem>> -> memref<80x128xf32, #tpu.memory_space<vmem>>
    %dma_start3A_67 = arith.constant 0 : i32
    %dma_start3A_68 = tpu.memref_slice %arg9[%add3A_63, %dma_start3A_67] : memref<10240x128xf32, #tpu.memory_space<vmem_shared>> -> memref<80x128xf32, #tpu.memory_space<vmem_shared>>
    %dma_start3A_69 = arith.constant 0 : i32
    %dma_start3A_70 = tpu.memref_slice %arg9[%add3A_63, %dma_start3A_69] : memref<10240x128xf32, #tpu.memory_space<vmem_shared>> -> memref<80x128xf32, #tpu.memory_space<vmem_shared>>
    %dma_start3A_71 = arith.constant 0 : i32
    %dma_start3A_72 = arith.constant 0 : i32
    %dma_start3A_73 = tpu.memref_slice %arg8[%dma_start3A_71, %dma_start3A_72] : memref<320x128xf32, #tpu.memory_space<vmem>> -> memref<80x128xf32, #tpu.memory_space<vmem>>
    tpu.enqueue_dma source(%dma_start3A_73 : memref<80x128xf32, #tpu.memory_space<vmem>>) target(%dma_start3A_70 : memref<80x128xf32, #tpu.memory_space<vmem_shared>>) target_semaphore(%arg19 : memref<!tpu.dma_semaphore, #tpu.memory_space<semaphore_mem>>)
    %mul3A_74 = arith.constant 640 : i32
    %mul3A_75 = arith.muli %arg1, %mul3A_74 : i32
    %add3A_76 = arith.constant 400 : i32
    %add3A_77 = arith.addi %mul3A_75, %add3A_76 : i32
    %dma_start3A_78 = arith.constant 0 : i32
    %dma_start3A_79 = arith.constant 0 : i32
    %dma_start3A_80 = tpu.memref_slice %arg8[%dma_start3A_78, %dma_start3A_79] : memref<320x128xf32, #tpu.memory_space<vmem>> -> memref<80x128xf32, #tpu.memory_space<vmem>>
    %dma_start3A_81 = arith.constant 0 : i32
    %dma_start3A_82 = tpu.memref_slice %arg9[%add3A_77, %dma_start3A_81] : memref<10240x128xf32, #tpu.memory_space<vmem_shared>> -> memref<80x128xf32, #tpu.memory_space<vmem_shared>>
    %dma_start3A_83 = arith.constant 0 : i32
    %dma_start3A_84 = tpu.memref_slice %arg9[%add3A_77, %dma_start3A_83] : memref<10240x128xf32, #tpu.memory_space<vmem_shared>> -> memref<80x128xf32, #tpu.memory_space<vmem_shared>>
    %dma_start3A_85 = arith.constant 0 : i32
    %dma_start3A_86 = arith.constant 0 : i32
    %dma_start3A_87 = tpu.memref_slice %arg8[%dma_start3A_85, %dma_start3A_86] : memref<320x128xf32, #tpu.memory_space<vmem>> -> memref<80x128xf32, #tpu.memory_space<vmem>>
    tpu.enqueue_dma source(%dma_start3A_87 : memref<80x128xf32, #tpu.memory_space<vmem>>) target(%dma_start3A_84 : memref<80x128xf32, #tpu.memory_space<vmem_shared>>) target_semaphore(%arg19 : memref<!tpu.dma_semaphore, #tpu.memory_space<semaphore_mem>>)
    %mul3A_88 = arith.constant 640 : i32
    %mul3A_89 = arith.muli %arg1, %mul3A_88 : i32
    %add3A_90 = arith.constant 480 : i32
    %add3A_91 = arith.addi %mul3A_89, %add3A_90 : i32
    %dma_start3A_92 = arith.constant 0 : i32
    %dma_start3A_93 = arith.constant 0 : i32
    %dma_start3A_94 = tpu.memref_slice %arg8[%dma_start3A_92, %dma_start3A_93] : memref<320x128xf32, #tpu.memory_space<vmem>> -> memref<80x128xf32, #tpu.memory_space<vmem>>
    %dma_start3A_95 = arith.constant 0 : i32
    %dma_start3A_96 = tpu.memref_slice %arg9[%add3A_91, %dma_start3A_95] : memref<10240x128xf32, #tpu.memory_space<vmem_shared>> -> memref<80x128xf32, #tpu.memory_space<vmem_shared>>
    %dma_start3A_97 = arith.constant 0 : i32
    %dma_start3A_98 = tpu.memref_slice %arg9[%add3A_91, %dma_start3A_97] : memref<10240x128xf32, #tpu.memory_space<vmem_shared>> -> memref<80x128xf32, #tpu.memory_space<vmem_shared>>
    %dma_start3A_99 = arith.constant 0 : i32
    %dma_start3A_100 = arith.constant 0 : i32
    %dma_start3A_101 = tpu.memref_slice %arg8[%dma_start3A_99, %dma_start3A_100] : memref<320x128xf32, #tpu.memory_space<vmem>> -> memref<80x128xf32, #tpu.memory_space<vmem>>
    tpu.enqueue_dma source(%dma_start3A_101 : memref<80x128xf32, #tpu.memory_space<vmem>>) target(%dma_start3A_98 : memref<80x128xf32, #tpu.memory_space<vmem_shared>>) target_semaphore(%arg19 : memref<!tpu.dma_semaphore, #tpu.memory_space<semaphore_mem>>)
    %mul3A_102 = arith.constant 640 : i32
    %mul3A_103 = arith.muli %arg1, %mul3A_102 : i32
    %add3A_104 = arith.constant 560 : i32
    %add3A_105 = arith.addi %mul3A_103, %add3A_104 : i32
    %dma_start3A_106 = arith.constant 0 : i32
    %dma_start3A_107 = arith.constant 0 : i32
    %dma_start3A_108 = tpu.memref_slice %arg8[%dma_start3A_106, %dma_start3A_107] : memref<320x128xf32, #tpu.memory_space<vmem>> -> memref<80x128xf32, #tpu.memory_space<vmem>>
    %dma_start3A_109 = arith.constant 0 : i32
    %dma_start3A_110 = tpu.memref_slice %arg9[%add3A_105, %dma_start3A_109] : memref<10240x128xf32, #tpu.memory_space<vmem_shared>> -> memref<80x128xf32, #tpu.memory_space<vmem_shared>>
    %dma_start3A_111 = arith.constant 0 : i32
    %dma_start3A_112 = tpu.memref_slice %arg9[%add3A_105, %dma_start3A_111] : memref<10240x128xf32, #tpu.memory_space<vmem_shared>> -> memref<80x128xf32, #tpu.memory_space<vmem_shared>>
    %dma_start3A_113 = arith.constant 0 : i32
    %dma_start3A_114 = arith.constant 0 : i32
    %dma_start3A_115 = tpu.memref_slice %arg8[%dma_start3A_113, %dma_start3A_114] : memref<320x128xf32, #tpu.memory_space<vmem>> -> memref<80x128xf32, #tpu.memory_space<vmem>>
    tpu.enqueue_dma source(%dma_start3A_115 : memref<80x128xf32, #tpu.memory_space<vmem>>) target(%dma_start3A_112 : memref<80x128xf32, #tpu.memory_space<vmem_shared>>) target_semaphore(%arg19 : memref<!tpu.dma_semaphore, #tpu.memory_space<semaphore_mem>>)
    %dma_wait3A = arith.constant 0 : i32
    %dma_wait3A_116 = arith.constant 0 : i32
    %dma_wait3A_117 = tpu.memref_slice %arg8[%dma_wait3A, %dma_wait3A_116] : memref<320x128xf32, #tpu.memory_space<vmem>> -> memref<80x128xf32, #tpu.memory_space<vmem>>
    %dma_wait3A_118 = arith.constant 0 : i32
    %dma_wait3A_119 = arith.constant 0 : i32
    %dma_wait3A_120 = tpu.memref_slice %arg9[%dma_wait3A_118, %dma_wait3A_119] : memref<10240x128xf32, #tpu.memory_space<vmem_shared>> -> memref<80x128xf32, #tpu.memory_space<vmem_shared>>
    %dma_wait3A_121 = arith.constant 0 : i32
    %dma_wait3A_122 = arith.constant 0 : i32
    %dma_wait3A_123 = tpu.memref_slice %arg9[%dma_wait3A_121, %dma_wait3A_122] : memref<10240x128xf32, #tpu.memory_space<vmem_shared>> -> memref<80x128xf32, #tpu.memory_space<vmem_shared>>
    %dma_wait3A_124 = arith.constant 0 : i32
    %dma_wait3A_125 = arith.constant 0 : i32
    %dma_wait3A_126 = tpu.memref_slice %arg8[%dma_wait3A_124, %dma_wait3A_125] : memref<320x128xf32, #tpu.memory_space<vmem>> -> memref<80x128xf32, #tpu.memory_space<vmem>>
    tpu.wait_dma2 semaphore(%arg19 : memref<!tpu.dma_semaphore, #tpu.memory_space<semaphore_mem>>) src(%dma_wait3A_126 : memref<80x128xf32, #tpu.memory_space<vmem>>) dst(%dma_wait3A_123 : memref<80x128xf32, #tpu.memory_space<vmem_shared>>)
    %dma_wait3A_127 = arith.constant 0 : i32
    %dma_wait3A_128 = arith.constant 0 : i32
    %dma_wait3A_129 = tpu.memref_slice %arg8[%dma_wait3A_127, %dma_wait3A_128] : memref<320x128xf32, #tpu.memory_space<vmem>> -> memref<80x128xf32, #tpu.memory_space<vmem>>
    %dma_wait3A_130 = arith.constant 0 : i32
    %dma_wait3A_131 = arith.constant 0 : i32
    %dma_wait3A_132 = tpu.memref_slice %arg9[%dma_wait3A_130, %dma_wait3A_131] : memref<10240x128xf32, #tpu.memory_space<vmem_shared>> -> memref<80x128xf32, #tpu.memory_space<vmem_shared>>
    %dma_wait3A_133 = arith.constant 0 : i32
    %dma_wait3A_134 = arith.constant 0 : i32
    %dma_wait3A_135 = tpu.memref_slice %arg9[%dma_wait3A_133, %dma_wait3A_134] : memref<10240x128xf32, #tpu.memory_space<vmem_shared>> -> memref<80x128xf32, #tpu.memory_space<vmem_shared>>
    %dma_wait3A_136 = arith.constant 0 : i32
    %dma_wait3A_137 = arith.constant 0 : i32
    %dma_wait3A_138 = tpu.memref_slice %arg8[%dma_wait3A_136, %dma_wait3A_137] : memref<320x128xf32, #tpu.memory_space<vmem>> -> memref<80x128xf32, #tpu.memory_space<vmem>>
    tpu.wait_dma2 semaphore(%arg19 : memref<!tpu.dma_semaphore, #tpu.memory_space<semaphore_mem>>) src(%dma_wait3A_138 : memref<80x128xf32, #tpu.memory_space<vmem>>) dst(%dma_wait3A_135 : memref<80x128xf32, #tpu.memory_space<vmem_shared>>)
    %dma_wait3A_139 = arith.constant 0 : i32
    %dma_wait3A_140 = arith.constant 0 : i32
    %dma_wait3A_141 = tpu.memref_slice %arg8[%dma_wait3A_139, %dma_wait3A_140] : memref<320x128xf32, #tpu.memory_space<vmem>> -> memref<80x128xf32, #tpu.memory_space<vmem>>
    %dma_wait3A_142 = arith.constant 0 : i32
    %dma_wait3A_143 = arith.constant 0 : i32
    %dma_wait3A_144 = tpu.memref_slice %arg9[%dma_wait3A_142, %dma_wait3A_143] : memref<10240x128xf32, #tpu.memory_space<vmem_shared>> -> memref<80x128xf32, #tpu.memory_space<vmem_shared>>
    %dma_wait3A_145 = arith.constant 0 : i32
    %dma_wait3A_146 = arith.constant 0 : i32
    %dma_wait3A_147 = tpu.memref_slice %arg9[%dma_wait3A_145, %dma_wait3A_146] : memref<10240x128xf32, #tpu.memory_space<vmem_shared>> -> memref<80x128xf32, #tpu.memory_space<vmem_shared>>
    %dma_wait3A_148 = arith.constant 0 : i32
    %dma_wait3A_149 = arith.constant 0 : i32
    %dma_wait3A_150 = tpu.memref_slice %arg8[%dma_wait3A_148, %dma_wait3A_149] : memref<320x128xf32, #tpu.memory_space<vmem>> -> memref<80x128xf32, #tpu.memory_space<vmem>>
    tpu.wait_dma2 semaphore(%arg19 : memref<!tpu.dma_semaphore, #tpu.memory_space<semaphore_mem>>) src(%dma_wait3A_150 : memref<80x128xf32, #tpu.memory_space<vmem>>) dst(%dma_wait3A_147 : memref<80x128xf32, #tpu.memory_space<vmem_shared>>)
    %dma_wait3A_151 = arith.constant 0 : i32
    %dma_wait3A_152 = arith.constant 0 : i32
    %dma_wait3A_153 = tpu.memref_slice %arg8[%dma_wait3A_151, %dma_wait3A_152] : memref<320x128xf32, #tpu.memory_space<vmem>> -> memref<80x128xf32, #tpu.memory_space<vmem>>
    %dma_wait3A_154 = arith.constant 0 : i32
    %dma_wait3A_155 = arith.constant 0 : i32
    %dma_wait3A_156 = tpu.memref_slice %arg9[%dma_wait3A_154, %dma_wait3A_155] : memref<10240x128xf32, #tpu.memory_space<vmem_shared>> -> memref<80x128xf32, #tpu.memory_space<vmem_shared>>
    %dma_wait3A_157 = arith.constant 0 : i32
    %dma_wait3A_158 = arith.constant 0 : i32
    %dma_wait3A_159 = tpu.memref_slice %arg9[%dma_wait3A_157, %dma_wait3A_158] : memref<10240x128xf32, #tpu.memory_space<vmem_shared>> -> memref<80x128xf32, #tpu.memory_space<vmem_shared>>
    %dma_wait3A_160 = arith.constant 0 : i32
    %dma_wait3A_161 = arith.constant 0 : i32
    %dma_wait3A_162 = tpu.memref_slice %arg8[%dma_wait3A_160, %dma_wait3A_161] : memref<320x128xf32, #tpu.memory_space<vmem>> -> memref<80x128xf32, #tpu.memory_space<vmem>>
    tpu.wait_dma2 semaphore(%arg19 : memref<!tpu.dma_semaphore, #tpu.memory_space<semaphore_mem>>) src(%dma_wait3A_162 : memref<80x128xf32, #tpu.memory_space<vmem>>) dst(%dma_wait3A_159 : memref<80x128xf32, #tpu.memory_space<vmem_shared>>)
    %dma_wait3A_163 = arith.constant 0 : i32
    %dma_wait3A_164 = arith.constant 0 : i32
    %dma_wait3A_165 = tpu.memref_slice %arg8[%dma_wait3A_163, %dma_wait3A_164] : memref<320x128xf32, #tpu.memory_space<vmem>> -> memref<80x128xf32, #tpu.memory_space<vmem>>
    %dma_wait3A_166 = arith.constant 0 : i32
    %dma_wait3A_167 = arith.constant 0 : i32
    %dma_wait3A_168 = tpu.memref_slice %arg9[%dma_wait3A_166, %dma_wait3A_167] : memref<10240x128xf32, #tpu.memory_space<vmem_shared>> -> memref<80x128xf32, #tpu.memory_space<vmem_shared>>
    %dma_wait3A_169 = arith.constant 0 : i32
    %dma_wait3A_170 = arith.constant 0 : i32
    %dma_wait3A_171 = tpu.memref_slice %arg9[%dma_wait3A_169, %dma_wait3A_170] : memref<10240x128xf32, #tpu.memory_space<vmem_shared>> -> memref<80x128xf32, #tpu.memory_space<vmem_shared>>
    %dma_wait3A_172 = arith.constant 0 : i32
    %dma_wait3A_173 = arith.constant 0 : i32
    %dma_wait3A_174 = tpu.memref_slice %arg8[%dma_wait3A_172, %dma_wait3A_173] : memref<320x128xf32, #tpu.memory_space<vmem>> -> memref<80x128xf32, #tpu.memory_space<vmem>>
    tpu.wait_dma2 semaphore(%arg19 : memref<!tpu.dma_semaphore, #tpu.memory_space<semaphore_mem>>) src(%dma_wait3A_174 : memref<80x128xf32, #tpu.memory_space<vmem>>) dst(%dma_wait3A_171 : memref<80x128xf32, #tpu.memory_space<vmem_shared>>)
    %dma_wait3A_175 = arith.constant 0 : i32
    %dma_wait3A_176 = arith.constant 0 : i32
    %dma_wait3A_177 = tpu.memref_slice %arg8[%dma_wait3A_175, %dma_wait3A_176] : memref<320x128xf32, #tpu.memory_space<vmem>> -> memref<80x128xf32, #tpu.memory_space<vmem>>
    %dma_wait3A_178 = arith.constant 0 : i32
    %dma_wait3A_179 = arith.constant 0 : i32
    %dma_wait3A_180 = tpu.memref_slice %arg9[%dma_wait3A_178, %dma_wait3A_179] : memref<10240x128xf32, #tpu.memory_space<vmem_shared>> -> memref<80x128xf32, #tpu.memory_space<vmem_shared>>
    %dma_wait3A_181 = arith.constant 0 : i32
    %dma_wait3A_182 = arith.constant 0 : i32
    %dma_wait3A_183 = tpu.memref_slice %arg9[%dma_wait3A_181, %dma_wait3A_182] : memref<10240x128xf32, #tpu.memory_space<vmem_shared>> -> memref<80x128xf32, #tpu.memory_space<vmem_shared>>
    %dma_wait3A_184 = arith.constant 0 : i32
    %dma_wait3A_185 = arith.constant 0 : i32
    %dma_wait3A_186 = tpu.memref_slice %arg8[%dma_wait3A_184, %dma_wait3A_185] : memref<320x128xf32, #tpu.memory_space<vmem>> -> memref<80x128xf32, #tpu.memory_space<vmem>>
    tpu.wait_dma2 semaphore(%arg19 : memref<!tpu.dma_semaphore, #tpu.memory_space<semaphore_mem>>) src(%dma_wait3A_186 : memref<80x128xf32, #tpu.memory_space<vmem>>) dst(%dma_wait3A_183 : memref<80x128xf32, #tpu.memory_space<vmem_shared>>)
    %dma_wait3A_187 = arith.constant 0 : i32
    %dma_wait3A_188 = arith.constant 0 : i32
    %dma_wait3A_189 = tpu.memref_slice %arg8[%dma_wait3A_187, %dma_wait3A_188] : memref<320x128xf32, #tpu.memory_space<vmem>> -> memref<80x128xf32, #tpu.memory_space<vmem>>
    %dma_wait3A_190 = arith.constant 0 : i32
    %dma_wait3A_191 = arith.constant 0 : i32
    %dma_wait3A_192 = tpu.memref_slice %arg9[%dma_wait3A_190, %dma_wait3A_191] : memref<10240x128xf32, #tpu.memory_space<vmem_shared>> -> memref<80x128xf32, #tpu.memory_space<vmem_shared>>
    %dma_wait3A_193 = arith.constant 0 : i32
    %dma_wait3A_194 = arith.constant 0 : i32
    %dma_wait3A_195 = tpu.memref_slice %arg9[%dma_wait3A_193, %dma_wait3A_194] : memref<10240x128xf32, #tpu.memory_space<vmem_shared>> -> memref<80x128xf32, #tpu.memory_space<vmem_shared>>
    %dma_wait3A_196 = arith.constant 0 : i32
    %dma_wait3A_197 = arith.constant 0 : i32
    %dma_wait3A_198 = tpu.memref_slice %arg8[%dma_wait3A_196, %dma_wait3A_197] : memref<320x128xf32, #tpu.memory_space<vmem>> -> memref<80x128xf32, #tpu.memory_space<vmem>>
    tpu.wait_dma2 semaphore(%arg19 : memref<!tpu.dma_semaphore, #tpu.memory_space<semaphore_mem>>) src(%dma_wait3A_198 : memref<80x128xf32, #tpu.memory_space<vmem>>) dst(%dma_wait3A_195 : memref<80x128xf32, #tpu.memory_space<vmem_shared>>)
    %dma_wait3A_199 = arith.constant 0 : i32
    %dma_wait3A_200 = arith.constant 0 : i32
    %dma_wait3A_201 = tpu.memref_slice %arg8[%dma_wait3A_199, %dma_wait3A_200] : memref<320x128xf32, #tpu.memory_space<vmem>> -> memref<80x128xf32, #tpu.memory_space<vmem>>
    %dma_wait3A_202 = arith.constant 0 : i32
    %dma_wait3A_203 = arith.constant 0 : i32
    %dma_wait3A_204 = tpu.memref_slice %arg9[%dma_wait3A_202, %dma_wait3A_203] : memref<10240x128xf32, #tpu.memory_space<vmem_shared>> -> memref<80x128xf32, #tpu.memory_space<vmem_shared>>
    %dma_wait3A_205 = arith.constant 0 : i32
    %dma_wait3A_206 = arith.constant 0 : i32
    %dma_wait3A_207 = tpu.memref_slice %arg9[%dma_wait3A_205, %dma_wait3A_206] : memref<10240x128xf32, #tpu.memory_space<vmem_shared>> -> memref<80x128xf32, #tpu.memory_space<vmem_shared>>
    %dma_wait3A_208 = arith.constant 0 : i32
    %dma_wait3A_209 = arith.constant 0 : i32
    %dma_wait3A_210 = tpu.memref_slice %arg8[%dma_wait3A_208, %dma_wait3A_209] : memref<320x128xf32, #tpu.memory_space<vmem>> -> memref<80x128xf32, #tpu.memory_space<vmem>>
    tpu.wait_dma2 semaphore(%arg19 : memref<!tpu.dma_semaphore, #tpu.memory_space<semaphore_mem>>) src(%dma_wait3A_210 : memref<80x128xf32, #tpu.memory_space<vmem>>) dst(%dma_wait3A_207 : memref<80x128xf32, #tpu.memory_space<vmem_shared>>)
    %run_scoped3A = arith.constant 0 : i32
    "tpu.region"() ({
      %run_scoped3A_424 = tpu.sem_alloc : memref<!tpu.dma_semaphore, #tpu.memory_space<semaphore_mem>>
      %dma_start3A_425 = arith.constant 0 : i32
      %dma_start3A_426 = arith.constant 0 : i32
      %dma_start3A_427 = tpu.memref_slice %arg6[%run_scoped3A, %dma_start3A_425, %dma_start3A_426] : memref<2x8x80xi32, #tpu.memory_space<vmem>> -> memref<1x8x80xi32, #tpu.memory_space<vmem>>
      %dma_start3A_428 = tpu.memref_squeeze %dma_start3A_427 : memref<1x8x80xi32, #tpu.memory_space<vmem>> -> memref<8x80xi32, #tpu.memory_space<vmem>>
      %dma_start3A_429 = arith.constant 0 : i32
      %dma_start3A_430 = arith.constant 0 : i32
      %dma_start3A_431 = tpu.memref_slice %arg3[%add3A, %dma_start3A_429, %dma_start3A_430] : memref<32x128x80xi32, #tpu.memory_space<hbm>> -> memref<1x8x80xi32, #tpu.memory_space<hbm>>
      %dma_start3A_432 = tpu.memref_squeeze %dma_start3A_431 : memref<1x8x80xi32, #tpu.memory_space<hbm>> -> memref<8x80xi32, #tpu.memory_space<hbm>>
      %dma_start3A_433 = arith.constant 0 : i32
      %dma_start3A_434 = arith.constant 0 : i32
      %dma_start3A_435 = tpu.memref_slice %arg6[%run_scoped3A, %dma_start3A_433, %dma_start3A_434] : memref<2x8x80xi32, #tpu.memory_space<vmem>> -> memref<1x8x80xi32, #tpu.memory_space<vmem>>
      %dma_start3A_436 = tpu.memref_squeeze %dma_start3A_435 : memref<1x8x80xi32, #tpu.memory_space<vmem>> -> memref<8x80xi32, #tpu.memory_space<vmem>>
      %dma_start3A_437 = arith.constant 0 : i32
      %dma_start3A_438 = arith.constant 0 : i32
      %dma_start3A_439 = tpu.memref_slice %arg3[%add3A, %dma_start3A_437, %dma_start3A_438] : memref<32x128x80xi32, #tpu.memory_space<hbm>> -> memref<1x8x80xi32, #tpu.memory_space<hbm>>
      %dma_start3A_440 = tpu.memref_squeeze %dma_start3A_439 : memref<1x8x80xi32, #tpu.memory_space<hbm>> -> memref<8x80xi32, #tpu.memory_space<hbm>>
      tpu.enqueue_dma source(%dma_start3A_440 : memref<8x80xi32, #tpu.memory_space<hbm>>) target(%dma_start3A_436 : memref<8x80xi32, #tpu.memory_space<vmem>>) target_semaphore(%run_scoped3A_424 : memref<!tpu.dma_semaphore, #tpu.memory_space<semaphore_mem>>)
      %dma_wait3A_441 = arith.constant 0 : i32
      %dma_wait3A_442 = arith.constant 0 : i32
      %dma_wait3A_443 = tpu.memref_slice %arg6[%run_scoped3A, %dma_wait3A_441, %dma_wait3A_442] : memref<2x8x80xi32, #tpu.memory_space<vmem>> -> memref<1x8x80xi32, #tpu.memory_space<vmem>>
      %dma_wait3A_444 = tpu.memref_squeeze %dma_wait3A_443 : memref<1x8x80xi32, #tpu.memory_space<vmem>> -> memref<8x80xi32, #tpu.memory_space<vmem>>
      %dma_wait3A_445 = arith.constant 0 : i32
      %dma_wait3A_446 = arith.constant 0 : i32
      %dma_wait3A_447 = tpu.memref_slice %arg3[%add3A, %dma_wait3A_445, %dma_wait3A_446] : memref<32x128x80xi32, #tpu.memory_space<hbm>> -> memref<1x8x80xi32, #tpu.memory_space<hbm>>
      %dma_wait3A_448 = tpu.memref_squeeze %dma_wait3A_447 : memref<1x8x80xi32, #tpu.memory_space<hbm>> -> memref<8x80xi32, #tpu.memory_space<hbm>>
      %dma_wait3A_449 = arith.constant 0 : i32
      %dma_wait3A_450 = arith.constant 0 : i32
      %dma_wait3A_451 = tpu.memref_slice %arg6[%run_scoped3A, %dma_wait3A_449, %dma_wait3A_450] : memref<2x8x80xi32, #tpu.memory_space<vmem>> -> memref<1x8x80xi32, #tpu.memory_space<vmem>>
      %dma_wait3A_452 = tpu.memref_squeeze %dma_wait3A_451 : memref<1x8x80xi32, #tpu.memory_space<vmem>> -> memref<8x80xi32, #tpu.memory_space<vmem>>
      %dma_wait3A_453 = arith.constant 0 : i32
      %dma_wait3A_454 = arith.constant 0 : i32
      %dma_wait3A_455 = tpu.memref_slice %arg3[%add3A, %dma_wait3A_453, %dma_wait3A_454] : memref<32x128x80xi32, #tpu.memory_space<hbm>> -> memref<1x8x80xi32, #tpu.memory_space<hbm>>
      %dma_wait3A_456 = tpu.memref_squeeze %dma_wait3A_455 : memref<1x8x80xi32, #tpu.memory_space<hbm>> -> memref<8x80xi32, #tpu.memory_space<hbm>>
      tpu.wait_dma2 semaphore(%run_scoped3A_424 : memref<!tpu.dma_semaphore, #tpu.memory_space<semaphore_mem>>) src(%dma_wait3A_456 : memref<8x80xi32, #tpu.memory_space<hbm>>) dst(%dma_wait3A_452 : memref<8x80xi32, #tpu.memory_space<vmem>>)
      tpu.yield
    }) : () -> ()
    %run_scoped3A_211 = arith.constant 0 : i32
    "tpu.region"() ({
      %run_scoped3A_424 = tpu.sem_alloc : memref<!tpu.dma_semaphore, #tpu.memory_space<semaphore_mem>>
      %dma_start3A_425 = arith.constant 0 : i32
      %dma_start3A_426 = arith.constant 0 : i32
      %dma_start3A_427 = tpu.memref_slice %arg7[%run_scoped3A_211, %dma_start3A_425, %dma_start3A_426] : memref<2x8x80xi32, #tpu.memory_space<vmem>> -> memref<1x8x80xi32, #tpu.memory_space<vmem>>
      %dma_start3A_428 = tpu.memref_squeeze %dma_start3A_427 : memref<1x8x80xi32, #tpu.memory_space<vmem>> -> memref<8x80xi32, #tpu.memory_space<vmem>>
      %dma_start3A_429 = arith.constant 0 : i32
      %dma_start3A_430 = arith.constant 0 : i32
      %dma_start3A_431 = tpu.memref_slice %arg4[%add3A, %dma_start3A_429, %dma_start3A_430] : memref<32x128x80xi32, #tpu.memory_space<hbm>> -> memref<1x8x80xi32, #tpu.memory_space<hbm>>
      %dma_start3A_432 = tpu.memref_squeeze %dma_start3A_431 : memref<1x8x80xi32, #tpu.memory_space<hbm>> -> memref<8x80xi32, #tpu.memory_space<hbm>>
      %dma_start3A_433 = arith.constant 0 : i32
      %dma_start3A_434 = arith.constant 0 : i32
      %dma_start3A_435 = tpu.memref_slice %arg7[%run_scoped3A_211, %dma_start3A_433, %dma_start3A_434] : memref<2x8x80xi32, #tpu.memory_space<vmem>> -> memref<1x8x80xi32, #tpu.memory_space<vmem>>
      %dma_start3A_436 = tpu.memref_squeeze %dma_start3A_435 : memref<1x8x80xi32, #tpu.memory_space<vmem>> -> memref<8x80xi32, #tpu.memory_space<vmem>>
      %dma_start3A_437 = arith.constant 0 : i32
      %dma_start3A_438 = arith.constant 0 : i32
      %dma_start3A_439 = tpu.memref_slice %arg4[%add3A, %dma_start3A_437, %dma_start3A_438] : memref<32x128x80xi32, #tpu.memory_space<hbm>> -> memref<1x8x80xi32, #tpu.memory_space<hbm>>
      %dma_start3A_440 = tpu.memref_squeeze %dma_start3A_439 : memref<1x8x80xi32, #tpu.memory_space<hbm>> -> memref<8x80xi32, #tpu.memory_space<hbm>>
      tpu.enqueue_dma source(%dma_start3A_440 : memref<8x80xi32, #tpu.memory_space<hbm>>) target(%dma_start3A_436 : memref<8x80xi32, #tpu.memory_space<vmem>>) target_semaphore(%run_scoped3A_424 : memref<!tpu.dma_semaphore, #tpu.memory_space<semaphore_mem>>)
      %dma_wait3A_441 = arith.constant 0 : i32
      %dma_wait3A_442 = arith.constant 0 : i32
      %dma_wait3A_443 = tpu.memref_slice %arg7[%run_scoped3A_211, %dma_wait3A_441, %dma_wait3A_442] : memref<2x8x80xi32, #tpu.memory_space<vmem>> -> memref<1x8x80xi32, #tpu.memory_space<vmem>>
      %dma_wait3A_444 = tpu.memref_squeeze %dma_wait3A_443 : memref<1x8x80xi32, #tpu.memory_space<vmem>> -> memref<8x80xi32, #tpu.memory_space<vmem>>
      %dma_wait3A_445 = arith.constant 0 : i32
      %dma_wait3A_446 = arith.constant 0 : i32
      %dma_wait3A_447 = tpu.memref_slice %arg4[%add3A, %dma_wait3A_445, %dma_wait3A_446] : memref<32x128x80xi32, #tpu.memory_space<hbm>> -> memref<1x8x80xi32, #tpu.memory_space<hbm>>
      %dma_wait3A_448 = tpu.memref_squeeze %dma_wait3A_447 : memref<1x8x80xi32, #tpu.memory_space<hbm>> -> memref<8x80xi32, #tpu.memory_space<hbm>>
      %dma_wait3A_449 = arith.constant 0 : i32
      %dma_wait3A_450 = arith.constant 0 : i32
      %dma_wait3A_451 = tpu.memref_slice %arg7[%run_scoped3A_211, %dma_wait3A_449, %dma_wait3A_450] : memref<2x8x80xi32, #tpu.memory_space<vmem>> -> memref<1x8x80xi32, #tpu.memory_space<vmem>>
      %dma_wait3A_452 = tpu.memref_squeeze %dma_wait3A_451 : memref<1x8x80xi32, #tpu.memory_space<vmem>> -> memref<8x80xi32, #tpu.memory_space<vmem>>
      %dma_wait3A_453 = arith.constant 0 : i32
      %dma_wait3A_454 = arith.constant 0 : i32
      %dma_wait3A_455 = tpu.memref_slice %arg4[%add3A, %dma_wait3A_453, %dma_wait3A_454] : memref<32x128x80xi32, #tpu.memory_space<hbm>> -> memref<1x8x80xi32, #tpu.memory_space<hbm>>
      %dma_wait3A_456 = tpu.memref_squeeze %dma_wait3A_455 : memref<1x8x80xi32, #tpu.memory_space<hbm>> -> memref<8x80xi32, #tpu.memory_space<hbm>>
      tpu.wait_dma2 semaphore(%run_scoped3A_424 : memref<!tpu.dma_semaphore, #tpu.memory_space<semaphore_mem>>) src(%dma_wait3A_456 : memref<8x80xi32, #tpu.memory_space<hbm>>) dst(%dma_wait3A_452 : memref<8x80xi32, #tpu.memory_space<vmem>>)
      tpu.yield
    }) : () -> ()
    %dma_start3A_212 = arith.constant 1 : i32
    %dma_start3A_213 = arith.constant 0 : i32
    %dma_start3A_214 = arith.constant 0 : i32
    %dma_start3A_215 = tpu.memref_slice %arg6[%dma_start3A_212, %dma_start3A_213, %dma_start3A_214] : memref<2x8x80xi32, #tpu.memory_space<vmem>> -> memref<1x8x80xi32, #tpu.memory_space<vmem>>
    %dma_start3A_216 = tpu.memref_squeeze %dma_start3A_215 : memref<1x8x80xi32, #tpu.memory_space<vmem>> -> memref<8x80xi32, #tpu.memory_space<vmem>>
    %dma_start3A_217 = arith.constant 8 : i32
    %dma_start3A_218 = arith.constant 0 : i32
    %dma_start3A_219 = tpu.memref_slice %arg3[%add3A, %dma_start3A_217, %dma_start3A_218] : memref<32x128x80xi32, #tpu.memory_space<hbm>> -> memref<1x8x80xi32, #tpu.memory_space<hbm>>
    %dma_start3A_220 = tpu.memref_squeeze %dma_start3A_219 : memref<1x8x80xi32, #tpu.memory_space<hbm>> -> memref<8x80xi32, #tpu.memory_space<hbm>>
    %dma_start3A_221 = arith.constant 0 : i32
    %dma_start3A_222 = arith.constant 0 : i32
    %dma_start3A_223 = tpu.memref_slice %arg6[%dma_start3A_212, %dma_start3A_221, %dma_start3A_222] : memref<2x8x80xi32, #tpu.memory_space<vmem>> -> memref<1x8x80xi32, #tpu.memory_space<vmem>>
    %dma_start3A_224 = tpu.memref_squeeze %dma_start3A_223 : memref<1x8x80xi32, #tpu.memory_space<vmem>> -> memref<8x80xi32, #tpu.memory_space<vmem>>
    %dma_start3A_225 = arith.constant 8 : i32
    %dma_start3A_226 = arith.constant 0 : i32
    %dma_start3A_227 = tpu.memref_slice %arg3[%add3A, %dma_start3A_225, %dma_start3A_226] : memref<32x128x80xi32, #tpu.memory_space<hbm>> -> memref<1x8x80xi32, #tpu.memory_space<hbm>>
    %dma_start3A_228 = tpu.memref_squeeze %dma_start3A_227 : memref<1x8x80xi32, #tpu.memory_space<hbm>> -> memref<8x80xi32, #tpu.memory_space<hbm>>
    tpu.enqueue_dma source(%dma_start3A_228 : memref<8x80xi32, #tpu.memory_space<hbm>>) target(%dma_start3A_224 : memref<8x80xi32, #tpu.memory_space<vmem>>) target_semaphore(%arg18 : memref<!tpu.dma_semaphore, #tpu.memory_space<semaphore_mem>>)
    %dma_start3A_229 = arith.constant 1 : i32
    %dma_start3A_230 = arith.constant 0 : i32
    %dma_start3A_231 = arith.constant 0 : i32
    %dma_start3A_232 = tpu.memref_slice %arg7[%dma_start3A_229, %dma_start3A_230, %dma_start3A_231] : memref<2x8x80xi32, #tpu.memory_space<vmem>> -> memref<1x8x80xi32, #tpu.memory_space<vmem>>
    %dma_start3A_233 = tpu.memref_squeeze %dma_start3A_232 : memref<1x8x80xi32, #tpu.memory_space<vmem>> -> memref<8x80xi32, #tpu.memory_space<vmem>>
    %dma_start3A_234 = arith.constant 8 : i32
    %dma_start3A_235 = arith.constant 0 : i32
    %dma_start3A_236 = tpu.memref_slice %arg4[%add3A, %dma_start3A_234, %dma_start3A_235] : memref<32x128x80xi32, #tpu.memory_space<hbm>> -> memref<1x8x80xi32, #tpu.memory_space<hbm>>
    %dma_start3A_237 = tpu.memref_squeeze %dma_start3A_236 : memref<1x8x80xi32, #tpu.memory_space<hbm>> -> memref<8x80xi32, #tpu.memory_space<hbm>>
    %dma_start3A_238 = arith.constant 0 : i32
    %dma_start3A_239 = arith.constant 0 : i32
    %dma_start3A_240 = tpu.memref_slice %arg7[%dma_start3A_229, %dma_start3A_238, %dma_start3A_239] : memref<2x8x80xi32, #tpu.memory_space<vmem>> -> memref<1x8x80xi32, #tpu.memory_space<vmem>>
    %dma_start3A_241 = tpu.memref_squeeze %dma_start3A_240 : memref<1x8x80xi32, #tpu.memory_space<vmem>> -> memref<8x80xi32, #tpu.memory_space<vmem>>
    %dma_start3A_242 = arith.constant 8 : i32
    %dma_start3A_243 = arith.constant 0 : i32
    %dma_start3A_244 = tpu.memref_slice %arg4[%add3A, %dma_start3A_242, %dma_start3A_243] : memref<32x128x80xi32, #tpu.memory_space<hbm>> -> memref<1x8x80xi32, #tpu.memory_space<hbm>>
    %dma_start3A_245 = tpu.memref_squeeze %dma_start3A_244 : memref<1x8x80xi32, #tpu.memory_space<hbm>> -> memref<8x80xi32, #tpu.memory_space<hbm>>
    tpu.enqueue_dma source(%dma_start3A_245 : memref<8x80xi32, #tpu.memory_space<hbm>>) target(%dma_start3A_241 : memref<8x80xi32, #tpu.memory_space<vmem>>) target_semaphore(%arg18 : memref<!tpu.dma_semaphore, #tpu.memory_space<semaphore_mem>>)
    %dma_start3A_246 = arith.constant 0 : i32
    %dma_start3A_247 = arith.constant 0 : i32
    %dma_start3A_248 = arith.constant 0 : i32
    %dma_start3A_249 = arith.constant 0 : i32
    %dma_start3A_250 = tpu.memref_slice %arg8[%dma_start3A_248, %dma_start3A_249] : memref<320x128xf32, #tpu.memory_space<vmem>> -> memref<80x128xf32, #tpu.memory_space<vmem>>
    %dma_start3A_251 = arith.constant 0 : i32
    %dma_start3A_252 = tpu.memref_slice %arg6[%dma_start3A_246, %dma_start3A_247, %dma_start3A_251] : memref<2x8x80xi32, #tpu.memory_space<vmem>> -> memref<1x1x80xi32, #tpu.memory_space<vmem>>
    %dma_start3A_253 = tpu.memref_squeeze %dma_start3A_252 : memref<1x1x80xi32, #tpu.memory_space<vmem>> -> memref<80xi32, #tpu.memory_space<vmem>>
    %dma_start3A_254 = arith.constant 0 : i32
    %dma_start3A_255 = arith.constant 0 : i32
    %dma_start3A_256 = tpu.memref_slice %arg2[%dma_start3A_254, %dma_start3A_255] : memref<10240x128xf32, #tpu.memory_space<hbm>> -> memref<10240x128xf32, #tpu.memory_space<hbm>>
    tpu.enqueue_indirect_dma source(%dma_start3A_256 : memref<10240x128xf32, #tpu.memory_space<hbm>>) target(%dma_start3A_250 : memref<80x128xf32, #tpu.memory_space<vmem>>) offsets(%dma_start3A_253 : memref<80xi32, #tpu.memory_space<vmem>>) semaphore(%arg10 : memref<!tpu.dma_semaphore, #tpu.memory_space<semaphore_mem>>)
    %dma_start3A_257 = arith.constant 0 : i32
    %dma_start3A_258 = arith.constant 1 : i32
    %dma_start3A_259 = arith.constant 80 : i32
    %dma_start3A_260 = arith.constant 0 : i32
    %dma_start3A_261 = tpu.memref_slice %arg8[%dma_start3A_259, %dma_start3A_260] : memref<320x128xf32, #tpu.memory_space<vmem>> -> memref<80x128xf32, #tpu.memory_space<vmem>>
    %dma_start3A_262 = arith.constant 0 : i32
    %dma_start3A_263 = tpu.memref_slice %arg6[%dma_start3A_257, %dma_start3A_258, %dma_start3A_262] : memref<2x8x80xi32, #tpu.memory_space<vmem>> -> memref<1x1x80xi32, #tpu.memory_space<vmem>>
    %dma_start3A_264 = tpu.memref_squeeze %dma_start3A_263 : memref<1x1x80xi32, #tpu.memory_space<vmem>> -> memref<80xi32, #tpu.memory_space<vmem>>
    %dma_start3A_265 = arith.constant 0 : i32
    %dma_start3A_266 = arith.constant 0 : i32
    %dma_start3A_267 = tpu.memref_slice %arg2[%dma_start3A_265, %dma_start3A_266] : memref<10240x128xf32, #tpu.memory_space<hbm>> -> memref<10240x128xf32, #tpu.memory_space<hbm>>
    tpu.enqueue_indirect_dma source(%dma_start3A_267 : memref<10240x128xf32, #tpu.memory_space<hbm>>) target(%dma_start3A_261 : memref<80x128xf32, #tpu.memory_space<vmem>>) offsets(%dma_start3A_264 : memref<80xi32, #tpu.memory_space<vmem>>) semaphore(%arg11 : memref<!tpu.dma_semaphore, #tpu.memory_space<semaphore_mem>>)
    %barrier3A = arith.constant 0 : index
    tpu.barrier barrier_id(%barrier3A)
    %scan3A_268 = arith.constant 0 : i32
    %scan3A_269 = arith.constant 16 : i32
    %scan3A_270 = arith.addi %scan3A_268, %scan3A_269 : i32
    %scan3A_271 = arith.constant 1 : i32
    scf.for %scan3A_424 = %scan3A_268 to %scan3A_270 step %scan3A_271  : i32 {
      %mul3A_425 = arith.constant 1 : i32
      %mul3A_426 = arith.muli %scan3A_424, %mul3A_425 : i32
      %add3A_427 = arith.constant 0 : i32
      %add3A_428 = arith.addi %add3A_427, %mul3A_426 : i32
      %jit3A = arith.constant 2 : i32
      %eq3A = arith.constant 0 : i32
      %eq3A_429 = arith.cmpi eq, %jit3A, %eq3A : i32
      %jit3A_430 = arith.constant 1 : i32
      %select_n3A = arith.select %eq3A_429, %jit3A_430, %jit3A : i32
      %rem3A = arith.remsi %add3A_428, %select_n3A : i32
      %ne3A = arith.constant 0 : i32
      %ne3A_431 = arith.cmpi ne, %rem3A, %ne3A : i32
      %lt3A = arith.constant 0 : i32
      %lt3A_432 = arith.cmpi slt, %rem3A, %lt3A : i32
      %lt3A_433 = arith.constant 0 : i32
      %lt3A_434 = arith.cmpi slt, %select_n3A, %lt3A_433 : i32
      %ne3A_435 = arith.xori %lt3A_432, %lt3A_434 : i1
      %and3A = arith.andi %ne3A_435, %ne3A_431 : i1
      %add3A_436 = arith.addi %rem3A, %select_n3A : i32
      %select_n3A_437 = arith.select %and3A, %add3A_436, %rem3A : i32
      %gt3A = arith.constant 0 : i32
      %gt3A_438 = arith.cmpi sgt, %add3A_428, %gt3A : i32
      %convert_element_type3A = arith.extui %gt3A_438 : i1 to i32
      %cond3A = arith.constant 0 : i32
      %cond3A_439 = arith.cmpi ne, %convert_element_type3A, %cond3A : i32
      scf.if %cond3A_439 {
        %dma_wait3A_762 = arith.constant 0 : i32
        %dma_wait3A_763 = arith.constant 0 : i32
        %dma_wait3A_764 = arith.constant 160 : i32
        %dma_wait3A_765 = arith.constant 0 : i32
        %dma_wait3A_766 = tpu.memref_slice %arg8[%dma_wait3A_764, %dma_wait3A_765] : memref<320x128xf32, #tpu.memory_space<vmem>> -> memref<80x128xf32, #tpu.memory_space<vmem>>
        %dma_wait3A_767 = arith.constant 0 : i32
        %dma_wait3A_768 = tpu.memref_slice %arg7[%dma_wait3A_762, %dma_wait3A_763, %dma_wait3A_767] : memref<2x8x80xi32, #tpu.memory_space<vmem>> -> memref<1x1x80xi32, #tpu.memory_space<vmem>>
        %dma_wait3A_769 = tpu.memref_squeeze %dma_wait3A_768 : memref<1x1x80xi32, #tpu.memory_space<vmem>> -> memref<80xi32, #tpu.memory_space<vmem>>
        %dma_wait3A_770 = arith.constant 0 : i32
        %dma_wait3A_771 = arith.constant 0 : i32
        %dma_wait3A_772 = tpu.memref_slice %arg9[%dma_wait3A_770, %dma_wait3A_771] : memref<10240x128xf32, #tpu.memory_space<vmem_shared>> -> memref<10240x128xf32, #tpu.memory_space<vmem_shared>>
        tpu.wait_indirect_dma semaphore(%arg16 : memref<!tpu.dma_semaphore, #tpu.memory_space<semaphore_mem>>) src(%dma_wait3A_766 : memref<80x128xf32, #tpu.memory_space<vmem>>) dst(%dma_wait3A_772 : memref<10240x128xf32, #tpu.memory_space<vmem_shared>>)
      } else {
      }
      %dma_start3A_440 = arith.constant 2 : i32
      %dma_start3A_441 = arith.constant 160 : i32
      %dma_start3A_442 = arith.constant 0 : i32
      %dma_start3A_443 = tpu.memref_slice %arg8[%dma_start3A_441, %dma_start3A_442] : memref<320x128xf32, #tpu.memory_space<vmem>> -> memref<80x128xf32, #tpu.memory_space<vmem>>
      %dma_start3A_444 = arith.constant 0 : i32
      %dma_start3A_445 = tpu.memref_slice %arg6[%select_n3A_437, %dma_start3A_440, %dma_start3A_444] : memref<2x8x80xi32, #tpu.memory_space<vmem>> -> memref<1x1x80xi32, #tpu.memory_space<vmem>>
      %dma_start3A_446 = tpu.memref_squeeze %dma_start3A_445 : memref<1x1x80xi32, #tpu.memory_space<vmem>> -> memref<80xi32, #tpu.memory_space<vmem>>
      %dma_start3A_447 = arith.constant 0 : i32
      %dma_start3A_448 = arith.constant 0 : i32
      %dma_start3A_449 = tpu.memref_slice %arg2[%dma_start3A_447, %dma_start3A_448] : memref<10240x128xf32, #tpu.memory_space<hbm>> -> memref<10240x128xf32, #tpu.memory_space<hbm>>
      tpu.enqueue_indirect_dma source(%dma_start3A_449 : memref<10240x128xf32, #tpu.memory_space<hbm>>) target(%dma_start3A_443 : memref<80x128xf32, #tpu.memory_space<vmem>>) offsets(%dma_start3A_446 : memref<80xi32, #tpu.memory_space<vmem>>) semaphore(%arg12 : memref<!tpu.dma_semaphore, #tpu.memory_space<semaphore_mem>>)
      %dma_wait3A_450 = arith.constant 0 : i32
      %dma_wait3A_451 = arith.constant 0 : i32
      %dma_wait3A_452 = arith.constant 0 : i32
      %dma_wait3A_453 = arith.constant 0 : i32
      %dma_wait3A_454 = tpu.memref_slice %arg8[%dma_wait3A_452, %dma_wait3A_453] : memref<320x128xf32, #tpu.memory_space<vmem>> -> memref<80x128xf32, #tpu.memory_space<vmem>>
      %dma_wait3A_455 = arith.constant 0 : i32
      %dma_wait3A_456 = tpu.memref_slice %arg6[%dma_wait3A_450, %dma_wait3A_451, %dma_wait3A_455] : memref<2x8x80xi32, #tpu.memory_space<vmem>> -> memref<1x1x80xi32, #tpu.memory_space<vmem>>
      %dma_wait3A_457 = tpu.memref_squeeze %dma_wait3A_456 : memref<1x1x80xi32, #tpu.memory_space<vmem>> -> memref<80xi32, #tpu.memory_space<vmem>>
      %dma_wait3A_458 = arith.constant 0 : i32
      %dma_wait3A_459 = arith.constant 0 : i32
      %dma_wait3A_460 = tpu.memref_slice %arg2[%dma_wait3A_458, %dma_wait3A_459] : memref<10240x128xf32, #tpu.memory_space<hbm>> -> memref<10240x128xf32, #tpu.memory_space<hbm>>
      tpu.wait_indirect_dma semaphore(%arg10 : memref<!tpu.dma_semaphore, #tpu.memory_space<semaphore_mem>>) src(%dma_wait3A_460 : memref<10240x128xf32, #tpu.memory_space<hbm>>) dst(%dma_wait3A_454 : memref<80x128xf32, #tpu.memory_space<vmem>>)
      %dma_start3A_461 = arith.constant 0 : i32
      %dma_start3A_462 = arith.constant 0 : i32
      %dma_start3A_463 = arith.constant 0 : i32
      %dma_start3A_464 = tpu.memref_slice %arg8[%dma_start3A_462, %dma_start3A_463] : memref<320x128xf32, #tpu.memory_space<vmem>> -> memref<80x128xf32, #tpu.memory_space<vmem>>
      %dma_start3A_465 = arith.constant 0 : i32
      %dma_start3A_466 = tpu.memref_slice %arg7[%select_n3A_437, %dma_start3A_461, %dma_start3A_465] : memref<2x8x80xi32, #tpu.memory_space<vmem>> -> memref<1x1x80xi32, #tpu.memory_space<vmem>>
      %dma_start3A_467 = tpu.memref_squeeze %dma_start3A_466 : memref<1x1x80xi32, #tpu.memory_space<vmem>> -> memref<80xi32, #tpu.memory_space<vmem>>
      %dma_start3A_468 = arith.constant 0 : i32
      %dma_start3A_469 = arith.constant 0 : i32
      %dma_start3A_470 = tpu.memref_slice %arg9[%dma_start3A_468, %dma_start3A_469] : memref<10240x128xf32, #tpu.memory_space<vmem_shared>> -> memref<10240x128xf32, #tpu.memory_space<vmem_shared>>
      tpu.enqueue_indirect_dma source(%dma_start3A_464 : memref<80x128xf32, #tpu.memory_space<vmem>>) target(%dma_start3A_470 : memref<10240x128xf32, #tpu.memory_space<vmem_shared>>) offsets(%dma_start3A_467 : memref<80xi32, #tpu.memory_space<vmem>>) semaphore(%arg14 : memref<!tpu.dma_semaphore, #tpu.memory_space<semaphore_mem>>) {add = true}
      %gt3A_471 = arith.constant 0 : i32
      %gt3A_472 = arith.cmpi sgt, %add3A_428, %gt3A_471 : i32
      %convert_element_type3A_473 = arith.extui %gt3A_472 : i1 to i32
      %cond3A_474 = arith.constant 0 : i32
      %cond3A_475 = arith.cmpi ne, %convert_element_type3A_473, %cond3A_474 : i32
      scf.if %cond3A_475 {
        %dma_wait3A_762 = arith.constant 0 : i32
        %dma_wait3A_763 = arith.constant 0 : i32
        %dma_wait3A_764 = arith.constant 240 : i32
        %dma_wait3A_765 = arith.constant 0 : i32
        %dma_wait3A_766 = tpu.memref_slice %arg8[%dma_wait3A_764, %dma_wait3A_765] : memref<320x128xf32, #tpu.memory_space<vmem>> -> memref<80x128xf32, #tpu.memory_space<vmem>>
        %dma_wait3A_767 = arith.constant 0 : i32
        %dma_wait3A_768 = tpu.memref_slice %arg7[%dma_wait3A_762, %dma_wait3A_763, %dma_wait3A_767] : memref<2x8x80xi32, #tpu.memory_space<vmem>> -> memref<1x1x80xi32, #tpu.memory_space<vmem>>
        %dma_wait3A_769 = tpu.memref_squeeze %dma_wait3A_768 : memref<1x1x80xi32, #tpu.memory_space<vmem>> -> memref<80xi32, #tpu.memory_space<vmem>>
        %dma_wait3A_770 = arith.constant 0 : i32
        %dma_wait3A_771 = arith.constant 0 : i32
        %dma_wait3A_772 = tpu.memref_slice %arg9[%dma_wait3A_770, %dma_wait3A_771] : memref<10240x128xf32, #tpu.memory_space<vmem_shared>> -> memref<10240x128xf32, #tpu.memory_space<vmem_shared>>
        tpu.wait_indirect_dma semaphore(%arg17 : memref<!tpu.dma_semaphore, #tpu.memory_space<semaphore_mem>>) src(%dma_wait3A_766 : memref<80x128xf32, #tpu.memory_space<vmem>>) dst(%dma_wait3A_772 : memref<10240x128xf32, #tpu.memory_space<vmem_shared>>)
      } else {
      }
      %dma_start3A_476 = arith.constant 3 : i32
      %dma_start3A_477 = arith.constant 240 : i32
      %dma_start3A_478 = arith.constant 0 : i32
      %dma_start3A_479 = tpu.memref_slice %arg8[%dma_start3A_477, %dma_start3A_478] : memref<320x128xf32, #tpu.memory_space<vmem>> -> memref<80x128xf32, #tpu.memory_space<vmem>>
      %dma_start3A_480 = arith.constant 0 : i32
      %dma_start3A_481 = tpu.memref_slice %arg6[%select_n3A_437, %dma_start3A_476, %dma_start3A_480] : memref<2x8x80xi32, #tpu.memory_space<vmem>> -> memref<1x1x80xi32, #tpu.memory_space<vmem>>
      %dma_start3A_482 = tpu.memref_squeeze %dma_start3A_481 : memref<1x1x80xi32, #tpu.memory_space<vmem>> -> memref<80xi32, #tpu.memory_space<vmem>>
      %dma_start3A_483 = arith.constant 0 : i32
      %dma_start3A_484 = arith.constant 0 : i32
      %dma_start3A_485 = tpu.memref_slice %arg2[%dma_start3A_483, %dma_start3A_484] : memref<10240x128xf32, #tpu.memory_space<hbm>> -> memref<10240x128xf32, #tpu.memory_space<hbm>>
      tpu.enqueue_indirect_dma source(%dma_start3A_485 : memref<10240x128xf32, #tpu.memory_space<hbm>>) target(%dma_start3A_479 : memref<80x128xf32, #tpu.memory_space<vmem>>) offsets(%dma_start3A_482 : memref<80xi32, #tpu.memory_space<vmem>>) semaphore(%arg13 : memref<!tpu.dma_semaphore, #tpu.memory_space<semaphore_mem>>)
      %dma_wait3A_486 = arith.constant 0 : i32
      %dma_wait3A_487 = arith.constant 0 : i32
      %dma_wait3A_488 = arith.constant 80 : i32
      %dma_wait3A_489 = arith.constant 0 : i32
      %dma_wait3A_490 = tpu.memref_slice %arg8[%dma_wait3A_488, %dma_wait3A_489] : memref<320x128xf32, #tpu.memory_space<vmem>> -> memref<80x128xf32, #tpu.memory_space<vmem>>
      %dma_wait3A_491 = arith.constant 0 : i32
      %dma_wait3A_492 = tpu.memref_slice %arg6[%dma_wait3A_486, %dma_wait3A_487, %dma_wait3A_491] : memref<2x8x80xi32, #tpu.memory_space<vmem>> -> memref<1x1x80xi32, #tpu.memory_space<vmem>>
      %dma_wait3A_493 = tpu.memref_squeeze %dma_wait3A_492 : memref<1x1x80xi32, #tpu.memory_space<vmem>> -> memref<80xi32, #tpu.memory_space<vmem>>
      %dma_wait3A_494 = arith.constant 0 : i32
      %dma_wait3A_495 = arith.constant 0 : i32
      %dma_wait3A_496 = tpu.memref_slice %arg2[%dma_wait3A_494, %dma_wait3A_495] : memref<10240x128xf32, #tpu.memory_space<hbm>> -> memref<10240x128xf32, #tpu.memory_space<hbm>>
      tpu.wait_indirect_dma semaphore(%arg11 : memref<!tpu.dma_semaphore, #tpu.memory_space<semaphore_mem>>) src(%dma_wait3A_496 : memref<10240x128xf32, #tpu.memory_space<hbm>>) dst(%dma_wait3A_490 : memref<80x128xf32, #tpu.memory_space<vmem>>)
      %dma_start3A_497 = arith.constant 1 : i32
      %dma_start3A_498 = arith.constant 80 : i32
      %dma_start3A_499 = arith.constant 0 : i32
      %dma_start3A_500 = tpu.memref_slice %arg8[%dma_start3A_498, %dma_start3A_499] : memref<320x128xf32, #tpu.memory_space<vmem>> -> memref<80x128xf32, #tpu.memory_space<vmem>>
      %dma_start3A_501 = arith.constant 0 : i32
      %dma_start3A_502 = tpu.memref_slice %arg7[%select_n3A_437, %dma_start3A_497, %dma_start3A_501] : memref<2x8x80xi32, #tpu.memory_space<vmem>> -> memref<1x1x80xi32, #tpu.memory_space<vmem>>
      %dma_start3A_503 = tpu.memref_squeeze %dma_start3A_502 : memref<1x1x80xi32, #tpu.memory_space<vmem>> -> memref<80xi32, #tpu.memory_space<vmem>>
      %dma_start3A_504 = arith.constant 0 : i32
      %dma_start3A_505 = arith.constant 0 : i32
      %dma_start3A_506 = tpu.memref_slice %arg9[%dma_start3A_504, %dma_start3A_505] : memref<10240x128xf32, #tpu.memory_space<vmem_shared>> -> memref<10240x128xf32, #tpu.memory_space<vmem_shared>>
      tpu.enqueue_indirect_dma source(%dma_start3A_500 : memref<80x128xf32, #tpu.memory_space<vmem>>) target(%dma_start3A_506 : memref<10240x128xf32, #tpu.memory_space<vmem_shared>>) offsets(%dma_start3A_503 : memref<80xi32, #tpu.memory_space<vmem>>) semaphore(%arg15 : memref<!tpu.dma_semaphore, #tpu.memory_space<semaphore_mem>>) {add = true}
      %dma_wait3A_507 = arith.constant 0 : i32
      %dma_wait3A_508 = arith.constant 0 : i32
      %dma_wait3A_509 = arith.constant 0 : i32
      %dma_wait3A_510 = arith.constant 0 : i32
      %dma_wait3A_511 = tpu.memref_slice %arg8[%dma_wait3A_509, %dma_wait3A_510] : memref<320x128xf32, #tpu.memory_space<vmem>> -> memref<80x128xf32, #tpu.memory_space<vmem>>
      %dma_wait3A_512 = arith.constant 0 : i32
      %dma_wait3A_513 = tpu.memref_slice %arg7[%dma_wait3A_507, %dma_wait3A_508, %dma_wait3A_512] : memref<2x8x80xi32, #tpu.memory_space<vmem>> -> memref<1x1x80xi32, #tpu.memory_space<vmem>>
      %dma_wait3A_514 = tpu.memref_squeeze %dma_wait3A_513 : memref<1x1x80xi32, #tpu.memory_space<vmem>> -> memref<80xi32, #tpu.memory_space<vmem>>
      %dma_wait3A_515 = arith.constant 0 : i32
      %dma_wait3A_516 = arith.constant 0 : i32
      %dma_wait3A_517 = tpu.memref_slice %arg9[%dma_wait3A_515, %dma_wait3A_516] : memref<10240x128xf32, #tpu.memory_space<vmem_shared>> -> memref<10240x128xf32, #tpu.memory_space<vmem_shared>>
      tpu.wait_indirect_dma semaphore(%arg14 : memref<!tpu.dma_semaphore, #tpu.memory_space<semaphore_mem>>) src(%dma_wait3A_511 : memref<80x128xf32, #tpu.memory_space<vmem>>) dst(%dma_wait3A_517 : memref<10240x128xf32, #tpu.memory_space<vmem_shared>>)
      %gt3A_518 = arith.constant 0 : i32
      %gt3A_519 = arith.cmpi sgt, %add3A_428, %gt3A_518 : i32
      %lt3A_520 = arith.constant 15 : i32
      %lt3A_521 = arith.cmpi slt, %add3A_428, %lt3A_520 : i32
      %and3A_522 = arith.andi %gt3A_519, %lt3A_521 : i1
      %convert_element_type3A_523 = arith.extui %and3A_522 : i1 to i32
      %cond3A_524 = arith.constant 0 : i32
      %cond3A_525 = arith.cmpi ne, %convert_element_type3A_523, %cond3A_524 : i32
      scf.if %cond3A_525 {
        %add3A_762 = arith.constant 1 : i32
        %add3A_763 = arith.addi %add3A_428, %add3A_762 : i32
        %sub3A = arith.constant 1 : i32
        %sub3A_764 = arith.subi %sub3A, %select_n3A_437 : i32
        %mul3A_765 = arith.constant 8 : i32
        %mul3A_766 = arith.muli %add3A_763, %mul3A_765 : i32
        %dma_start3A_767 = arith.constant 0 : i32
        %dma_start3A_768 = arith.constant 0 : i32
        %dma_start3A_769 = tpu.memref_slice %arg6[%sub3A_764, %dma_start3A_767, %dma_start3A_768] : memref<2x8x80xi32, #tpu.memory_space<vmem>> -> memref<1x8x80xi32, #tpu.memory_space<vmem>>
        %dma_start3A_770 = tpu.memref_squeeze %dma_start3A_769 : memref<1x8x80xi32, #tpu.memory_space<vmem>> -> memref<8x80xi32, #tpu.memory_space<vmem>>
        %dma_start3A_771 = arith.constant 0 : i32
        %dma_start3A_772 = tpu.memref_slice %arg3[%add3A, %mul3A_766, %dma_start3A_771] : memref<32x128x80xi32, #tpu.memory_space<hbm>> -> memref<1x8x80xi32, #tpu.memory_space<hbm>>
        %dma_start3A_773 = tpu.memref_squeeze %dma_start3A_772 : memref<1x8x80xi32, #tpu.memory_space<hbm>> -> memref<8x80xi32, #tpu.memory_space<hbm>>
        %dma_start3A_774 = arith.constant 0 : i32
        %dma_start3A_775 = arith.constant 0 : i32
        %dma_start3A_776 = tpu.memref_slice %arg6[%sub3A_764, %dma_start3A_774, %dma_start3A_775] : memref<2x8x80xi32, #tpu.memory_space<vmem>> -> memref<1x8x80xi32, #tpu.memory_space<vmem>>
        %dma_start3A_777 = tpu.memref_squeeze %dma_start3A_776 : memref<1x8x80xi32, #tpu.memory_space<vmem>> -> memref<8x80xi32, #tpu.memory_space<vmem>>
        %dma_start3A_778 = arith.constant 0 : i32
        %dma_start3A_779 = tpu.memref_slice %arg3[%add3A, %mul3A_766, %dma_start3A_778] : memref<32x128x80xi32, #tpu.memory_space<hbm>> -> memref<1x8x80xi32, #tpu.memory_space<hbm>>
        %dma_start3A_780 = tpu.memref_squeeze %dma_start3A_779 : memref<1x8x80xi32, #tpu.memory_space<hbm>> -> memref<8x80xi32, #tpu.memory_space<hbm>>
        tpu.enqueue_dma source(%dma_start3A_780 : memref<8x80xi32, #tpu.memory_space<hbm>>) target(%dma_start3A_777 : memref<8x80xi32, #tpu.memory_space<vmem>>) target_semaphore(%arg18 : memref<!tpu.dma_semaphore, #tpu.memory_space<semaphore_mem>>)
        %mul3A_781 = arith.constant 8 : i32
        %mul3A_782 = arith.muli %add3A_763, %mul3A_781 : i32
        %dma_start3A_783 = arith.constant 0 : i32
        %dma_start3A_784 = arith.constant 0 : i32
        %dma_start3A_785 = tpu.memref_slice %arg7[%sub3A_764, %dma_start3A_783, %dma_start3A_784] : memref<2x8x80xi32, #tpu.memory_space<vmem>> -> memref<1x8x80xi32, #tpu.memory_space<vmem>>
        %dma_start3A_786 = tpu.memref_squeeze %dma_start3A_785 : memref<1x8x80xi32, #tpu.memory_space<vmem>> -> memref<8x80xi32, #tpu.memory_space<vmem>>
        %dma_start3A_787 = arith.constant 0 : i32
        %dma_start3A_788 = tpu.memref_slice %arg4[%add3A, %mul3A_782, %dma_start3A_787] : memref<32x128x80xi32, #tpu.memory_space<hbm>> -> memref<1x8x80xi32, #tpu.memory_space<hbm>>
        %dma_start3A_789 = tpu.memref_squeeze %dma_start3A_788 : memref<1x8x80xi32, #tpu.memory_space<hbm>> -> memref<8x80xi32, #tpu.memory_space<hbm>>
        %dma_start3A_790 = arith.constant 0 : i32
        %dma_start3A_791 = arith.constant 0 : i32
        %dma_start3A_792 = tpu.memref_slice %arg7[%sub3A_764, %dma_start3A_790, %dma_start3A_791] : memref<2x8x80xi32, #tpu.memory_space<vmem>> -> memref<1x8x80xi32, #tpu.memory_space<vmem>>
        %dma_start3A_793 = tpu.memref_squeeze %dma_start3A_792 : memref<1x8x80xi32, #tpu.memory_space<vmem>> -> memref<8x80xi32, #tpu.memory_space<vmem>>
        %dma_start3A_794 = arith.constant 0 : i32
        %dma_start3A_795 = tpu.memref_slice %arg4[%add3A, %mul3A_782, %dma_start3A_794] : memref<32x128x80xi32, #tpu.memory_space<hbm>> -> memref<1x8x80xi32, #tpu.memory_space<hbm>>
        %dma_start3A_796 = tpu.memref_squeeze %dma_start3A_795 : memref<1x8x80xi32, #tpu.memory_space<hbm>> -> memref<8x80xi32, #tpu.memory_space<hbm>>
        tpu.enqueue_dma source(%dma_start3A_796 : memref<8x80xi32, #tpu.memory_space<hbm>>) target(%dma_start3A_793 : memref<8x80xi32, #tpu.memory_space<vmem>>) target_semaphore(%arg18 : memref<!tpu.dma_semaphore, #tpu.memory_space<semaphore_mem>>)
      } else {
      }
      %dma_start3A_526 = arith.constant 4 : i32
      %dma_start3A_527 = arith.constant 0 : i32
      %dma_start3A_528 = arith.constant 0 : i32
      %dma_start3A_529 = tpu.memref_slice %arg8[%dma_start3A_527, %dma_start3A_528] : memref<320x128xf32, #tpu.memory_space<vmem>> -> memref<80x128xf32, #tpu.memory_space<vmem>>
      %dma_start3A_530 = arith.constant 0 : i32
      %dma_start3A_531 = tpu.memref_slice %arg6[%select_n3A_437, %dma_start3A_526, %dma_start3A_530] : memref<2x8x80xi32, #tpu.memory_space<vmem>> -> memref<1x1x80xi32, #tpu.memory_space<vmem>>
      %dma_start3A_532 = tpu.memref_squeeze %dma_start3A_531 : memref<1x1x80xi32, #tpu.memory_space<vmem>> -> memref<80xi32, #tpu.memory_space<vmem>>
      %dma_start3A_533 = arith.constant 0 : i32
      %dma_start3A_534 = arith.constant 0 : i32
      %dma_start3A_535 = tpu.memref_slice %arg2[%dma_start3A_533, %dma_start3A_534] : memref<10240x128xf32, #tpu.memory_space<hbm>> -> memref<10240x128xf32, #tpu.memory_space<hbm>>
      tpu.enqueue_indirect_dma source(%dma_start3A_535 : memref<10240x128xf32, #tpu.memory_space<hbm>>) target(%dma_start3A_529 : memref<80x128xf32, #tpu.memory_space<vmem>>) offsets(%dma_start3A_532 : memref<80xi32, #tpu.memory_space<vmem>>) semaphore(%arg10 : memref<!tpu.dma_semaphore, #tpu.memory_space<semaphore_mem>>)
      %dma_wait3A_536 = arith.constant 0 : i32
      %dma_wait3A_537 = arith.constant 0 : i32
      %dma_wait3A_538 = arith.constant 160 : i32
      %dma_wait3A_539 = arith.constant 0 : i32
      %dma_wait3A_540 = tpu.memref_slice %arg8[%dma_wait3A_538, %dma_wait3A_539] : memref<320x128xf32, #tpu.memory_space<vmem>> -> memref<80x128xf32, #tpu.memory_space<vmem>>
      %dma_wait3A_541 = arith.constant 0 : i32
      %dma_wait3A_542 = tpu.memref_slice %arg6[%dma_wait3A_536, %dma_wait3A_537, %dma_wait3A_541] : memref<2x8x80xi32, #tpu.memory_space<vmem>> -> memref<1x1x80xi32, #tpu.memory_space<vmem>>
      %dma_wait3A_543 = tpu.memref_squeeze %dma_wait3A_542 : memref<1x1x80xi32, #tpu.memory_space<vmem>> -> memref<80xi32, #tpu.memory_space<vmem>>
      %dma_wait3A_544 = arith.constant 0 : i32
      %dma_wait3A_545 = arith.constant 0 : i32
      %dma_wait3A_546 = tpu.memref_slice %arg2[%dma_wait3A_544, %dma_wait3A_545] : memref<10240x128xf32, #tpu.memory_space<hbm>> -> memref<10240x128xf32, #tpu.memory_space<hbm>>
      tpu.wait_indirect_dma semaphore(%arg12 : memref<!tpu.dma_semaphore, #tpu.memory_space<semaphore_mem>>) src(%dma_wait3A_546 : memref<10240x128xf32, #tpu.memory_space<hbm>>) dst(%dma_wait3A_540 : memref<80x128xf32, #tpu.memory_space<vmem>>)
      %dma_start3A_547 = arith.constant 2 : i32
      %dma_start3A_548 = arith.constant 160 : i32
      %dma_start3A_549 = arith.constant 0 : i32
      %dma_start3A_550 = tpu.memref_slice %arg8[%dma_start3A_548, %dma_start3A_549] : memref<320x128xf32, #tpu.memory_space<vmem>> -> memref<80x128xf32, #tpu.memory_space<vmem>>
      %dma_start3A_551 = arith.constant 0 : i32
      %dma_start3A_552 = tpu.memref_slice %arg7[%select_n3A_437, %dma_start3A_547, %dma_start3A_551] : memref<2x8x80xi32, #tpu.memory_space<vmem>> -> memref<1x1x80xi32, #tpu.memory_space<vmem>>
      %dma_start3A_553 = tpu.memref_squeeze %dma_start3A_552 : memref<1x1x80xi32, #tpu.memory_space<vmem>> -> memref<80xi32, #tpu.memory_space<vmem>>
      %dma_start3A_554 = arith.constant 0 : i32
      %dma_start3A_555 = arith.constant 0 : i32
      %dma_start3A_556 = tpu.memref_slice %arg9[%dma_start3A_554, %dma_start3A_555] : memref<10240x128xf32, #tpu.memory_space<vmem_shared>> -> memref<10240x128xf32, #tpu.memory_space<vmem_shared>>
      tpu.enqueue_indirect_dma source(%dma_start3A_550 : memref<80x128xf32, #tpu.memory_space<vmem>>) target(%dma_start3A_556 : memref<10240x128xf32, #tpu.memory_space<vmem_shared>>) offsets(%dma_start3A_553 : memref<80xi32, #tpu.memory_space<vmem>>) semaphore(%arg16 : memref<!tpu.dma_semaphore, #tpu.memory_space<semaphore_mem>>) {add = true}
      %dma_wait3A_557 = arith.constant 0 : i32
      %dma_wait3A_558 = arith.constant 0 : i32
      %dma_wait3A_559 = arith.constant 80 : i32
      %dma_wait3A_560 = arith.constant 0 : i32
      %dma_wait3A_561 = tpu.memref_slice %arg8[%dma_wait3A_559, %dma_wait3A_560] : memref<320x128xf32, #tpu.memory_space<vmem>> -> memref<80x128xf32, #tpu.memory_space<vmem>>
      %dma_wait3A_562 = arith.constant 0 : i32
      %dma_wait3A_563 = tpu.memref_slice %arg7[%dma_wait3A_557, %dma_wait3A_558, %dma_wait3A_562] : memref<2x8x80xi32, #tpu.memory_space<vmem>> -> memref<1x1x80xi32, #tpu.memory_space<vmem>>
      %dma_wait3A_564 = tpu.memref_squeeze %dma_wait3A_563 : memref<1x1x80xi32, #tpu.memory_space<vmem>> -> memref<80xi32, #tpu.memory_space<vmem>>
      %dma_wait3A_565 = arith.constant 0 : i32
      %dma_wait3A_566 = arith.constant 0 : i32
      %dma_wait3A_567 = tpu.memref_slice %arg9[%dma_wait3A_565, %dma_wait3A_566] : memref<10240x128xf32, #tpu.memory_space<vmem_shared>> -> memref<10240x128xf32, #tpu.memory_space<vmem_shared>>
      tpu.wait_indirect_dma semaphore(%arg15 : memref<!tpu.dma_semaphore, #tpu.memory_space<semaphore_mem>>) src(%dma_wait3A_561 : memref<80x128xf32, #tpu.memory_space<vmem>>) dst(%dma_wait3A_567 : memref<10240x128xf32, #tpu.memory_space<vmem_shared>>)
      %dma_start3A_568 = arith.constant 5 : i32
      %dma_start3A_569 = arith.constant 80 : i32
      %dma_start3A_570 = arith.constant 0 : i32
      %dma_start3A_571 = tpu.memref_slice %arg8[%dma_start3A_569, %dma_start3A_570] : memref<320x128xf32, #tpu.memory_space<vmem>> -> memref<80x128xf32, #tpu.memory_space<vmem>>
      %dma_start3A_572 = arith.constant 0 : i32
      %dma_start3A_573 = tpu.memref_slice %arg6[%select_n3A_437, %dma_start3A_568, %dma_start3A_572] : memref<2x8x80xi32, #tpu.memory_space<vmem>> -> memref<1x1x80xi32, #tpu.memory_space<vmem>>
      %dma_start3A_574 = tpu.memref_squeeze %dma_start3A_573 : memref<1x1x80xi32, #tpu.memory_space<vmem>> -> memref<80xi32, #tpu.memory_space<vmem>>
      %dma_start3A_575 = arith.constant 0 : i32
      %dma_start3A_576 = arith.constant 0 : i32
      %dma_start3A_577 = tpu.memref_slice %arg2[%dma_start3A_575, %dma_start3A_576] : memref<10240x128xf32, #tpu.memory_space<hbm>> -> memref<10240x128xf32, #tpu.memory_space<hbm>>
      tpu.enqueue_indirect_dma source(%dma_start3A_577 : memref<10240x128xf32, #tpu.memory_space<hbm>>) target(%dma_start3A_571 : memref<80x128xf32, #tpu.memory_space<vmem>>) offsets(%dma_start3A_574 : memref<80xi32, #tpu.memory_space<vmem>>) semaphore(%arg11 : memref<!tpu.dma_semaphore, #tpu.memory_space<semaphore_mem>>)
      %dma_wait3A_578 = arith.constant 0 : i32
      %dma_wait3A_579 = arith.constant 0 : i32
      %dma_wait3A_580 = arith.constant 240 : i32
      %dma_wait3A_581 = arith.constant 0 : i32
      %dma_wait3A_582 = tpu.memref_slice %arg8[%dma_wait3A_580, %dma_wait3A_581] : memref<320x128xf32, #tpu.memory_space<vmem>> -> memref<80x128xf32, #tpu.memory_space<vmem>>
      %dma_wait3A_583 = arith.constant 0 : i32
      %dma_wait3A_584 = tpu.memref_slice %arg6[%dma_wait3A_578, %dma_wait3A_579, %dma_wait3A_583] : memref<2x8x80xi32, #tpu.memory_space<vmem>> -> memref<1x1x80xi32, #tpu.memory_space<vmem>>
      %dma_wait3A_585 = tpu.memref_squeeze %dma_wait3A_584 : memref<1x1x80xi32, #tpu.memory_space<vmem>> -> memref<80xi32, #tpu.memory_space<vmem>>
      %dma_wait3A_586 = arith.constant 0 : i32
      %dma_wait3A_587 = arith.constant 0 : i32
      %dma_wait3A_588 = tpu.memref_slice %arg2[%dma_wait3A_586, %dma_wait3A_587] : memref<10240x128xf32, #tpu.memory_space<hbm>> -> memref<10240x128xf32, #tpu.memory_space<hbm>>
      tpu.wait_indirect_dma semaphore(%arg13 : memref<!tpu.dma_semaphore, #tpu.memory_space<semaphore_mem>>) src(%dma_wait3A_588 : memref<10240x128xf32, #tpu.memory_space<hbm>>) dst(%dma_wait3A_582 : memref<80x128xf32, #tpu.memory_space<vmem>>)
      %dma_start3A_589 = arith.constant 3 : i32
      %dma_start3A_590 = arith.constant 240 : i32
      %dma_start3A_591 = arith.constant 0 : i32
      %dma_start3A_592 = tpu.memref_slice %arg8[%dma_start3A_590, %dma_start3A_591] : memref<320x128xf32, #tpu.memory_space<vmem>> -> memref<80x128xf32, #tpu.memory_space<vmem>>
      %dma_start3A_593 = arith.constant 0 : i32
      %dma_start3A_594 = tpu.memref_slice %arg7[%select_n3A_437, %dma_start3A_589, %dma_start3A_593] : memref<2x8x80xi32, #tpu.memory_space<vmem>> -> memref<1x1x80xi32, #tpu.memory_space<vmem>>
      %dma_start3A_595 = tpu.memref_squeeze %dma_start3A_594 : memref<1x1x80xi32, #tpu.memory_space<vmem>> -> memref<80xi32, #tpu.memory_space<vmem>>
      %dma_start3A_596 = arith.constant 0 : i32
      %dma_start3A_597 = arith.constant 0 : i32
      %dma_start3A_598 = tpu.memref_slice %arg9[%dma_start3A_596, %dma_start3A_597] : memref<10240x128xf32, #tpu.memory_space<vmem_shared>> -> memref<10240x128xf32, #tpu.memory_space<vmem_shared>>
      tpu.enqueue_indirect_dma source(%dma_start3A_592 : memref<80x128xf32, #tpu.memory_space<vmem>>) target(%dma_start3A_598 : memref<10240x128xf32, #tpu.memory_space<vmem_shared>>) offsets(%dma_start3A_595 : memref<80xi32, #tpu.memory_space<vmem>>) semaphore(%arg17 : memref<!tpu.dma_semaphore, #tpu.memory_space<semaphore_mem>>) {add = true}
      %dma_wait3A_599 = arith.constant 0 : i32
      %dma_wait3A_600 = arith.constant 0 : i32
      %dma_wait3A_601 = arith.constant 160 : i32
      %dma_wait3A_602 = arith.constant 0 : i32
      %dma_wait3A_603 = tpu.memref_slice %arg8[%dma_wait3A_601, %dma_wait3A_602] : memref<320x128xf32, #tpu.memory_space<vmem>> -> memref<80x128xf32, #tpu.memory_space<vmem>>
      %dma_wait3A_604 = arith.constant 0 : i32
      %dma_wait3A_605 = tpu.memref_slice %arg7[%dma_wait3A_599, %dma_wait3A_600, %dma_wait3A_604] : memref<2x8x80xi32, #tpu.memory_space<vmem>> -> memref<1x1x80xi32, #tpu.memory_space<vmem>>
      %dma_wait3A_606 = tpu.memref_squeeze %dma_wait3A_605 : memref<1x1x80xi32, #tpu.memory_space<vmem>> -> memref<80xi32, #tpu.memory_space<vmem>>
      %dma_wait3A_607 = arith.constant 0 : i32
      %dma_wait3A_608 = arith.constant 0 : i32
      %dma_wait3A_609 = tpu.memref_slice %arg9[%dma_wait3A_607, %dma_wait3A_608] : memref<10240x128xf32, #tpu.memory_space<vmem_shared>> -> memref<10240x128xf32, #tpu.memory_space<vmem_shared>>
      tpu.wait_indirect_dma semaphore(%arg16 : memref<!tpu.dma_semaphore, #tpu.memory_space<semaphore_mem>>) src(%dma_wait3A_603 : memref<80x128xf32, #tpu.memory_space<vmem>>) dst(%dma_wait3A_609 : memref<10240x128xf32, #tpu.memory_space<vmem_shared>>)
      %dma_start3A_610 = arith.constant 6 : i32
      %dma_start3A_611 = arith.constant 160 : i32
      %dma_start3A_612 = arith.constant 0 : i32
      %dma_start3A_613 = tpu.memref_slice %arg8[%dma_start3A_611, %dma_start3A_612] : memref<320x128xf32, #tpu.memory_space<vmem>> -> memref<80x128xf32, #tpu.memory_space<vmem>>
      %dma_start3A_614 = arith.constant 0 : i32
      %dma_start3A_615 = tpu.memref_slice %arg6[%select_n3A_437, %dma_start3A_610, %dma_start3A_614] : memref<2x8x80xi32, #tpu.memory_space<vmem>> -> memref<1x1x80xi32, #tpu.memory_space<vmem>>
      %dma_start3A_616 = tpu.memref_squeeze %dma_start3A_615 : memref<1x1x80xi32, #tpu.memory_space<vmem>> -> memref<80xi32, #tpu.memory_space<vmem>>
      %dma_start3A_617 = arith.constant 0 : i32
      %dma_start3A_618 = arith.constant 0 : i32
      %dma_start3A_619 = tpu.memref_slice %arg2[%dma_start3A_617, %dma_start3A_618] : memref<10240x128xf32, #tpu.memory_space<hbm>> -> memref<10240x128xf32, #tpu.memory_space<hbm>>
      tpu.enqueue_indirect_dma source(%dma_start3A_619 : memref<10240x128xf32, #tpu.memory_space<hbm>>) target(%dma_start3A_613 : memref<80x128xf32, #tpu.memory_space<vmem>>) offsets(%dma_start3A_616 : memref<80xi32, #tpu.memory_space<vmem>>) semaphore(%arg12 : memref<!tpu.dma_semaphore, #tpu.memory_space<semaphore_mem>>)
      %dma_wait3A_620 = arith.constant 0 : i32
      %dma_wait3A_621 = arith.constant 0 : i32
      %dma_wait3A_622 = arith.constant 0 : i32
      %dma_wait3A_623 = arith.constant 0 : i32
      %dma_wait3A_624 = tpu.memref_slice %arg8[%dma_wait3A_622, %dma_wait3A_623] : memref<320x128xf32, #tpu.memory_space<vmem>> -> memref<80x128xf32, #tpu.memory_space<vmem>>
      %dma_wait3A_625 = arith.constant 0 : i32
      %dma_wait3A_626 = tpu.memref_slice %arg6[%dma_wait3A_620, %dma_wait3A_621, %dma_wait3A_625] : memref<2x8x80xi32, #tpu.memory_space<vmem>> -> memref<1x1x80xi32, #tpu.memory_space<vmem>>
      %dma_wait3A_627 = tpu.memref_squeeze %dma_wait3A_626 : memref<1x1x80xi32, #tpu.memory_space<vmem>> -> memref<80xi32, #tpu.memory_space<vmem>>
      %dma_wait3A_628 = arith.constant 0 : i32
      %dma_wait3A_629 = arith.constant 0 : i32
      %dma_wait3A_630 = tpu.memref_slice %arg2[%dma_wait3A_628, %dma_wait3A_629] : memref<10240x128xf32, #tpu.memory_space<hbm>> -> memref<10240x128xf32, #tpu.memory_space<hbm>>
      tpu.wait_indirect_dma semaphore(%arg10 : memref<!tpu.dma_semaphore, #tpu.memory_space<semaphore_mem>>) src(%dma_wait3A_630 : memref<10240x128xf32, #tpu.memory_space<hbm>>) dst(%dma_wait3A_624 : memref<80x128xf32, #tpu.memory_space<vmem>>)
      %dma_start3A_631 = arith.constant 4 : i32
      %dma_start3A_632 = arith.constant 0 : i32
      %dma_start3A_633 = arith.constant 0 : i32
      %dma_start3A_634 = tpu.memref_slice %arg8[%dma_start3A_632, %dma_start3A_633] : memref<320x128xf32, #tpu.memory_space<vmem>> -> memref<80x128xf32, #tpu.memory_space<vmem>>
      %dma_start3A_635 = arith.constant 0 : i32
      %dma_start3A_636 = tpu.memref_slice %arg7[%select_n3A_437, %dma_start3A_631, %dma_start3A_635] : memref<2x8x80xi32, #tpu.memory_space<vmem>> -> memref<1x1x80xi32, #tpu.memory_space<vmem>>
      %dma_start3A_637 = tpu.memref_squeeze %dma_start3A_636 : memref<1x1x80xi32, #tpu.memory_space<vmem>> -> memref<80xi32, #tpu.memory_space<vmem>>
      %dma_start3A_638 = arith.constant 0 : i32
      %dma_start3A_639 = arith.constant 0 : i32
      %dma_start3A_640 = tpu.memref_slice %arg9[%dma_start3A_638, %dma_start3A_639] : memref<10240x128xf32, #tpu.memory_space<vmem_shared>> -> memref<10240x128xf32, #tpu.memory_space<vmem_shared>>
      tpu.enqueue_indirect_dma source(%dma_start3A_634 : memref<80x128xf32, #tpu.memory_space<vmem>>) target(%dma_start3A_640 : memref<10240x128xf32, #tpu.memory_space<vmem_shared>>) offsets(%dma_start3A_637 : memref<80xi32, #tpu.memory_space<vmem>>) semaphore(%arg14 : memref<!tpu.dma_semaphore, #tpu.memory_space<semaphore_mem>>) {add = true}
      %dma_wait3A_641 = arith.constant 0 : i32
      %dma_wait3A_642 = arith.constant 0 : i32
      %dma_wait3A_643 = arith.constant 240 : i32
      %dma_wait3A_644 = arith.constant 0 : i32
      %dma_wait3A_645 = tpu.memref_slice %arg8[%dma_wait3A_643, %dma_wait3A_644] : memref<320x128xf32, #tpu.memory_space<vmem>> -> memref<80x128xf32, #tpu.memory_space<vmem>>
      %dma_wait3A_646 = arith.constant 0 : i32
      %dma_wait3A_647 = tpu.memref_slice %arg7[%dma_wait3A_641, %dma_wait3A_642, %dma_wait3A_646] : memref<2x8x80xi32, #tpu.memory_space<vmem>> -> memref<1x1x80xi32, #tpu.memory_space<vmem>>
      %dma_wait3A_648 = tpu.memref_squeeze %dma_wait3A_647 : memref<1x1x80xi32, #tpu.memory_space<vmem>> -> memref<80xi32, #tpu.memory_space<vmem>>
      %dma_wait3A_649 = arith.constant 0 : i32
      %dma_wait3A_650 = arith.constant 0 : i32
      %dma_wait3A_651 = tpu.memref_slice %arg9[%dma_wait3A_649, %dma_wait3A_650] : memref<10240x128xf32, #tpu.memory_space<vmem_shared>> -> memref<10240x128xf32, #tpu.memory_space<vmem_shared>>
      tpu.wait_indirect_dma semaphore(%arg17 : memref<!tpu.dma_semaphore, #tpu.memory_space<semaphore_mem>>) src(%dma_wait3A_645 : memref<80x128xf32, #tpu.memory_space<vmem>>) dst(%dma_wait3A_651 : memref<10240x128xf32, #tpu.memory_space<vmem_shared>>)
      %dma_start3A_652 = arith.constant 7 : i32
      %dma_start3A_653 = arith.constant 240 : i32
      %dma_start3A_654 = arith.constant 0 : i32
      %dma_start3A_655 = tpu.memref_slice %arg8[%dma_start3A_653, %dma_start3A_654] : memref<320x128xf32, #tpu.memory_space<vmem>> -> memref<80x128xf32, #tpu.memory_space<vmem>>
      %dma_start3A_656 = arith.constant 0 : i32
      %dma_start3A_657 = tpu.memref_slice %arg6[%select_n3A_437, %dma_start3A_652, %dma_start3A_656] : memref<2x8x80xi32, #tpu.memory_space<vmem>> -> memref<1x1x80xi32, #tpu.memory_space<vmem>>
      %dma_start3A_658 = tpu.memref_squeeze %dma_start3A_657 : memref<1x1x80xi32, #tpu.memory_space<vmem>> -> memref<80xi32, #tpu.memory_space<vmem>>
      %dma_start3A_659 = arith.constant 0 : i32
      %dma_start3A_660 = arith.constant 0 : i32
      %dma_start3A_661 = tpu.memref_slice %arg2[%dma_start3A_659, %dma_start3A_660] : memref<10240x128xf32, #tpu.memory_space<hbm>> -> memref<10240x128xf32, #tpu.memory_space<hbm>>
      tpu.enqueue_indirect_dma source(%dma_start3A_661 : memref<10240x128xf32, #tpu.memory_space<hbm>>) target(%dma_start3A_655 : memref<80x128xf32, #tpu.memory_space<vmem>>) offsets(%dma_start3A_658 : memref<80xi32, #tpu.memory_space<vmem>>) semaphore(%arg13 : memref<!tpu.dma_semaphore, #tpu.memory_space<semaphore_mem>>)
      %dma_wait3A_662 = arith.constant 0 : i32
      %dma_wait3A_663 = arith.constant 0 : i32
      %dma_wait3A_664 = arith.constant 80 : i32
      %dma_wait3A_665 = arith.constant 0 : i32
      %dma_wait3A_666 = tpu.memref_slice %arg8[%dma_wait3A_664, %dma_wait3A_665] : memref<320x128xf32, #tpu.memory_space<vmem>> -> memref<80x128xf32, #tpu.memory_space<vmem>>
      %dma_wait3A_667 = arith.constant 0 : i32
      %dma_wait3A_668 = tpu.memref_slice %arg6[%dma_wait3A_662, %dma_wait3A_663, %dma_wait3A_667] : memref<2x8x80xi32, #tpu.memory_space<vmem>> -> memref<1x1x80xi32, #tpu.memory_space<vmem>>
      %dma_wait3A_669 = tpu.memref_squeeze %dma_wait3A_668 : memref<1x1x80xi32, #tpu.memory_space<vmem>> -> memref<80xi32, #tpu.memory_space<vmem>>
      %dma_wait3A_670 = arith.constant 0 : i32
      %dma_wait3A_671 = arith.constant 0 : i32
      %dma_wait3A_672 = tpu.memref_slice %arg2[%dma_wait3A_670, %dma_wait3A_671] : memref<10240x128xf32, #tpu.memory_space<hbm>> -> memref<10240x128xf32, #tpu.memory_space<hbm>>
      tpu.wait_indirect_dma semaphore(%arg11 : memref<!tpu.dma_semaphore, #tpu.memory_space<semaphore_mem>>) src(%dma_wait3A_672 : memref<10240x128xf32, #tpu.memory_space<hbm>>) dst(%dma_wait3A_666 : memref<80x128xf32, #tpu.memory_space<vmem>>)
      %dma_start3A_673 = arith.constant 5 : i32
      %dma_start3A_674 = arith.constant 80 : i32
      %dma_start3A_675 = arith.constant 0 : i32
      %dma_start3A_676 = tpu.memref_slice %arg8[%dma_start3A_674, %dma_start3A_675] : memref<320x128xf32, #tpu.memory_space<vmem>> -> memref<80x128xf32, #tpu.memory_space<vmem>>
      %dma_start3A_677 = arith.constant 0 : i32
      %dma_start3A_678 = tpu.memref_slice %arg7[%select_n3A_437, %dma_start3A_673, %dma_start3A_677] : memref<2x8x80xi32, #tpu.memory_space<vmem>> -> memref<1x1x80xi32, #tpu.memory_space<vmem>>
      %dma_start3A_679 = tpu.memref_squeeze %dma_start3A_678 : memref<1x1x80xi32, #tpu.memory_space<vmem>> -> memref<80xi32, #tpu.memory_space<vmem>>
      %dma_start3A_680 = arith.constant 0 : i32
      %dma_start3A_681 = arith.constant 0 : i32
      %dma_start3A_682 = tpu.memref_slice %arg9[%dma_start3A_680, %dma_start3A_681] : memref<10240x128xf32, #tpu.memory_space<vmem_shared>> -> memref<10240x128xf32, #tpu.memory_space<vmem_shared>>
      tpu.enqueue_indirect_dma source(%dma_start3A_676 : memref<80x128xf32, #tpu.memory_space<vmem>>) target(%dma_start3A_682 : memref<10240x128xf32, #tpu.memory_space<vmem_shared>>) offsets(%dma_start3A_679 : memref<80xi32, #tpu.memory_space<vmem>>) semaphore(%arg15 : memref<!tpu.dma_semaphore, #tpu.memory_space<semaphore_mem>>) {add = true}
      %dma_wait3A_683 = arith.constant 0 : i32
      %dma_wait3A_684 = arith.constant 0 : i32
      %dma_wait3A_685 = arith.constant 0 : i32
      %dma_wait3A_686 = arith.constant 0 : i32
      %dma_wait3A_687 = tpu.memref_slice %arg8[%dma_wait3A_685, %dma_wait3A_686] : memref<320x128xf32, #tpu.memory_space<vmem>> -> memref<80x128xf32, #tpu.memory_space<vmem>>
      %dma_wait3A_688 = arith.constant 0 : i32
      %dma_wait3A_689 = tpu.memref_slice %arg7[%dma_wait3A_683, %dma_wait3A_684, %dma_wait3A_688] : memref<2x8x80xi32, #tpu.memory_space<vmem>> -> memref<1x1x80xi32, #tpu.memory_space<vmem>>
      %dma_wait3A_690 = tpu.memref_squeeze %dma_wait3A_689 : memref<1x1x80xi32, #tpu.memory_space<vmem>> -> memref<80xi32, #tpu.memory_space<vmem>>
      %dma_wait3A_691 = arith.constant 0 : i32
      %dma_wait3A_692 = arith.constant 0 : i32
      %dma_wait3A_693 = tpu.memref_slice %arg9[%dma_wait3A_691, %dma_wait3A_692] : memref<10240x128xf32, #tpu.memory_space<vmem_shared>> -> memref<10240x128xf32, #tpu.memory_space<vmem_shared>>
      tpu.wait_indirect_dma semaphore(%arg14 : memref<!tpu.dma_semaphore, #tpu.memory_space<semaphore_mem>>) src(%dma_wait3A_687 : memref<80x128xf32, #tpu.memory_space<vmem>>) dst(%dma_wait3A_693 : memref<10240x128xf32, #tpu.memory_space<vmem_shared>>)
      %lt3A_694 = arith.constant 15 : i32
      %lt3A_695 = arith.cmpi slt, %add3A_428, %lt3A_694 : i32
      %convert_element_type3A_696 = arith.extui %lt3A_695 : i1 to i32
      %cond3A_697 = arith.constant 0 : i32
      %cond3A_698 = arith.cmpi ne, %convert_element_type3A_696, %cond3A_697 : i32
      scf.if %cond3A_698 {
        %sub3A = arith.constant 1 : i32
        %sub3A_762 = arith.subi %sub3A, %select_n3A_437 : i32
        %dma_wait3A_763 = arith.constant 0 : i32
        %dma_wait3A_764 = arith.constant 0 : i32
        %dma_wait3A_765 = tpu.memref_slice %arg6[%sub3A_762, %dma_wait3A_763, %dma_wait3A_764] : memref<2x8x80xi32, #tpu.memory_space<vmem>> -> memref<1x8x80xi32, #tpu.memory_space<vmem>>
        %dma_wait3A_766 = tpu.memref_squeeze %dma_wait3A_765 : memref<1x8x80xi32, #tpu.memory_space<vmem>> -> memref<8x80xi32, #tpu.memory_space<vmem>>
        %dma_wait3A_767 = arith.constant 0 : i32
        %dma_wait3A_768 = arith.constant 0 : i32
        %dma_wait3A_769 = tpu.memref_slice %arg3[%add3A, %dma_wait3A_767, %dma_wait3A_768] : memref<32x128x80xi32, #tpu.memory_space<hbm>> -> memref<1x8x80xi32, #tpu.memory_space<hbm>>
        %dma_wait3A_770 = tpu.memref_squeeze %dma_wait3A_769 : memref<1x8x80xi32, #tpu.memory_space<hbm>> -> memref<8x80xi32, #tpu.memory_space<hbm>>
        %dma_wait3A_771 = arith.constant 0 : i32
        %dma_wait3A_772 = arith.constant 0 : i32
        %dma_wait3A_773 = tpu.memref_slice %arg6[%sub3A_762, %dma_wait3A_771, %dma_wait3A_772] : memref<2x8x80xi32, #tpu.memory_space<vmem>> -> memref<1x8x80xi32, #tpu.memory_space<vmem>>
        %dma_wait3A_774 = tpu.memref_squeeze %dma_wait3A_773 : memref<1x8x80xi32, #tpu.memory_space<vmem>> -> memref<8x80xi32, #tpu.memory_space<vmem>>
        %dma_wait3A_775 = arith.constant 0 : i32
        %dma_wait3A_776 = arith.constant 0 : i32
        %dma_wait3A_777 = tpu.memref_slice %arg3[%add3A, %dma_wait3A_775, %dma_wait3A_776] : memref<32x128x80xi32, #tpu.memory_space<hbm>> -> memref<1x8x80xi32, #tpu.memory_space<hbm>>
        %dma_wait3A_778 = tpu.memref_squeeze %dma_wait3A_777 : memref<1x8x80xi32, #tpu.memory_space<hbm>> -> memref<8x80xi32, #tpu.memory_space<hbm>>
        tpu.wait_dma2 semaphore(%arg18 : memref<!tpu.dma_semaphore, #tpu.memory_space<semaphore_mem>>) src(%dma_wait3A_778 : memref<8x80xi32, #tpu.memory_space<hbm>>) dst(%dma_wait3A_774 : memref<8x80xi32, #tpu.memory_space<vmem>>)
        %sub3A_779 = arith.constant 1 : i32
        %sub3A_780 = arith.subi %sub3A_779, %select_n3A_437 : i32
        %dma_wait3A_781 = arith.constant 0 : i32
        %dma_wait3A_782 = arith.constant 0 : i32
        %dma_wait3A_783 = tpu.memref_slice %arg7[%sub3A_780, %dma_wait3A_781, %dma_wait3A_782] : memref<2x8x80xi32, #tpu.memory_space<vmem>> -> memref<1x8x80xi32, #tpu.memory_space<vmem>>
        %dma_wait3A_784 = tpu.memref_squeeze %dma_wait3A_783 : memref<1x8x80xi32, #tpu.memory_space<vmem>> -> memref<8x80xi32, #tpu.memory_space<vmem>>
        %dma_wait3A_785 = arith.constant 0 : i32
        %dma_wait3A_786 = arith.constant 0 : i32
        %dma_wait3A_787 = tpu.memref_slice %arg4[%add3A, %dma_wait3A_785, %dma_wait3A_786] : memref<32x128x80xi32, #tpu.memory_space<hbm>> -> memref<1x8x80xi32, #tpu.memory_space<hbm>>
        %dma_wait3A_788 = tpu.memref_squeeze %dma_wait3A_787 : memref<1x8x80xi32, #tpu.memory_space<hbm>> -> memref<8x80xi32, #tpu.memory_space<hbm>>
        %dma_wait3A_789 = arith.constant 0 : i32
        %dma_wait3A_790 = arith.constant 0 : i32
        %dma_wait3A_791 = tpu.memref_slice %arg7[%sub3A_780, %dma_wait3A_789, %dma_wait3A_790] : memref<2x8x80xi32, #tpu.memory_space<vmem>> -> memref<1x8x80xi32, #tpu.memory_space<vmem>>
        %dma_wait3A_792 = tpu.memref_squeeze %dma_wait3A_791 : memref<1x8x80xi32, #tpu.memory_space<vmem>> -> memref<8x80xi32, #tpu.memory_space<vmem>>
        %dma_wait3A_793 = arith.constant 0 : i32
        %dma_wait3A_794 = arith.constant 0 : i32
        %dma_wait3A_795 = tpu.memref_slice %arg4[%add3A, %dma_wait3A_793, %dma_wait3A_794] : memref<32x128x80xi32, #tpu.memory_space<hbm>> -> memref<1x8x80xi32, #tpu.memory_space<hbm>>
        %dma_wait3A_796 = tpu.memref_squeeze %dma_wait3A_795 : memref<1x8x80xi32, #tpu.memory_space<hbm>> -> memref<8x80xi32, #tpu.memory_space<hbm>>
        tpu.wait_dma2 semaphore(%arg18 : memref<!tpu.dma_semaphore, #tpu.memory_space<semaphore_mem>>) src(%dma_wait3A_796 : memref<8x80xi32, #tpu.memory_space<hbm>>) dst(%dma_wait3A_792 : memref<8x80xi32, #tpu.memory_space<vmem>>)
      } else {
      }
      %lt3A_699 = arith.constant 15 : i32
      %lt3A_700 = arith.cmpi slt, %add3A_428, %lt3A_699 : i32
      %convert_element_type3A_701 = arith.extui %lt3A_700 : i1 to i32
      %cond3A_702 = arith.constant 0 : i32
      %cond3A_703 = arith.cmpi ne, %convert_element_type3A_701, %cond3A_702 : i32
      scf.if %cond3A_703 {
        %sub3A = arith.constant 1 : i32
        %sub3A_762 = arith.subi %sub3A, %select_n3A_437 : i32
        %dma_start3A_763 = arith.constant 0 : i32
        %dma_start3A_764 = arith.constant 0 : i32
        %dma_start3A_765 = arith.constant 0 : i32
        %dma_start3A_766 = tpu.memref_slice %arg8[%dma_start3A_764, %dma_start3A_765] : memref<320x128xf32, #tpu.memory_space<vmem>> -> memref<80x128xf32, #tpu.memory_space<vmem>>
        %dma_start3A_767 = arith.constant 0 : i32
        %dma_start3A_768 = tpu.memref_slice %arg6[%sub3A_762, %dma_start3A_763, %dma_start3A_767] : memref<2x8x80xi32, #tpu.memory_space<vmem>> -> memref<1x1x80xi32, #tpu.memory_space<vmem>>
        %dma_start3A_769 = tpu.memref_squeeze %dma_start3A_768 : memref<1x1x80xi32, #tpu.memory_space<vmem>> -> memref<80xi32, #tpu.memory_space<vmem>>
        %dma_start3A_770 = arith.constant 0 : i32
        %dma_start3A_771 = arith.constant 0 : i32
        %dma_start3A_772 = tpu.memref_slice %arg2[%dma_start3A_770, %dma_start3A_771] : memref<10240x128xf32, #tpu.memory_space<hbm>> -> memref<10240x128xf32, #tpu.memory_space<hbm>>
        tpu.enqueue_indirect_dma source(%dma_start3A_772 : memref<10240x128xf32, #tpu.memory_space<hbm>>) target(%dma_start3A_766 : memref<80x128xf32, #tpu.memory_space<vmem>>) offsets(%dma_start3A_769 : memref<80xi32, #tpu.memory_space<vmem>>) semaphore(%arg10 : memref<!tpu.dma_semaphore, #tpu.memory_space<semaphore_mem>>)
      } else {
      }
      %dma_wait3A_704 = arith.constant 0 : i32
      %dma_wait3A_705 = arith.constant 0 : i32
      %dma_wait3A_706 = arith.constant 160 : i32
      %dma_wait3A_707 = arith.constant 0 : i32
      %dma_wait3A_708 = tpu.memref_slice %arg8[%dma_wait3A_706, %dma_wait3A_707] : memref<320x128xf32, #tpu.memory_space<vmem>> -> memref<80x128xf32, #tpu.memory_space<vmem>>
      %dma_wait3A_709 = arith.constant 0 : i32
      %dma_wait3A_710 = tpu.memref_slice %arg6[%dma_wait3A_704, %dma_wait3A_705, %dma_wait3A_709] : memref<2x8x80xi32, #tpu.memory_space<vmem>> -> memref<1x1x80xi32, #tpu.memory_space<vmem>>
      %dma_wait3A_711 = tpu.memref_squeeze %dma_wait3A_710 : memref<1x1x80xi32, #tpu.memory_space<vmem>> -> memref<80xi32, #tpu.memory_space<vmem>>
      %dma_wait3A_712 = arith.constant 0 : i32
      %dma_wait3A_713 = arith.constant 0 : i32
      %dma_wait3A_714 = tpu.memref_slice %arg2[%dma_wait3A_712, %dma_wait3A_713] : memref<10240x128xf32, #tpu.memory_space<hbm>> -> memref<10240x128xf32, #tpu.memory_space<hbm>>
      tpu.wait_indirect_dma semaphore(%arg12 : memref<!tpu.dma_semaphore, #tpu.memory_space<semaphore_mem>>) src(%dma_wait3A_714 : memref<10240x128xf32, #tpu.memory_space<hbm>>) dst(%dma_wait3A_708 : memref<80x128xf32, #tpu.memory_space<vmem>>)
      %dma_start3A_715 = arith.constant 6 : i32
      %dma_start3A_716 = arith.constant 160 : i32
      %dma_start3A_717 = arith.constant 0 : i32
      %dma_start3A_718 = tpu.memref_slice %arg8[%dma_start3A_716, %dma_start3A_717] : memref<320x128xf32, #tpu.memory_space<vmem>> -> memref<80x128xf32, #tpu.memory_space<vmem>>
      %dma_start3A_719 = arith.constant 0 : i32
      %dma_start3A_720 = tpu.memref_slice %arg7[%select_n3A_437, %dma_start3A_715, %dma_start3A_719] : memref<2x8x80xi32, #tpu.memory_space<vmem>> -> memref<1x1x80xi32, #tpu.memory_space<vmem>>
      %dma_start3A_721 = tpu.memref_squeeze %dma_start3A_720 : memref<1x1x80xi32, #tpu.memory_space<vmem>> -> memref<80xi32, #tpu.memory_space<vmem>>
      %dma_start3A_722 = arith.constant 0 : i32
      %dma_start3A_723 = arith.constant 0 : i32
      %dma_start3A_724 = tpu.memref_slice %arg9[%dma_start3A_722, %dma_start3A_723] : memref<10240x128xf32, #tpu.memory_space<vmem_shared>> -> memref<10240x128xf32, #tpu.memory_space<vmem_shared>>
      tpu.enqueue_indirect_dma source(%dma_start3A_718 : memref<80x128xf32, #tpu.memory_space<vmem>>) target(%dma_start3A_724 : memref<10240x128xf32, #tpu.memory_space<vmem_shared>>) offsets(%dma_start3A_721 : memref<80xi32, #tpu.memory_space<vmem>>) semaphore(%arg16 : memref<!tpu.dma_semaphore, #tpu.memory_space<semaphore_mem>>) {add = true}
      %dma_wait3A_725 = arith.constant 0 : i32
      %dma_wait3A_726 = arith.constant 0 : i32
      %dma_wait3A_727 = arith.constant 80 : i32
      %dma_wait3A_728 = arith.constant 0 : i32
      %dma_wait3A_729 = tpu.memref_slice %arg8[%dma_wait3A_727, %dma_wait3A_728] : memref<320x128xf32, #tpu.memory_space<vmem>> -> memref<80x128xf32, #tpu.memory_space<vmem>>
      %dma_wait3A_730 = arith.constant 0 : i32
      %dma_wait3A_731 = tpu.memref_slice %arg7[%dma_wait3A_725, %dma_wait3A_726, %dma_wait3A_730] : memref<2x8x80xi32, #tpu.memory_space<vmem>> -> memref<1x1x80xi32, #tpu.memory_space<vmem>>
      %dma_wait3A_732 = tpu.memref_squeeze %dma_wait3A_731 : memref<1x1x80xi32, #tpu.memory_space<vmem>> -> memref<80xi32, #tpu.memory_space<vmem>>
      %dma_wait3A_733 = arith.constant 0 : i32
      %dma_wait3A_734 = arith.constant 0 : i32
      %dma_wait3A_735 = tpu.memref_slice %arg9[%dma_wait3A_733, %dma_wait3A_734] : memref<10240x128xf32, #tpu.memory_space<vmem_shared>> -> memref<10240x128xf32, #tpu.memory_space<vmem_shared>>
      tpu.wait_indirect_dma semaphore(%arg15 : memref<!tpu.dma_semaphore, #tpu.memory_space<semaphore_mem>>) src(%dma_wait3A_729 : memref<80x128xf32, #tpu.memory_space<vmem>>) dst(%dma_wait3A_735 : memref<10240x128xf32, #tpu.memory_space<vmem_shared>>)
      %lt3A_736 = arith.constant 15 : i32
      %lt3A_737 = arith.cmpi slt, %add3A_428, %lt3A_736 : i32
      %convert_element_type3A_738 = arith.extui %lt3A_737 : i1 to i32
      %cond3A_739 = arith.constant 0 : i32
      %cond3A_740 = arith.cmpi ne, %convert_element_type3A_738, %cond3A_739 : i32
      scf.if %cond3A_740 {
        %sub3A = arith.constant 1 : i32
        %sub3A_762 = arith.subi %sub3A, %select_n3A_437 : i32
        %dma_start3A_763 = arith.constant 1 : i32
        %dma_start3A_764 = arith.constant 80 : i32
        %dma_start3A_765 = arith.constant 0 : i32
        %dma_start3A_766 = tpu.memref_slice %arg8[%dma_start3A_764, %dma_start3A_765] : memref<320x128xf32, #tpu.memory_space<vmem>> -> memref<80x128xf32, #tpu.memory_space<vmem>>
        %dma_start3A_767 = arith.constant 0 : i32
        %dma_start3A_768 = tpu.memref_slice %arg6[%sub3A_762, %dma_start3A_763, %dma_start3A_767] : memref<2x8x80xi32, #tpu.memory_space<vmem>> -> memref<1x1x80xi32, #tpu.memory_space<vmem>>
        %dma_start3A_769 = tpu.memref_squeeze %dma_start3A_768 : memref<1x1x80xi32, #tpu.memory_space<vmem>> -> memref<80xi32, #tpu.memory_space<vmem>>
        %dma_start3A_770 = arith.constant 0 : i32
        %dma_start3A_771 = arith.constant 0 : i32
        %dma_start3A_772 = tpu.memref_slice %arg2[%dma_start3A_770, %dma_start3A_771] : memref<10240x128xf32, #tpu.memory_space<hbm>> -> memref<10240x128xf32, #tpu.memory_space<hbm>>
        tpu.enqueue_indirect_dma source(%dma_start3A_772 : memref<10240x128xf32, #tpu.memory_space<hbm>>) target(%dma_start3A_766 : memref<80x128xf32, #tpu.memory_space<vmem>>) offsets(%dma_start3A_769 : memref<80xi32, #tpu.memory_space<vmem>>) semaphore(%arg11 : memref<!tpu.dma_semaphore, #tpu.memory_space<semaphore_mem>>)
      } else {
      }
      %dma_wait3A_741 = arith.constant 0 : i32
      %dma_wait3A_742 = arith.constant 0 : i32
      %dma_wait3A_743 = arith.constant 240 : i32
      %dma_wait3A_744 = arith.constant 0 : i32
      %dma_wait3A_745 = tpu.memref_slice %arg8[%dma_wait3A_743, %dma_wait3A_744] : memref<320x128xf32, #tpu.memory_space<vmem>> -> memref<80x128xf32, #tpu.memory_space<vmem>>
      %dma_wait3A_746 = arith.constant 0 : i32
      %dma_wait3A_747 = tpu.memref_slice %arg6[%dma_wait3A_741, %dma_wait3A_742, %dma_wait3A_746] : memref<2x8x80xi32, #tpu.memory_space<vmem>> -> memref<1x1x80xi32, #tpu.memory_space<vmem>>
      %dma_wait3A_748 = tpu.memref_squeeze %dma_wait3A_747 : memref<1x1x80xi32, #tpu.memory_space<vmem>> -> memref<80xi32, #tpu.memory_space<vmem>>
      %dma_wait3A_749 = arith.constant 0 : i32
      %dma_wait3A_750 = arith.constant 0 : i32
      %dma_wait3A_751 = tpu.memref_slice %arg2[%dma_wait3A_749, %dma_wait3A_750] : memref<10240x128xf32, #tpu.memory_space<hbm>> -> memref<10240x128xf32, #tpu.memory_space<hbm>>
      tpu.wait_indirect_dma semaphore(%arg13 : memref<!tpu.dma_semaphore, #tpu.memory_space<semaphore_mem>>) src(%dma_wait3A_751 : memref<10240x128xf32, #tpu.memory_space<hbm>>) dst(%dma_wait3A_745 : memref<80x128xf32, #tpu.memory_space<vmem>>)
      %dma_start3A_752 = arith.constant 7 : i32
      %dma_start3A_753 = arith.constant 240 : i32
      %dma_start3A_754 = arith.constant 0 : i32
      %dma_start3A_755 = tpu.memref_slice %arg8[%dma_start3A_753, %dma_start3A_754] : memref<320x128xf32, #tpu.memory_space<vmem>> -> memref<80x128xf32, #tpu.memory_space<vmem>>
      %dma_start3A_756 = arith.constant 0 : i32
      %dma_start3A_757 = tpu.memref_slice %arg7[%select_n3A_437, %dma_start3A_752, %dma_start3A_756] : memref<2x8x80xi32, #tpu.memory_space<vmem>> -> memref<1x1x80xi32, #tpu.memory_space<vmem>>
      %dma_start3A_758 = tpu.memref_squeeze %dma_start3A_757 : memref<1x1x80xi32, #tpu.memory_space<vmem>> -> memref<80xi32, #tpu.memory_space<vmem>>
      %dma_start3A_759 = arith.constant 0 : i32
      %dma_start3A_760 = arith.constant 0 : i32
      %dma_start3A_761 = tpu.memref_slice %arg9[%dma_start3A_759, %dma_start3A_760] : memref<10240x128xf32, #tpu.memory_space<vmem_shared>> -> memref<10240x128xf32, #tpu.memory_space<vmem_shared>>
      tpu.enqueue_indirect_dma source(%dma_start3A_755 : memref<80x128xf32, #tpu.memory_space<vmem>>) target(%dma_start3A_761 : memref<10240x128xf32, #tpu.memory_space<vmem_shared>>) offsets(%dma_start3A_758 : memref<80xi32, #tpu.memory_space<vmem>>) semaphore(%arg17 : memref<!tpu.dma_semaphore, #tpu.memory_space<semaphore_mem>>) {add = true}
    }
    %scan3A_272 = arith.constant 16 : i32
    %dma_wait3A_273 = arith.constant 0 : i32
    %dma_wait3A_274 = arith.constant 0 : i32
    %dma_wait3A_275 = arith.constant 160 : i32
    %dma_wait3A_276 = arith.constant 0 : i32
    %dma_wait3A_277 = tpu.memref_slice %arg8[%dma_wait3A_275, %dma_wait3A_276] : memref<320x128xf32, #tpu.memory_space<vmem>> -> memref<80x128xf32, #tpu.memory_space<vmem>>
    %dma_wait3A_278 = arith.constant 0 : i32
    %dma_wait3A_279 = tpu.memref_slice %arg7[%dma_wait3A_273, %dma_wait3A_274, %dma_wait3A_278] : memref<2x8x80xi32, #tpu.memory_space<vmem>> -> memref<1x1x80xi32, #tpu.memory_space<vmem>>
    %dma_wait3A_280 = tpu.memref_squeeze %dma_wait3A_279 : memref<1x1x80xi32, #tpu.memory_space<vmem>> -> memref<80xi32, #tpu.memory_space<vmem>>
    %dma_wait3A_281 = arith.constant 0 : i32
    %dma_wait3A_282 = arith.constant 0 : i32
    %dma_wait3A_283 = tpu.memref_slice %arg9[%dma_wait3A_281, %dma_wait3A_282] : memref<10240x128xf32, #tpu.memory_space<vmem_shared>> -> memref<10240x128xf32, #tpu.memory_space<vmem_shared>>
    tpu.wait_indirect_dma semaphore(%arg16 : memref<!tpu.dma_semaphore, #tpu.memory_space<semaphore_mem>>) src(%dma_wait3A_277 : memref<80x128xf32, #tpu.memory_space<vmem>>) dst(%dma_wait3A_283 : memref<10240x128xf32, #tpu.memory_space<vmem_shared>>)
    %dma_wait3A_284 = arith.constant 0 : i32
    %dma_wait3A_285 = arith.constant 0 : i32
    %dma_wait3A_286 = arith.constant 240 : i32
    %dma_wait3A_287 = arith.constant 0 : i32
    %dma_wait3A_288 = tpu.memref_slice %arg8[%dma_wait3A_286, %dma_wait3A_287] : memref<320x128xf32, #tpu.memory_space<vmem>> -> memref<80x128xf32, #tpu.memory_space<vmem>>
    %dma_wait3A_289 = arith.constant 0 : i32
    %dma_wait3A_290 = tpu.memref_slice %arg7[%dma_wait3A_284, %dma_wait3A_285, %dma_wait3A_289] : memref<2x8x80xi32, #tpu.memory_space<vmem>> -> memref<1x1x80xi32, #tpu.memory_space<vmem>>
    %dma_wait3A_291 = tpu.memref_squeeze %dma_wait3A_290 : memref<1x1x80xi32, #tpu.memory_space<vmem>> -> memref<80xi32, #tpu.memory_space<vmem>>
    %dma_wait3A_292 = arith.constant 0 : i32
    %dma_wait3A_293 = arith.constant 0 : i32
    %dma_wait3A_294 = tpu.memref_slice %arg9[%dma_wait3A_292, %dma_wait3A_293] : memref<10240x128xf32, #tpu.memory_space<vmem_shared>> -> memref<10240x128xf32, #tpu.memory_space<vmem_shared>>
    tpu.wait_indirect_dma semaphore(%arg17 : memref<!tpu.dma_semaphore, #tpu.memory_space<semaphore_mem>>) src(%dma_wait3A_288 : memref<80x128xf32, #tpu.memory_space<vmem>>) dst(%dma_wait3A_294 : memref<10240x128xf32, #tpu.memory_space<vmem_shared>>)
    %barrier3A_295 = arith.constant 0 : index
    tpu.barrier barrier_id(%barrier3A_295)
    %mul3A_296 = arith.constant 640 : i32
    %mul3A_297 = arith.muli %arg1, %mul3A_296 : i32
    %add3A_298 = arith.constant 0 : i32
    %add3A_299 = arith.addi %mul3A_297, %add3A_298 : i32
    %dma_start3A_300 = arith.constant 0 : i32
    %dma_start3A_301 = tpu.memref_slice %arg5[%arg0, %add3A_299, %dma_start3A_300] : memref<2x10240x128xf32, #tpu.memory_space<hbm>> -> memref<1x80x128xf32, #tpu.memory_space<hbm>>
    %dma_start3A_302 = tpu.memref_squeeze %dma_start3A_301 : memref<1x80x128xf32, #tpu.memory_space<hbm>> -> memref<80x128xf32, #tpu.memory_space<hbm>>
    %dma_start3A_303 = arith.constant 0 : i32
    %dma_start3A_304 = tpu.memref_slice %arg9[%add3A_299, %dma_start3A_303] : memref<10240x128xf32, #tpu.memory_space<vmem_shared>> -> memref<80x128xf32, #tpu.memory_space<vmem_shared>>
    tpu.enqueue_dma source(%dma_start3A_304 : memref<80x128xf32, #tpu.memory_space<vmem_shared>>) target(%dma_start3A_302 : memref<80x128xf32, #tpu.memory_space<hbm>>) target_semaphore(%arg19 : memref<!tpu.dma_semaphore, #tpu.memory_space<semaphore_mem>>)
    %mul3A_305 = arith.constant 640 : i32
    %mul3A_306 = arith.muli %arg1, %mul3A_305 : i32
    %add3A_307 = arith.constant 80 : i32
    %add3A_308 = arith.addi %mul3A_306, %add3A_307 : i32
    %dma_start3A_309 = arith.constant 0 : i32
    %dma_start3A_310 = tpu.memref_slice %arg5[%arg0, %add3A_308, %dma_start3A_309] : memref<2x10240x128xf32, #tpu.memory_space<hbm>> -> memref<1x80x128xf32, #tpu.memory_space<hbm>>
    %dma_start3A_311 = tpu.memref_squeeze %dma_start3A_310 : memref<1x80x128xf32, #tpu.memory_space<hbm>> -> memref<80x128xf32, #tpu.memory_space<hbm>>
    %dma_start3A_312 = arith.constant 0 : i32
    %dma_start3A_313 = tpu.memref_slice %arg9[%add3A_308, %dma_start3A_312] : memref<10240x128xf32, #tpu.memory_space<vmem_shared>> -> memref<80x128xf32, #tpu.memory_space<vmem_shared>>
    tpu.enqueue_dma source(%dma_start3A_313 : memref<80x128xf32, #tpu.memory_space<vmem_shared>>) target(%dma_start3A_311 : memref<80x128xf32, #tpu.memory_space<hbm>>) target_semaphore(%arg19 : memref<!tpu.dma_semaphore, #tpu.memory_space<semaphore_mem>>)
    %mul3A_314 = arith.constant 640 : i32
    %mul3A_315 = arith.muli %arg1, %mul3A_314 : i32
    %add3A_316 = arith.constant 160 : i32
    %add3A_317 = arith.addi %mul3A_315, %add3A_316 : i32
    %dma_start3A_318 = arith.constant 0 : i32
    %dma_start3A_319 = tpu.memref_slice %arg5[%arg0, %add3A_317, %dma_start3A_318] : memref<2x10240x128xf32, #tpu.memory_space<hbm>> -> memref<1x80x128xf32, #tpu.memory_space<hbm>>
    %dma_start3A_320 = tpu.memref_squeeze %dma_start3A_319 : memref<1x80x128xf32, #tpu.memory_space<hbm>> -> memref<80x128xf32, #tpu.memory_space<hbm>>
    %dma_start3A_321 = arith.constant 0 : i32
    %dma_start3A_322 = tpu.memref_slice %arg9[%add3A_317, %dma_start3A_321] : memref<10240x128xf32, #tpu.memory_space<vmem_shared>> -> memref<80x128xf32, #tpu.memory_space<vmem_shared>>
    tpu.enqueue_dma source(%dma_start3A_322 : memref<80x128xf32, #tpu.memory_space<vmem_shared>>) target(%dma_start3A_320 : memref<80x128xf32, #tpu.memory_space<hbm>>) target_semaphore(%arg19 : memref<!tpu.dma_semaphore, #tpu.memory_space<semaphore_mem>>)
    %mul3A_323 = arith.constant 640 : i32
    %mul3A_324 = arith.muli %arg1, %mul3A_323 : i32
    %add3A_325 = arith.constant 240 : i32
    %add3A_326 = arith.addi %mul3A_324, %add3A_325 : i32
    %dma_start3A_327 = arith.constant 0 : i32
    %dma_start3A_328 = tpu.memref_slice %arg5[%arg0, %add3A_326, %dma_start3A_327] : memref<2x10240x128xf32, #tpu.memory_space<hbm>> -> memref<1x80x128xf32, #tpu.memory_space<hbm>>
    %dma_start3A_329 = tpu.memref_squeeze %dma_start3A_328 : memref<1x80x128xf32, #tpu.memory_space<hbm>> -> memref<80x128xf32, #tpu.memory_space<hbm>>
    %dma_start3A_330 = arith.constant 0 : i32
    %dma_start3A_331 = tpu.memref_slice %arg9[%add3A_326, %dma_start3A_330] : memref<10240x128xf32, #tpu.memory_space<vmem_shared>> -> memref<80x128xf32, #tpu.memory_space<vmem_shared>>
    tpu.enqueue_dma source(%dma_start3A_331 : memref<80x128xf32, #tpu.memory_space<vmem_shared>>) target(%dma_start3A_329 : memref<80x128xf32, #tpu.memory_space<hbm>>) target_semaphore(%arg19 : memref<!tpu.dma_semaphore, #tpu.memory_space<semaphore_mem>>)
    %mul3A_332 = arith.constant 640 : i32
    %mul3A_333 = arith.muli %arg1, %mul3A_332 : i32
    %add3A_334 = arith.constant 320 : i32
    %add3A_335 = arith.addi %mul3A_333, %add3A_334 : i32
    %dma_start3A_336 = arith.constant 0 : i32
    %dma_start3A_337 = tpu.memref_slice %arg5[%arg0, %add3A_335, %dma_start3A_336] : memref<2x10240x128xf32, #tpu.memory_space<hbm>> -> memref<1x80x128xf32, #tpu.memory_space<hbm>>
    %dma_start3A_338 = tpu.memref_squeeze %dma_start3A_337 : memref<1x80x128xf32, #tpu.memory_space<hbm>> -> memref<80x128xf32, #tpu.memory_space<hbm>>
    %dma_start3A_339 = arith.constant 0 : i32
    %dma_start3A_340 = tpu.memref_slice %arg9[%add3A_335, %dma_start3A_339] : memref<10240x128xf32, #tpu.memory_space<vmem_shared>> -> memref<80x128xf32, #tpu.memory_space<vmem_shared>>
    tpu.enqueue_dma source(%dma_start3A_340 : memref<80x128xf32, #tpu.memory_space<vmem_shared>>) target(%dma_start3A_338 : memref<80x128xf32, #tpu.memory_space<hbm>>) target_semaphore(%arg19 : memref<!tpu.dma_semaphore, #tpu.memory_space<semaphore_mem>>)
    %mul3A_341 = arith.constant 640 : i32
    %mul3A_342 = arith.muli %arg1, %mul3A_341 : i32
    %add3A_343 = arith.constant 400 : i32
    %add3A_344 = arith.addi %mul3A_342, %add3A_343 : i32
    %dma_start3A_345 = arith.constant 0 : i32
    %dma_start3A_346 = tpu.memref_slice %arg5[%arg0, %add3A_344, %dma_start3A_345] : memref<2x10240x128xf32, #tpu.memory_space<hbm>> -> memref<1x80x128xf32, #tpu.memory_space<hbm>>
    %dma_start3A_347 = tpu.memref_squeeze %dma_start3A_346 : memref<1x80x128xf32, #tpu.memory_space<hbm>> -> memref<80x128xf32, #tpu.memory_space<hbm>>
    %dma_start3A_348 = arith.constant 0 : i32
    %dma_start3A_349 = tpu.memref_slice %arg9[%add3A_344, %dma_start3A_348] : memref<10240x128xf32, #tpu.memory_space<vmem_shared>> -> memref<80x128xf32, #tpu.memory_space<vmem_shared>>
    tpu.enqueue_dma source(%dma_start3A_349 : memref<80x128xf32, #tpu.memory_space<vmem_shared>>) target(%dma_start3A_347 : memref<80x128xf32, #tpu.memory_space<hbm>>) target_semaphore(%arg19 : memref<!tpu.dma_semaphore, #tpu.memory_space<semaphore_mem>>)
    %mul3A_350 = arith.constant 640 : i32
    %mul3A_351 = arith.muli %arg1, %mul3A_350 : i32
    %add3A_352 = arith.constant 480 : i32
    %add3A_353 = arith.addi %mul3A_351, %add3A_352 : i32
    %dma_start3A_354 = arith.constant 0 : i32
    %dma_start3A_355 = tpu.memref_slice %arg5[%arg0, %add3A_353, %dma_start3A_354] : memref<2x10240x128xf32, #tpu.memory_space<hbm>> -> memref<1x80x128xf32, #tpu.memory_space<hbm>>
    %dma_start3A_356 = tpu.memref_squeeze %dma_start3A_355 : memref<1x80x128xf32, #tpu.memory_space<hbm>> -> memref<80x128xf32, #tpu.memory_space<hbm>>
    %dma_start3A_357 = arith.constant 0 : i32
    %dma_start3A_358 = tpu.memref_slice %arg9[%add3A_353, %dma_start3A_357] : memref<10240x128xf32, #tpu.memory_space<vmem_shared>> -> memref<80x128xf32, #tpu.memory_space<vmem_shared>>
    tpu.enqueue_dma source(%dma_start3A_358 : memref<80x128xf32, #tpu.memory_space<vmem_shared>>) target(%dma_start3A_356 : memref<80x128xf32, #tpu.memory_space<hbm>>) target_semaphore(%arg19 : memref<!tpu.dma_semaphore, #tpu.memory_space<semaphore_mem>>)
    %mul3A_359 = arith.constant 640 : i32
    %mul3A_360 = arith.muli %arg1, %mul3A_359 : i32
    %add3A_361 = arith.constant 560 : i32
    %add3A_362 = arith.addi %mul3A_360, %add3A_361 : i32
    %dma_start3A_363 = arith.constant 0 : i32
    %dma_start3A_364 = tpu.memref_slice %arg5[%arg0, %add3A_362, %dma_start3A_363] : memref<2x10240x128xf32, #tpu.memory_space<hbm>> -> memref<1x80x128xf32, #tpu.memory_space<hbm>>
    %dma_start3A_365 = tpu.memref_squeeze %dma_start3A_364 : memref<1x80x128xf32, #tpu.memory_space<hbm>> -> memref<80x128xf32, #tpu.memory_space<hbm>>
    %dma_start3A_366 = arith.constant 0 : i32
    %dma_start3A_367 = tpu.memref_slice %arg9[%add3A_362, %dma_start3A_366] : memref<10240x128xf32, #tpu.memory_space<vmem_shared>> -> memref<80x128xf32, #tpu.memory_space<vmem_shared>>
    tpu.enqueue_dma source(%dma_start3A_367 : memref<80x128xf32, #tpu.memory_space<vmem_shared>>) target(%dma_start3A_365 : memref<80x128xf32, #tpu.memory_space<hbm>>) target_semaphore(%arg19 : memref<!tpu.dma_semaphore, #tpu.memory_space<semaphore_mem>>)
    %dma_wait3A_368 = arith.constant 0 : i32
    %dma_wait3A_369 = arith.constant 0 : i32
    %dma_wait3A_370 = tpu.memref_slice %arg5[%arg0, %dma_wait3A_368, %dma_wait3A_369] : memref<2x10240x128xf32, #tpu.memory_space<hbm>> -> memref<1x80x128xf32, #tpu.memory_space<hbm>>
    %dma_wait3A_371 = tpu.memref_squeeze %dma_wait3A_370 : memref<1x80x128xf32, #tpu.memory_space<hbm>> -> memref<80x128xf32, #tpu.memory_space<hbm>>
    %dma_wait3A_372 = arith.constant 0 : i32
    %dma_wait3A_373 = arith.constant 0 : i32
    %dma_wait3A_374 = tpu.memref_slice %arg9[%dma_wait3A_372, %dma_wait3A_373] : memref<10240x128xf32, #tpu.memory_space<vmem_shared>> -> memref<80x128xf32, #tpu.memory_space<vmem_shared>>
    tpu.wait_dma2 semaphore(%arg19 : memref<!tpu.dma_semaphore, #tpu.memory_space<semaphore_mem>>) src(%dma_wait3A_374 : memref<80x128xf32, #tpu.memory_space<vmem_shared>>) dst(%dma_wait3A_371 : memref<80x128xf32, #tpu.memory_space<hbm>>)
    %dma_wait3A_375 = arith.constant 0 : i32
    %dma_wait3A_376 = arith.constant 0 : i32
    %dma_wait3A_377 = tpu.memref_slice %arg5[%arg0, %dma_wait3A_375, %dma_wait3A_376] : memref<2x10240x128xf32, #tpu.memory_space<hbm>> -> memref<1x80x128xf32, #tpu.memory_space<hbm>>
    %dma_wait3A_378 = tpu.memref_squeeze %dma_wait3A_377 : memref<1x80x128xf32, #tpu.memory_space<hbm>> -> memref<80x128xf32, #tpu.memory_space<hbm>>
    %dma_wait3A_379 = arith.constant 0 : i32
    %dma_wait3A_380 = arith.constant 0 : i32
    %dma_wait3A_381 = tpu.memref_slice %arg9[%dma_wait3A_379, %dma_wait3A_380] : memref<10240x128xf32, #tpu.memory_space<vmem_shared>> -> memref<80x128xf32, #tpu.memory_space<vmem_shared>>
    tpu.wait_dma2 semaphore(%arg19 : memref<!tpu.dma_semaphore, #tpu.memory_space<semaphore_mem>>) src(%dma_wait3A_381 : memref<80x128xf32, #tpu.memory_space<vmem_shared>>) dst(%dma_wait3A_378 : memref<80x128xf32, #tpu.memory_space<hbm>>)
    %dma_wait3A_382 = arith.constant 0 : i32
    %dma_wait3A_383 = arith.constant 0 : i32
    %dma_wait3A_384 = tpu.memref_slice %arg5[%arg0, %dma_wait3A_382, %dma_wait3A_383] : memref<2x10240x128xf32, #tpu.memory_space<hbm>> -> memref<1x80x128xf32, #tpu.memory_space<hbm>>
    %dma_wait3A_385 = tpu.memref_squeeze %dma_wait3A_384 : memref<1x80x128xf32, #tpu.memory_space<hbm>> -> memref<80x128xf32, #tpu.memory_space<hbm>>
    %dma_wait3A_386 = arith.constant 0 : i32
    %dma_wait3A_387 = arith.constant 0 : i32
    %dma_wait3A_388 = tpu.memref_slice %arg9[%dma_wait3A_386, %dma_wait3A_387] : memref<10240x128xf32, #tpu.memory_space<vmem_shared>> -> memref<80x128xf32, #tpu.memory_space<vmem_shared>>
    tpu.wait_dma2 semaphore(%arg19 : memref<!tpu.dma_semaphore, #tpu.memory_space<semaphore_mem>>) src(%dma_wait3A_388 : memref<80x128xf32, #tpu.memory_space<vmem_shared>>) dst(%dma_wait3A_385 : memref<80x128xf32, #tpu.memory_space<hbm>>)
    %dma_wait3A_389 = arith.constant 0 : i32
    %dma_wait3A_390 = arith.constant 0 : i32
    %dma_wait3A_391 = tpu.memref_slice %arg5[%arg0, %dma_wait3A_389, %dma_wait3A_390] : memref<2x10240x128xf32, #tpu.memory_space<hbm>> -> memref<1x80x128xf32, #tpu.memory_space<hbm>>
    %dma_wait3A_392 = tpu.memref_squeeze %dma_wait3A_391 : memref<1x80x128xf32, #tpu.memory_space<hbm>> -> memref<80x128xf32, #tpu.memory_space<hbm>>
    %dma_wait3A_393 = arith.constant 0 : i32
    %dma_wait3A_394 = arith.constant 0 : i32
    %dma_wait3A_395 = tpu.memref_slice %arg9[%dma_wait3A_393, %dma_wait3A_394] : memref<10240x128xf32, #tpu.memory_space<vmem_shared>> -> memref<80x128xf32, #tpu.memory_space<vmem_shared>>
    tpu.wait_dma2 semaphore(%arg19 : memref<!tpu.dma_semaphore, #tpu.memory_space<semaphore_mem>>) src(%dma_wait3A_395 : memref<80x128xf32, #tpu.memory_space<vmem_shared>>) dst(%dma_wait3A_392 : memref<80x128xf32, #tpu.memory_space<hbm>>)
    %dma_wait3A_396 = arith.constant 0 : i32
    %dma_wait3A_397 = arith.constant 0 : i32
    %dma_wait3A_398 = tpu.memref_slice %arg5[%arg0, %dma_wait3A_396, %dma_wait3A_397] : memref<2x10240x128xf32, #tpu.memory_space<hbm>> -> memref<1x80x128xf32, #tpu.memory_space<hbm>>
    %dma_wait3A_399 = tpu.memref_squeeze %dma_wait3A_398 : memref<1x80x128xf32, #tpu.memory_space<hbm>> -> memref<80x128xf32, #tpu.memory_space<hbm>>
    %dma_wait3A_400 = arith.constant 0 : i32
    %dma_wait3A_401 = arith.constant 0 : i32
    %dma_wait3A_402 = tpu.memref_slice %arg9[%dma_wait3A_400, %dma_wait3A_401] : memref<10240x128xf32, #tpu.memory_space<vmem_shared>> -> memref<80x128xf32, #tpu.memory_space<vmem_shared>>
    tpu.wait_dma2 semaphore(%arg19 : memref<!tpu.dma_semaphore, #tpu.memory_space<semaphore_mem>>) src(%dma_wait3A_402 : memref<80x128xf32, #tpu.memory_space<vmem_shared>>) dst(%dma_wait3A_399 : memref<80x128xf32, #tpu.memory_space<hbm>>)
    %dma_wait3A_403 = arith.constant 0 : i32
    %dma_wait3A_404 = arith.constant 0 : i32
    %dma_wait3A_405 = tpu.memref_slice %arg5[%arg0, %dma_wait3A_403, %dma_wait3A_404] : memref<2x10240x128xf32, #tpu.memory_space<hbm>> -> memref<1x80x128xf32, #tpu.memory_space<hbm>>
    %dma_wait3A_406 = tpu.memref_squeeze %dma_wait3A_405 : memref<1x80x128xf32, #tpu.memory_space<hbm>> -> memref<80x128xf32, #tpu.memory_space<hbm>>
    %dma_wait3A_407 = arith.constant 0 : i32
    %dma_wait3A_408 = arith.constant 0 : i32
    %dma_wait3A_409 = tpu.memref_slice %arg9[%dma_wait3A_407, %dma_wait3A_408] : memref<10240x128xf32, #tpu.memory_space<vmem_shared>> -> memref<80x128xf32, #tpu.memory_space<vmem_shared>>
    tpu.wait_dma2 semaphore(%arg19 : memref<!tpu.dma_semaphore, #tpu.memory_space<semaphore_mem>>) src(%dma_wait3A_409 : memref<80x128xf32, #tpu.memory_space<vmem_shared>>) dst(%dma_wait3A_406 : memref<80x128xf32, #tpu.memory_space<hbm>>)
    %dma_wait3A_410 = arith.constant 0 : i32
    %dma_wait3A_411 = arith.constant 0 : i32
    %dma_wait3A_412 = tpu.memref_slice %arg5[%arg0, %dma_wait3A_410, %dma_wait3A_411] : memref<2x10240x128xf32, #tpu.memory_space<hbm>> -> memref<1x80x128xf32, #tpu.memory_space<hbm>>
    %dma_wait3A_413 = tpu.memref_squeeze %dma_wait3A_412 : memref<1x80x128xf32, #tpu.memory_space<hbm>> -> memref<80x128xf32, #tpu.memory_space<hbm>>
    %dma_wait3A_414 = arith.constant 0 : i32
    %dma_wait3A_415 = arith.constant 0 : i32
    %dma_wait3A_416 = tpu.memref_slice %arg9[%dma_wait3A_414, %dma_wait3A_415] : memref<10240x128xf32, #tpu.memory_space<vmem_shared>> -> memref<80x128xf32, #tpu.memory_space<vmem_shared>>
    tpu.wait_dma2 semaphore(%arg19 : memref<!tpu.dma_semaphore, #tpu.memory_space<semaphore_mem>>) src(%dma_wait3A_416 : memref<80x128xf32, #tpu.memory_space<vmem_shared>>) dst(%dma_wait3A_413 : memref<80x128xf32, #tpu.memory_space<hbm>>)
    %dma_wait3A_417 = arith.constant 0 : i32
    %dma_wait3A_418 = arith.constant 0 : i32
    %dma_wait3A_419 = tpu.memref_slice %arg5[%arg0, %dma_wait3A_417, %dma_wait3A_418] : memref<2x10240x128xf32, #tpu.memory_space<hbm>> -> memref<1x80x128xf32, #tpu.memory_space<hbm>>
    %dma_wait3A_420 = tpu.memref_squeeze %dma_wait3A_419 : memref<1x80x128xf32, #tpu.memory_space<hbm>> -> memref<80x128xf32, #tpu.memory_space<hbm>>
    %dma_wait3A_421 = arith.constant 0 : i32
    %dma_wait3A_422 = arith.constant 0 : i32
    %dma_wait3A_423 = tpu.memref_slice %arg9[%dma_wait3A_421, %dma_wait3A_422] : memref<10240x128xf32, #tpu.memory_space<vmem_shared>> -> memref<80x128xf32, #tpu.memory_space<vmem_shared>>
    tpu.wait_dma2 semaphore(%arg19 : memref<!tpu.dma_semaphore, #tpu.memory_space<semaphore_mem>>) src(%dma_wait3A_423 : memref<80x128xf32, #tpu.memory_space<vmem_shared>>) dst(%dma_wait3A_420 : memref<80x128xf32, #tpu.memory_space<hbm>>)
    return
  }
}

module attributes {stable_mosaic.version = 14 : i64} {
  func.func @_mm_body(%arg0: i32, %arg1: memref<2048x128xf32, #tpu.memory_space<vmem>>, %arg2: memref<128x128xf32, #tpu.memory_space<vmem>>, %arg3: memref<2x10240xf32, #tpu.memory_space<vmem>>, %arg4: memref<2048x128xf32, #tpu.memory_space<vmem>>, %arg5: memref<2048x1xf32, #tpu.memory_space<vmem>>) attributes {dimension_semantics = [#tpu.dimension_semantics<arbitrary>], iteration_bounds = array<i64: 5>, scalar_prefetch = 0 : i64, scratch_operands = 0 : i64, tpu.core_type = #tpu.core_type<tc>, window_params = [{transform_indices = @transform_0, window_bounds = array<i64: 2048, 128>}, {pipeline_mode = #tpu.pipeline_mode<synchronous>, transform_indices = @transform_1, window_bounds = array<i64: 128, 128>}, {pipeline_mode = #tpu.pipeline_mode<synchronous>, transform_indices = @transform_2, window_bounds = array<i64: 2, 10240>}, {transform_indices = @transform_3, window_bounds = array<i64: 2048, 128>}, {transform_indices = @transform_4, window_bounds = array<i64: 2048, 1>}]} {
    %get3A = arith.constant 0 : index
    %get3A_0 = arith.constant 0 : index
    %get3A_1 = vector.load %arg1[%get3A, %get3A_0] : memref<2048x128xf32, #tpu.memory_space<vmem>>, vector<2048x128xf32>
    %get3A_2 = arith.constant 0 : index
    %get3A_3 = arith.constant 0 : index
    %get3A_4 = vector.load %arg2[%get3A_2, %get3A_3] : memref<128x128xf32, #tpu.memory_space<vmem>>, vector<128x128xf32>
    %dot_general3A = arith.constant dense<0.000000e+00> : vector<2048x128xf32>
    %dot_general3A_5 = tpu.matmul %get3A_1, %get3A_4, %dot_general3A {dimension_numbers = #tpu.dot_dimension_numbers<[1], [1], [0], [0], [0, 0, 1, 0], [], []>, transpose_lhs_hint = false} : vector<2048x128xf32>, vector<128x128xf32>, vector<2048x128xf32> -> vector<2048x128xf32>
    %mul3A = arith.constant 2048 : i32
    %mul3A_6 = arith.muli %arg0, %mul3A : i32
    %get3A_7 = arith.constant 0 : index
    %get3A_8 = arith.index_cast %mul3A_6 : i32 to index
    %get3A_9 = vector.load %arg3[%get3A_7, %get3A_8] : memref<2x10240xf32, #tpu.memory_space<vmem>>, vector<1x2048xf32>
    %get3A_10 = arith.constant 1 : index
    %get3A_11 = arith.index_cast %mul3A_6 : i32 to index
    %get3A_12 = vector.load %arg3[%get3A_10, %get3A_11] : memref<2x10240xf32, #tpu.memory_space<vmem>>, vector<1x2048xf32>
    %add3A = arith.addf %get3A_9, %get3A_12 : vector<1x2048xf32>
    %gt3A = arith.constant 0.000000e+00 : f32
    %gt3A_13 = vector.broadcast %gt3A : f32 to vector<1x2048xf32>
    %gt3A_14 = arith.cmpf ogt, %add3A, %gt3A_13 : vector<1x2048xf32>
    %rsqrt3A = math.rsqrt %add3A : vector<1x2048xf32>
    %jit3A = arith.constant 0.000000e+00 : f32
    %broadcast_in_dim3A = vector.broadcast %jit3A : f32 to vector<1x2048xf32>
    %select_n3A = arith.select %gt3A_14, %rsqrt3A, %broadcast_in_dim3A : vector<1x2048xi1>, vector<1x2048xf32>
    %transpose3A = tpu.transpose %select_n3A, [1, 0] : vector<1x2048xf32> -> vector<2048x1xf32>
    %mul3A_15 = vector.broadcast %transpose3A : vector<2048x1xf32> to vector<2048x128xf32>
    %mul3A_16 = arith.mulf %dot_general3A_5, %mul3A_15 : vector<2048x128xf32>
    %swap3A = arith.constant 0 : index
    %swap3A_17 = arith.constant 0 : index
    %swap3A_18 = vector.load %arg4[%swap3A, %swap3A_17] : memref<2048x128xf32, #tpu.memory_space<vmem>>, vector<2048x128xf32>
    tpu.vector_store %arg4[%swap3A, %swap3A_17], %mul3A_16 {strides = array<i32>} : memref<2048x128xf32, #tpu.memory_space<vmem>>, vector<2048x128xf32>,
    %swap3A_19 = arith.constant 0 : index
    %swap3A_20 = arith.constant 0 : index
    %swap3A_21 = vector.load %arg5[%swap3A_19, %swap3A_20] : memref<2048x1xf32, #tpu.memory_space<vmem>>, vector<2048x1xf32>
    tpu.vector_store %arg5[%swap3A_19, %swap3A_20], %transpose3A {strides = array<i32>} : memref<2048x1xf32, #tpu.memory_space<vmem>>, vector<2048x1xf32>,
    return
  }
  func.func @transform_0(%arg0: i32) -> (i32, i32) {
    %c0_i32 = arith.constant 0 : i32
    %c0_i32_0 = arith.constant 0 : i32
    return %arg0, %c0_i32 : i32, i32
  }
  func.func @transform_1(%arg0: i32) -> (i32, i32) {
    %c0_i32 = arith.constant 0 : i32
    %c0_i32_0 = arith.constant 0 : i32
    %c0_i32_1 = arith.constant 0 : i32
    return %c0_i32, %c0_i32_0 : i32, i32
  }
  func.func @transform_2(%arg0: i32) -> (i32, i32) {
    %c0_i32 = arith.constant 0 : i32
    %c0_i32_0 = arith.constant 0 : i32
    %c0_i32_1 = arith.constant 0 : i32
    return %c0_i32, %c0_i32_0 : i32, i32
  }
  func.func @transform_3(%arg0: i32) -> (i32, i32) {
    %c0_i32 = arith.constant 0 : i32
    %c0_i32_0 = arith.constant 0 : i32
    return %arg0, %c0_i32 : i32, i32
  }
  func.func @transform_4(%arg0: i32) -> (i32, i32) {
    %c0_i32 = arith.constant 0 : i32
    %c0_i32_0 = arith.constant 0 : i32
    return %arg0, %c0_i32 : i32, i32
  }
}

module attributes {stable_mosaic.version = 14 : i64} {
  func.func @_out_body(%arg0: i32, %arg1: memref<2x2000x128xf32, #tpu.memory_space<vmem>>, %arg2: memref<2000x1xf32, #tpu.memory_space<vmem>>, %arg3: memref<1x128xf32, #tpu.memory_space<vmem>>, %arg4: memref<2000x128xf32, #tpu.memory_space<vmem>>) attributes {dimension_semantics = [#tpu.dimension_semantics<arbitrary>], iteration_bounds = array<i64: 5>, scalar_prefetch = 0 : i64, scratch_operands = 0 : i64, tpu.core_type = #tpu.core_type<tc>, window_params = [{transform_indices = @transform_0, window_bounds = array<i64: 2, 2000, 128>}, {transform_indices = @transform_1, window_bounds = array<i64: 2000, 1>}, {pipeline_mode = #tpu.pipeline_mode<synchronous>, transform_indices = @transform_2, window_bounds = array<i64: 1, 128>}, {transform_indices = @transform_3, window_bounds = array<i64: 2000, 128>}]} {
    %get3A = arith.constant 0 : index
    %get3A_0 = arith.constant 0 : index
    %get3A_1 = arith.constant 0 : index
    %get3A_2 = vector.load %arg1[%get3A, %get3A_0, %get3A_1] : memref<2x2000x128xf32, #tpu.memory_space<vmem>>, vector<1x2000x128xf32>
    %get3A_3 = vector.shape_cast %get3A_2 : vector<1x2000x128xf32> to vector<2000x128xf32>
    %get3A_4 = arith.constant 1 : index
    %get3A_5 = arith.constant 0 : index
    %get3A_6 = arith.constant 0 : index
    %get3A_7 = vector.load %arg1[%get3A_4, %get3A_5, %get3A_6] : memref<2x2000x128xf32, #tpu.memory_space<vmem>>, vector<1x2000x128xf32>
    %get3A_8 = vector.shape_cast %get3A_7 : vector<1x2000x128xf32> to vector<2000x128xf32>
    %add3A = arith.addf %get3A_3, %get3A_8 : vector<2000x128xf32>
    %get3A_9 = arith.constant 0 : index
    %get3A_10 = arith.constant 0 : index
    %get3A_11 = vector.load %arg2[%get3A_9, %get3A_10] : memref<2000x1xf32, #tpu.memory_space<vmem>>, vector<2000x1xf32>
    %mul3A = vector.broadcast %get3A_11 : vector<2000x1xf32> to vector<2000x128xf32>
    %mul3A_12 = arith.mulf %add3A, %mul3A : vector<2000x128xf32>
    %get3A_13 = arith.constant 0 : index
    %get3A_14 = arith.constant 0 : index
    %get3A_15 = vector.load %arg3[%get3A_13, %get3A_14] : memref<1x128xf32, #tpu.memory_space<vmem>>, vector<1x128xf32>
    %add3A_16 = vector.broadcast %get3A_15 : vector<1x128xf32> to vector<2000x128xf32>
    %add3A_17 = arith.addf %mul3A_12, %add3A_16 : vector<2000x128xf32>
    %swap3A = arith.constant 0 : index
    %swap3A_18 = arith.constant 0 : index
    %swap3A_19 = vector.load %arg4[%swap3A, %swap3A_18] : memref<2000x128xf32, #tpu.memory_space<vmem>>, vector<2000x128xf32>
    tpu.vector_store %arg4[%swap3A, %swap3A_18], %add3A_17 {strides = array<i32>} : memref<2000x128xf32, #tpu.memory_space<vmem>>, vector<2000x128xf32>,
    return
  }
  func.func @transform_0(%arg0: i32) -> (i32, i32, i32) {
    %c0_i32 = arith.constant 0 : i32
    %c0_i32_0 = arith.constant 0 : i32
    %c0_i32_1 = arith.constant 0 : i32
    return %c0_i32, %arg0, %c0_i32_0 : i32, i32, i32
  }
  func.func @transform_1(%arg0: i32) -> (i32, i32) {
    %c0_i32 = arith.constant 0 : i32
    %c0_i32_0 = arith.constant 0 : i32
    return %arg0, %c0_i32 : i32, i32
  }
  func.func @transform_2(%arg0: i32) -> (i32, i32) {
    %c0_i32 = arith.constant 0 : i32
    %c0_i32_0 = arith.constant 0 : i32
    %c0_i32_1 = arith.constant 0 : i32
    return %c0_i32, %c0_i32_0 : i32, i32
  }
  func.func @transform_3(%arg0: i32) -> (i32, i32) {
    %c0_i32 = arith.constant 0 : i32
    %c0_i32_0 = arith.constant 0 : i32
    return %arg0, %c0_i32 : i32, i32
  }
}

</mosaic_0001>

<sc_bundles>
// kernel: kernel.6.cloned.1.call-start
scs
__scs_entry_jumppad:
0x0: {  	(pc) =	sbr.rel $0x88, $3  }
0x1: {  	(tag) =	ssettag $0x0;
	lr =	simm.s32 $0x1  }
0x2: {  	[smem:$0x3F9D] =	sst lr;
	_ =	strace $0xD0000000  }
0x3: {  	_ = 	snop  }
0x4: {  	_ = 	snop  }
0x5: {  	_ = 	snop  }
0x6: {  	_ = 	snop  }
0x7: {  	_ = 	snop  }
__scs_overlays_trampoline_lowered:
0x8: {  	[smem:$0x3FAC] =	sst s0  }
0x9: {  	[smem:$0x3FAD] =	sst s1  }
0xa: {  	[smem:$0x3FAE] =	sst s2  }
0xb: {  	[smem:$0x3FAF] =	sst s3  }
0xc: {  	[smem:$0x3FB0] =	sst s4  }
0xd: {  	[smem:$0x3FB1] =	sst s5  }
0xe: {  	[smem:$0x3FB2] =	sst s6  }
0xf: {  	[smem:$0x3FB3] =	sst s7  }
0x10: {  	[smem:$0x3FB4] =	sst s8  }
0x11: {  	[smem:$0x3FB5] =	sst s9;
	s0 =	simm.s32 @!p0 $0x0  }
0x12: {  	s1 =	sld [smem:$0x3F9B];
	s0 =	simm.s32 @p0 $0x1  }
0x13: {  	[smem:$0x3FB6] =	sst s0;
	s0 =	simm.s32 @!p1 $0x0  }
0x14: {  	s2 =	sld [smem:$0x3F9A];
	s0 =	simm.s32 @p1 $0x1  }
0x15: {  	[smem:$0x3FB7] =	sst s0;
	s0 =	simm.s32 @!p2 $0x0  }
0x16: {  	s3 =	sld [smem:$0x3FDB];
	s0 =	simm.s32 @p2 $0x1  }
0x17: {  	s4 =	simm.s32 $0x1BF5;
	[smem:$0x3FB9] =	sst s0  }
0x18: {  	s0 =	sld [smem:$0x3F9C];
	_ =	swait.ge [sflag:s4], $0x0  }
0x19: {  	s7 =	sld [smem:$0x3F9D]  }
0x1a: {  	s8 =	sadd.s32 $0xFFFFE003, lr  }
0x1b: {  	s9 =	sadd.s32 $0xFFFFFEF7, lr;
	s5 =	simm.s32 $0xFFFFFFFF;
	p2 =	slt.u32 s8, $0xFFFFF086  }
0x1c: {  	p1 =	slt.u32 s9, $0xF7A;
	s5 =	simm.s32 @!p2 $0x0  }
0x1d: {  	s5 =	simm.s32 @p1 $0x1;
	p0 =	seq.s32 s7, s2  }
0x1e: {  	s7 =	smul.u32 @!p0 $0xF7A, s2;
	p2 =	seq.s32 @!p0 s5, $0x0  }
0x1f: {  	s9 =	smul.u32 $0xF7A, s1;
	s8 =	simm.s32 @!p0 $0x1BF5;
	p2 =	por !p2, p0  }
0x20: {  	[sflag:s8] =	ssyncset.s32 @!p0 $0xFFFFF086;
	s6 =	sadd.s32 @!p0 s3, s7;
	s7 =	simm.s32 @!p0 $0x108  }
0x21: {  	s3 =	sadd.s32 s3, s9;
	s6 =	sadd.s32 @!p0 $0x88, s6;
	s7 =	simm.s32 @p2 $0x1082  }
0x22: {  	[simem:s7], [sflag:s8] =	dma.local @!p0 [hbm:s6], $0xF7A  }
0x23: {  	s9 =	sor.u32 $0xD0000000, s2;
	s6 =	simm.s32 $0x108;
	_ =	swait.ge @!p0 [sflag:s8], $0x0  }
0x24: {  	s3 =	sadd.s32 $0x88, s3;
	s6 =	simm.s32 @!p1 $0x1082;
	[sflag:s4] =	ssyncset.s32 $0xFFFFF086  }
0x25: {  	[simem:s6], [sflag:s4] =	dma.local [hbm:s3], $0xF7A  }
0x26: {  	[smem:$0x3F9D] =	sst s1;
	(tag) =	ssettag s2;
	_ =	strace s9  }
0x27: {  	s1 =	sld [smem:$0x3FAD]  }
0x28: {  	s2 =	sld [smem:$0x3FAE]  }
0x29: {  	s4 =	sld [smem:$0x3FB0]  }
0x2a: {  	p0 =	seq.s32 s5, $0x0;
	s5 =	sld [smem:$0x3FB1]  }
0x2b: {  	s6 =	sld [smem:$0x3FB2]  }
0x2c: {  	s7 =	sld [smem:$0x3FB3]  }
0x2d: {  	s3 =	simm.s32 $0x108;
	s8 =	sld [smem:$0x3FB4]  }
0x2e: {  	s3 =	simm.s32 @!p0 $0x1082;
	s9 =	sld [smem:$0x3FB5]  }
0x2f: {  	lr =	sadd.s32 s0, s3;
	s0 =	sld [smem:$0x3FAC]  }
0x30: {  	s3 =	sld [smem:$0x3FAF]  }
0x31: {  	[smem:$0x3FB8] =	sst s10  }
0x32: {  	s10 =	sld [smem:$0x3FB6];
	_ =	sdelay $0x3  }
0x33: {  	p0 =	seq.s32 s10, $0x1;
	s10 =	sld [smem:$0x3FB8];
	_ =	sdelay $0x3  }
0x34: {  	[smem:$0x3FB8] =	sst s10  }
0x35: {  	s10 =	sld [smem:$0x3FB7];
	_ =	sdelay $0x3  }
0x36: {  	p1 =	seq.s32 s10, $0x1;
	s10 =	sld [smem:$0x3FB8];
	_ =	sdelay $0x3  }
0x37: {  	[smem:$0x3FB8] =	sst s10  }
0x38: {  	s10 =	sld [smem:$0x3FB9]  }
0x39: {  	_ = 	snop;
	(pc) =	sbr.ind lr, $3  }
0x3a: {  	_ = 	snop  }
0x3b: {  	_ = 	snop  }
0x3c: {  	p2 =	seq.s32 s10, $0x1;
	s10 =	sld [smem:$0x3FB8]  }
0x3d: {  	_ =	shalt  }
0x3e: {  	_ =	shalt  }
0x3f: {  	_ =	shalt  }
0x40: {  	_ =	shalt  }
0x41: {  	_ =	shalt  }
0x42: {  	_ =	shalt  }
0x43: {  	_ =	shalt  }
0x44: {  	_ =	shalt  }
0x45: {  	_ =	shalt  }
0x46: {  	_ =	shalt  }
0x47: {  	_ =	shalt  }
0x48: {  	_ =	shalt  }
0x49: {  	_ =	shalt  }
0x4a: {  	_ =	shalt  }
0x4b: {  	_ =	shalt  }
0x4c: {  	_ =	shalt  }
0x4d: {  	_ =	shalt  }
0x4e: {  	_ =	shalt  }
0x4f: {  	_ =	shalt  }
0x50: {  	_ =	shalt  }
0x51: {  	_ =	shalt  }
0x52: {  	_ =	shalt  }
0x53: {  	_ =	shalt  }
0x54: {  	_ =	shalt  }
0x55: {  	_ =	shalt  }
0x56: {  	_ =	shalt  }
0x57: {  	_ =	shalt  }
0x58: {  	_ =	shalt  }
0x59: {  	_ =	shalt  }
0x5a: {  	_ =	shalt  }
0x5b: {  	_ =	shalt  }
0x5c: {  	_ =	shalt  }
0x5d: {  	_ =	shalt  }
0x5e: {  	_ =	shalt  }
0x5f: {  	_ =	shalt  }
0x60: {  	_ =	shalt  }
0x61: {  	_ =	shalt  }
0x62: {  	_ =	shalt  }
0x63: {  	_ =	shalt  }
0x64: {  	_ =	shalt  }
0x65: {  	_ =	shalt  }
0x66: {  	_ =	shalt  }
0x67: {  	_ =	shalt  }
0x68: {  	_ =	shalt  }
0x69: {  	_ =	shalt  }
0x6a: {  	_ =	shalt  }
0x6b: {  	_ =	shalt  }
0x6c: {  	_ =	shalt  }
0x6d: {  	_ =	shalt  }
0x6e: {  	_ =	shalt  }
0x6f: {  	_ =	shalt  }
0x70: {  	_ =	shalt  }
0x71: {  	_ =	shalt  }
0x72: {  	_ =	shalt  }
0x73: {  	_ =	shalt  }
0x74: {  	_ =	shalt  }
0x75: {  	_ =	shalt  }
0x76: {  	_ =	shalt  }
0x77: {  	_ =	shalt  }
0x78: {  	_ =	shalt  }
0x79: {  	_ =	shalt  }
0x7a: {  	_ =	shalt  }
0x7b: {  	_ =	shalt  }
0x7c: {  	_ =	shalt  }
0x7d: {  	_ =	shalt  }
0x7e: {  	_ =	shalt  }
0x7f: {  	_ =	shalt  }
0x80: {  	_ =	shalt  }
0x81: {  	_ =	shalt  }
0x82: {  	_ =	shalt  }
0x83: {  	_ =	shalt  }
0x84: {  	_ =	shalt  }
0x85: {  	_ =	shalt  }
0x86: {  	_ =	shalt  }
0x87: {  	_ =	shalt  }
.Lfunc_end0:
.L_simem_size_0:
called_computation_lowered:
.L_overlay_start_0:
0x88: {  	s2 =	sld [smem:$0x3FD9]  }
0x89: {  	s3 =	sld [smem:$0x3FFE];
	_ =	sdelay $0x1  }
0x8a: {  	s1 =	srdreg.scid  }
0x8b: {  	s0 =	sand.u32 $0x1, s1  }
0x8c: {  	s16 =	sshll.u32 s0, $0xA;
	s2 =	sadd.s32 s3, s2  }
0x8d: {  	s2 =	sadd.s32 s2, s16  }
0x8e: {  	[smem:$0x3FC4] =	sst s2  }
0x8f: {  	_ = 	snop  }
0x90: {  	(tm) =	ssettm $0x1  }
0x91: {  	s17 =	sld [smem:$0x3FFB];
	_ =	sdelay $0x3  }
0x92: {  	_ =	strace s17  }
0x93: {  	s2 =	sld [smem:$0x3FFC];
	_ =	sdelay $0x3  }
0x94: {  	_ =	strace s2  }
0x95: {  	s2 =	sld [smem:$0x3FFD];
	_ =	sdelay $0x3  }
0x96: {  	_ =	strace s2  }
0x97: {  	_ =	strace $0x8FFFFFFF  }
0x98: {  	s18 =	sld [smem:$0x3FDB];
	_ =	sdelay $0x1  }
0x99: {  	s19 =	simm.s32 $_scs_section_size  }
0x9a: {  	s4 =	simm.s32 $_size__tile_overlayer_lowered;
	s5 =	simm.s32 $_tile_overlayer_lowered  }
0x9b: {  	s22 =	simm.s32 $0x1BFF;
	s21 =	sshll.u32 s5, $0x1;
	s2 =	sadd.s32 s19, s18  }
0x9c: {  	s6 =	simm.s32 $0x0;
	s20 =	sshll.u32 s4, $0x1;
	s4 =	sadd.s32 s21, s2  }
0x9d: {  	[timem:s6], [sflag:s22] =	dma.local [hbm:s4], s20  }
0x9e: {  	_ =	swait.ge [sflag:s22], s20  }
0x9f: {  	s3 =	ssub.s32 $0x0, s20;
	[sflag:s22] =	ssyncset.done $0x0  }
0xa0: {  	[sflag:s22] =	ssyncadd.s32 s3;
	_ =	sdelay $0x1  }
0xa1: {  	s23 =	simm.s32 $0x1B8B  }
0xa2: {  	_ =	swait.ge [sflag:s23], $0x1  }
0xa3: {  	[sflag:s23] =	ssyncset.done $0x0  }
0xa4: {  	s25 =	simm.s32 $0x1B8E;
	s24 =	sld [smem:$0x3FFE];
	[sflag:s23] =	ssyncadd.s32 $0xFFFFFFFF  }
0xa5: {  	s26 =	simm.s32 $execute0_lowered;
	[smem:$0x3FD2] =	sst s25  }
0xa6: {  	s4 =	sshll.u32 s26, $0x1;
	_ =	strace $0x80000046;
	[dreg:$0x1] =	wrdreg $0xFFFFFFFF  }
0xa7: {  	s28 =	simm.s32 $_size_execute0_lowered;
	s2 =	sadd.s32 s2, s4;
	[dreg:$0x0] =	wrdreg $0x0  }
0xa8: {  	s4 =	sshll.u32 s28, $0x1;
	[dreg:$0x2] =	wrdreg s2  }
0xa9: {  	[dreg:$0x3] =	wrdreg s4  }
0xaa: {  	[dreg:$0x4] =	wrdreg $0xC0  }
0xab: {  	_ =	task [dreg:s6], $0x5FFFF  }
0xac: {  	[dreg:$0x1] =	wrdreg $0xFFFFFFFF  }
0xad: {  	[dreg:$0x0] =	wrdreg $0x60  }
0xae: {  	[dreg:$0x2] =	wrdreg s24  }
0xaf: {  	[dreg:$0x3] =	wrdreg $0x2B000  }
0xb0: {  	[dreg:$0x4] =	wrdreg $0x9  }
0xb1: {  	_ =	task.clear_ibuf [dreg:s6], $0x5FFFF;
	_ =	strace $0x90000046  }
0xb2: {  	s29 =	simm.s32 $0x9;
	_ =	strace $0x80000048  }
0xb3: {  	_ =	swait.ge [sflag:s29], $0x1  }
0xb4: {  	[sflag:s29] =	ssyncadd.s32 $0xFFFFFFFF  }
0xb5: {  	_ =	strace $0x90000048  }
0xb6: {  	_ =	sfence  }
0xb7: {  	s30 =	sld [smem:$0x0];
	_ =	sdelay $0x2  }
0xb8: {  	s31 =	sshll.u32 s1, $0xD;
	s1 =	sshrl.u32 s1, $0x2  }
0xb9: {  	s3 =	sand.u32 $0x4000, s31;
	s1 =	sadd.s32 s1, s30  }
0xba: {  	s0 =	sor.u32 s3, s0;
	s1 =	sshll.u32 s1, $0x11  }
0xbb: {  	s0 =	sor.u32 s1, s0  }
0xbc: {  	s0 =	sadd.s32 $0x8F2B, s0  }
0xbd: {  	[sflag:s0] =	ssyncadd.remote.s32 $0x1  }
0xbe: {  	_ =	sfence.sel $0xFFFF  }
0xbf: {  	[dreg:$0x0] =	wrdreg $0xFFFFFFFF;
	(pc) =	sbr.abs _section_cstart, $3  }
0xc0: {  	[dreg:$0x1] =	wrdreg $0xFFFFFFFF  }
0xc1: {  	_ =	task.clear_ibuf [dreg:s6], $0x2FFFF;
	_ =	strace $0x9FFFFFFF  }
0xc2: {  	(tm) =	ssettm $0x7FFFFFFF  }
0xc3: {  	_ =	shalt  }
tec
execute0_lowered:
.L_overlay_start_1:
0x0: {  	(tag) =	ssettag $0x1  }
0x1: {  	s4 =	rddreg [dreg:$0x0]  }
0x2: {  	s2 =	rddreg [dreg:$0x1]  }
0x3: {  	s0 =	rddreg [dreg:$0x2]  }
0x4: {  	s5 =	srdreg.scid;
	s1 =	stileid.u32  }
0x5: {  	s3 =	simm.s32 $0x0;
	s10 =	simm.s32 $0x80;
	s11 =	simm.s32 $0x2800  }
0x6: {  	s12 =	simm.s32 $0x1;
	s15 =	simm.s32 $0x20;
	s16 =	simm.s32 $0x10  }
0x7: {  	s17 =	simm.s32 $0x0;
	s5 =	sand.u32 $0x1, s5;
	s7 =	smul.u32 $0x500, s1  }
0x8: {  	s6 =	sshll.u32 s1, $0x1;
	[smem:$0x7FF] =	sst s3;
	s30 =	smul.u32 $0xA00, s1  }
0x9: {  	s13 =	sshll.u32 s1, $0x6;
	s6 =	sor.u32 s5, s6;
	_ =	strace $0x80000047  }
0xa: {  	s8 =	sshll.u32 s5, $0x7;
	s5 =	ssub.s32 $0x2, s5;
	s13 =	sor.u32 $0x1C02, s13  }
0xb: {  	s6 =	smul.u32 $0x500, s6;
	s7 =	sor.u32 s8, s7;
	s9 =	sshrl.u32 s5, $0x1  }
0xc: {  	s31 =	sshrl.u32 s30, $0x2;
	s8 =	simm.s32 $0x2880;
	s7 =	sshrl.u32 s7, $0x3  }
0xd: {  	s9 =	ssub.s32 s5, s9;
	s6 =	sadd.s32 s6, s4;
	s7 =	sadd.s32 s7, s4  }
0xe: {  	s4 =	sadd.s32 s31, s2;
	s5 =	sadd.s32 $0x1600, s6;
	s6 =	sadd.s32 $0xB600, s7  }
0xf: {  	v0 =	vimm.f32 $0.0e+00;
	v1 =	vimm.f32 $1.000000000e+00;
	s7 =	smax.u32 s9, $0x1;
	s9 =	simm.s32 $0x2;
	s14 =	sshrl.u32 s4, $0x3  }
.LBB2_1:
0x10: {  	[tilespmem:$0x2880] =	vst v0  }
0x11: {  	[tilespmem:$0x2890] =	vst v0  }
0x12: {  	[tilespmem:$0x28A0] =	vst v0  }
0x13: {  	[tilespmem:$0x28B0] =	vst v0  }
0x14: {  	[tilespmem:$0x28C0] =	vst v0  }
0x15: {  	[tilespmem:$0x28D0] =	vst v0  }
0x16: {  	[tilespmem:$0x28E0] =	vst v0  }
0x17: {  	[tilespmem:$0x28F0] =	vst v0  }
0x18: {  	[tilespmem:$0x2900] =	vst v0  }
0x19: {  	[tilespmem:$0x2910] =	vst v0  }
0x1a: {  	[tilespmem:$0x2920] =	vst v0  }
0x1b: {  	[tilespmem:$0x2930] =	vst v0  }
0x1c: {  	[tilespmem:$0x2940] =	vst v0  }
0x1d: {  	[tilespmem:$0x2950] =	vst v0  }
0x1e: {  	[tilespmem:$0x2960] =	vst v0  }
0x1f: {  	[tilespmem:$0x2970] =	vst v0  }
0x20: {  	[tilespmem:$0x2980] =	vst v0  }
0x21: {  	[tilespmem:$0x2990] =	vst v0  }
0x22: {  	[tilespmem:$0x29A0] =	vst v0  }
0x23: {  	[tilespmem:$0x29B0] =	vst v0  }
0x24: {  	[tilespmem:$0x29C0] =	vst v0  }
0x25: {  	[tilespmem:$0x29D0] =	vst v0  }
0x26: {  	[tilespmem:$0x29E0] =	vst v0  }
0x27: {  	[tilespmem:$0x29F0] =	vst v0  }
0x28: {  	[tilespmem:$0x2A00] =	vst v0  }
0x29: {  	[tilespmem:$0x2A10] =	vst v0  }
0x2a: {  	[tilespmem:$0x2A20] =	vst v0  }
0x2b: {  	[tilespmem:$0x2A30] =	vst v0  }
0x2c: {  	[tilespmem:$0x2A40] =	vst v0  }
0x2d: {  	[tilespmem:$0x2A50] =	vst v0  }
0x2e: {  	[tilespmem:$0x2A60] =	vst v0  }
0x2f: {  	[tilespmem:$0x2A70] =	vst v0  }
0x30: {  	[tilespmem:$0x2A80] =	vst v0  }
0x31: {  	[tilespmem:$0x2A90] =	vst v0  }
0x32: {  	[tilespmem:$0x2AA0] =	vst v0  }
0x33: {  	[tilespmem:$0x2AB0] =	vst v0  }
0x34: {  	[tilespmem:$0x2AC0] =	vst v0  }
0x35: {  	[tilespmem:$0x2AD0] =	vst v0  }
0x36: {  	[tilespmem:$0x2AE0] =	vst v0  }
0x37: {  	[tilespmem:$0x2AF0] =	vst v0  }
0x38: {  	[tilespmem:$0x2800] =	vst v1  }
0x39: {  	[tilespmem:$0x2810] =	vst v1  }
0x3a: {  	[tilespmem:$0x2820] =	vst v1  }
0x3b: {  	[tilespmem:$0x2830] =	vst v1  }
0x3c: {  	[tilespmem:$0x2840] =	vst v1  }
0x3d: {  	[tilespmem:$0x2850] =	vst v1  }
0x3e: {  	[tilespmem:$0x2860] =	vst v1  }
0x3f: {  	[tilespmem:$0x2870] =	vst v1  }
0x40: {  	[spmem:s4] =	stream.linear.scatter [tilespmem:s8], [sflag:$0x2], $0x280, $0x38;
	[tilespmem:$0x2D80] =	vst v63  }
0x41: {  	_ =	swait.ge [sflag:s9], $0x280  }
0x42: {  	[sflag:s9] =	ssyncset.done $0x0  }
0x43: {  	[sflag:s9] =	ssyncadd.s32 $0xFFFFFD80  }
0x44: {  	[tilespmem:s3], [sflag:$0x2] =	stream.linear.gather [hbm4b:s5+s3], $0x2800, $0x38;
	[tilespmem:$0x2D80] =	vst v63  }
0x45: {  	_ =	swait.ge [sflag:s9], $0x2800  }
0x46: {  	[sflag:s9] =	ssyncset.done $0x0  }
0x47: {  	[sflag:s9] =	ssyncadd.s32 $0xFFFFD800  }
0x48: {  	s18 =	simm.s32 $0x0;
	[bflag:$0x0] =	sbarrier.arrive $0xFFFF  }
0x49: {  	[spmem:s2] =	stream.indirect.scatter.add.f32 [tilespmem:s11], [sflag:$0x1], $0x1, s18, s10, $0xb8;
	[tilespmem:$0x2D80] =	vst v63  }
0x4a: {  	s24 =	simm.s32 $0x80  }
0x4b: {  	[spmem:s2] =	stream.indirect.scatter.add.f32 [tilespmem:s11], [sflag:$0x1], $0x1, s24, s10, $0xb8;
	[tilespmem:$0x2D80] =	vst v63  }
0x4c: {  	s25 =	simm.s32 $0x100  }
0x4d: {  	[spmem:s2] =	stream.indirect.scatter.add.f32 [tilespmem:s11], [sflag:$0x1], $0x1, s25, s10, $0xb8;
	[tilespmem:$0x2D80] =	vst v63  }
0x4e: {  	s26 =	simm.s32 $0x180  }
0x4f: {  	[spmem:s2] =	stream.indirect.scatter.add.f32 [tilespmem:s11], [sflag:$0x1], $0x1, s26, s10, $0xb8;
	[tilespmem:$0x2D80] =	vst v63  }
0x50: {  	s28 =	simm.s32 $0x200  }
0x51: {  	[spmem:s2] =	stream.indirect.scatter.add.f32 [tilespmem:s11], [sflag:$0x1], $0x1, s28, s10, $0xb8;
	[tilespmem:$0x2D80] =	vst v63  }
0x52: {  	s29 =	simm.s32 $0x280  }
0x53: {  	[spmem:s2] =	stream.indirect.scatter.add.f32 [tilespmem:s11], [sflag:$0x1], $0x1, s29, s10, $0xb8;
	[tilespmem:$0x2D80] =	vst v63  }
0x54: {  	s30 =	simm.s32 $0x300  }
0x55: {  	[spmem:s2] =	stream.indirect.scatter.add.f32 [tilespmem:s11], [sflag:$0x1], $0x1, s30, s10, $0xb8;
	[tilespmem:$0x2D80] =	vst v63  }
0x56: {  	s31 =	simm.s32 $0x380  }
0x57: {  	[spmem:s2] =	stream.indirect.scatter.add.f32 [tilespmem:s11], [sflag:$0x1], $0x1, s31, s10, $0xb8;
	[tilespmem:$0x2D80] =	vst v63  }
0x58: {  	_ =	swait.ge [sflag:s12], $0x80  }
0x59: {  	[sflag:s12] =	ssyncset.done $0x0  }
0x5a: {  	[sflag:s12] =	ssyncadd.s32 $0xFFFFFF80  }
0x5b: {  	_ =	swait.ge [sflag:s12], $0x80  }
0x5c: {  	[sflag:s12] =	ssyncset.done $0x0  }
0x5d: {  	[sflag:s12] =	ssyncadd.s32 $0xFFFFFF80  }
0x5e: {  	_ =	swait.ge [sflag:s12], $0x80  }
0x5f: {  	[sflag:s12] =	ssyncset.done $0x0  }
0x60: {  	[sflag:s12] =	ssyncadd.s32 $0xFFFFFF80  }
0x61: {  	_ =	swait.ge [sflag:s12], $0x80  }
0x62: {  	[sflag:s12] =	ssyncset.done $0x0  }
0x63: {  	[sflag:s12] =	ssyncadd.s32 $0xFFFFFF80  }
0x64: {  	_ =	swait.ge [sflag:s12], $0x80  }
0x65: {  	[sflag:s12] =	ssyncset.done $0x0  }
0x66: {  	[sflag:s12] =	ssyncadd.s32 $0xFFFFFF80  }
0x67: {  	_ =	swait.ge [sflag:s12], $0x80  }
0x68: {  	[sflag:s12] =	ssyncset.done $0x0  }
0x69: {  	[sflag:s12] =	ssyncadd.s32 $0xFFFFFF80  }
0x6a: {  	_ =	swait.ge [sflag:s12], $0x80  }
0x6b: {  	[sflag:s12] =	ssyncset.done $0x0  }
0x6c: {  	[sflag:s12] =	ssyncadd.s32 $0xFFFFFF80  }
0x6d: {  	_ =	swait.ge [sflag:s12], $0x80  }
0x6e: {  	s20 =	simm.s32 $0x2000;
	s18 =	simm.s32 $0x1000;
	[sflag:s12] =	ssyncset.done $0x0  }
.LBB2_2:
0x6f: {  	s21 =	sshra.s32 s18, $0x2  }
0x70: {  	[sflag:s12] =	ssyncadd.s32 $0xFFFFFF80;
	s18 =	smov.u32 s20;
	s19 =	sadd.s32 $0x1000, s20  }
0x71: {  	[spmem:s2] =	stream.indirect.scatter.add.f32 [tilespmem:s11], [sflag:$0x1], $0x1, s21, s10, $0xb8;
	[tilespmem:$0x2D80] =	vst v63  }
0x72: {  	p0 =	sne.s32 s20, $0x9000;
	s20 =	sadd.s32 $0x80, s21  }
0x73: {  	[spmem:s2] =	stream.indirect.scatter.add.f32 [tilespmem:s11], [sflag:$0x1], $0x1, s20, s10, $0xb8;
	[tilespmem:$0x2D80] =	vst v63  }
0x74: {  	s20 =	sadd.s32 $0x100, s21  }
0x75: {  	[spmem:s2] =	stream.indirect.scatter.add.f32 [tilespmem:s11], [sflag:$0x1], $0x1, s20, s10, $0xb8;
	[tilespmem:$0x2D80] =	vst v63  }
0x76: {  	s20 =	sadd.s32 $0x180, s21  }
0x77: {  	[spmem:s2] =	stream.indirect.scatter.add.f32 [tilespmem:s11], [sflag:$0x1], $0x1, s20, s10, $0xb8;
	[tilespmem:$0x2D80] =	vst v63  }
0x78: {  	s20 =	sadd.s32 $0x200, s21  }
0x79: {  	[spmem:s2] =	stream.indirect.scatter.add.f32 [tilespmem:s11], [sflag:$0x1], $0x1, s20, s10, $0xb8;
	[tilespmem:$0x2D80] =	vst v63  }
0x7a: {  	s20 =	sadd.s32 $0x280, s21  }
0x7b: {  	[spmem:s2] =	stream.indirect.scatter.add.f32 [tilespmem:s11], [sflag:$0x1], $0x1, s20, s10, $0xb8;
	[tilespmem:$0x2D80] =	vst v63  }
0x7c: {  	s20 =	sadd.s32 $0x300, s21  }
0x7d: {  	[spmem:s2] =	stream.indirect.scatter.add.f32 [tilespmem:s11], [sflag:$0x1], $0x1, s20, s10, $0xb8;
	[tilespmem:$0x2D80] =	vst v63  }
0x7e: {  	s20 =	sadd.s32 $0x380, s21  }
0x7f: {  	[spmem:s2] =	stream.indirect.scatter.add.f32 [tilespmem:s11], [sflag:$0x1], $0x1, s20, s10, $0xb8;
	[tilespmem:$0x2D80] =	vst v63  }
0x80: {  	_ =	swait.ge [sflag:s12], $0x80  }
0x81: {  	[sflag:s12] =	ssyncset.done $0x0  }
0x82: {  	[sflag:s12] =	ssyncadd.s32 $0xFFFFFF80  }
0x83: {  	_ =	swait.ge [sflag:s12], $0x80  }
0x84: {  	[sflag:s12] =	ssyncset.done $0x0  }
0x85: {  	[sflag:s12] =	ssyncadd.s32 $0xFFFFFF80  }
0x86: {  	_ =	swait.ge [sflag:s12], $0x80  }
0x87: {  	[sflag:s12] =	ssyncset.done $0x0  }
0x88: {  	[sflag:s12] =	ssyncadd.s32 $0xFFFFFF80  }
0x89: {  	_ =	swait.ge [sflag:s12], $0x80  }
0x8a: {  	[sflag:s12] =	ssyncset.done $0x0  }
0x8b: {  	[sflag:s12] =	ssyncadd.s32 $0xFFFFFF80  }
0x8c: {  	_ =	swait.ge [sflag:s12], $0x80  }
0x8d: {  	[sflag:s12] =	ssyncset.done $0x0  }
0x8e: {  	[sflag:s12] =	ssyncadd.s32 $0xFFFFFF80  }
0x8f: {  	_ =	swait.ge [sflag:s12], $0x80  }
0x90: {  	[sflag:s12] =	ssyncset.done $0x0  }
0x91: {  	[sflag:s12] =	ssyncadd.s32 $0xFFFFFF80  }
.Ltmp0:
0x92: {  	_ =	swait.ge [sflag:s12], $0x80;
	(pc) =	sbr.rel @p0 .LBB2_2-.Ltmp0, $4  }
0x93: {  	[sflag:s12] =	ssyncset.done $0x0  }
0x94: {  	[sflag:s12] =	ssyncadd.s32 $0xFFFFFF80  }
0x95: {  	_ =	swait.ge [sflag:s12], $0x80  }
0x96: {  	s20 =	smov.u32 s19;
	[sflag:s12] =	ssyncset.done $0x0  }
0x97: {  	s18 =	sshra.s32 s18, $0x2;
	[sflag:s12] =	ssyncadd.s32 $0xFFFFFF80  }
0x98: {  	[spmem:s2] =	stream.indirect.scatter.add.f32 [tilespmem:s11], [sflag:$0x1], $0x1, s18, s10, $0xb8;
	[tilespmem:$0x2D80] =	vst v63  }
0x99: {  	s19 =	sadd.s32 $0x80, s18  }
0x9a: {  	[spmem:s2] =	stream.indirect.scatter.add.f32 [tilespmem:s11], [sflag:$0x1], $0x1, s19, s10, $0xb8;
	[tilespmem:$0x2D80] =	vst v63  }
0x9b: {  	s26 =	sadd.s32 $0x100, s18  }
0x9c: {  	[spmem:s2] =	stream.indirect.scatter.add.f32 [tilespmem:s11], [sflag:$0x1], $0x1, s26, s10, $0xb8;
	[tilespmem:$0x2D80] =	vst v63  }
0x9d: {  	s28 =	sadd.s32 $0x180, s18  }
0x9e: {  	[spmem:s2] =	stream.indirect.scatter.add.f32 [tilespmem:s11], [sflag:$0x1], $0x1, s28, s10, $0xb8;
	[tilespmem:$0x2D80] =	vst v63  }
0x9f: {  	s29 =	sadd.s32 $0x200, s18  }
0xa0: {  	[spmem:s2] =	stream.indirect.scatter.add.f32 [tilespmem:s11], [sflag:$0x1], $0x1, s29, s10, $0xb8;
	[tilespmem:$0x2D80] =	vst v63  }
0xa1: {  	s30 =	sadd.s32 $0x280, s18  }
0xa2: {  	[spmem:s2] =	stream.indirect.scatter.add.f32 [tilespmem:s11], [sflag:$0x1], $0x1, s30, s10, $0xb8;
	[tilespmem:$0x2D80] =	vst v63  }
0xa3: {  	s31 =	sadd.s32 $0x300, s18  }
0xa4: {  	[spmem:s2] =	stream.indirect.scatter.add.f32 [tilespmem:s11], [sflag:$0x1], $0x1, s31, s10, $0xb8;
	[tilespmem:$0x2D80] =	vst v63  }
0xa5: {  	s18 =	sadd.s32 $0x380, s18  }
0xa6: {  	[spmem:s2] =	stream.indirect.scatter.add.f32 [tilespmem:s11], [sflag:$0x1], $0x1, s18, s10, $0xb8;
	[tilespmem:$0x2D80] =	vst v63  }
0xa7: {  	_ =	swait.ge [sflag:s12], $0x80  }
0xa8: {  	[sflag:s12] =	ssyncset.done $0x0  }
0xa9: {  	[sflag:s12] =	ssyncadd.s32 $0xFFFFFF80  }
0xaa: {  	_ =	swait.ge [sflag:s12], $0x80  }
0xab: {  	[sflag:s12] =	ssyncset.done $0x0  }
0xac: {  	[sflag:s12] =	ssyncadd.s32 $0xFFFFFF80  }
0xad: {  	_ =	swait.ge [sflag:s12], $0x80  }
0xae: {  	[sflag:s12] =	ssyncset.done $0x0  }
0xaf: {  	[sflag:s12] =	ssyncadd.s32 $0xFFFFFF80  }
0xb0: {  	_ =	swait.ge [sflag:s12], $0x80  }
0xb1: {  	[sflag:s12] =	ssyncset.done $0x0  }
0xb2: {  	[sflag:s12] =	ssyncadd.s32 $0xFFFFFF80  }
0xb3: {  	_ =	swait.ge [sflag:s12], $0x80  }
0xb4: {  	[sflag:s12] =	ssyncset.done $0x0  }
0xb5: {  	[sflag:s12] =	ssyncadd.s32 $0xFFFFFF80  }
0xb6: {  	_ =	swait.ge [sflag:s12], $0x80  }
0xb7: {  	[sflag:s12] =	ssyncset.done $0x0  }
0xb8: {  	[sflag:s12] =	ssyncadd.s32 $0xFFFFFF80  }
0xb9: {  	_ =	swait.ge [sflag:s12], $0x80  }
0xba: {  	[sflag:s12] =	ssyncset.done $0x0  }
0xbb: {  	[sflag:s12] =	ssyncadd.s32 $0xFFFFFF80  }
0xbc: {  	_ =	swait.ge [sflag:s12], $0x80  }
0xbd: {  	s17 =	sadd.s32 $0x1, s17;
	[sflag:s12] =	ssyncset.done $0x0  }
0xbe: {  	p0 =	sne.s32 s17, s7;
	[sflag:s12] =	ssyncadd.s32 $0xFFFFFF80  }
.Ltmp1:
0xbf: {  	[bflag:$0x0] =	sbarrier.arrive $0xFFFF;
	(pc) =	sbr.rel @p0 .LBB2_1-.Ltmp1, $4  }
0xc0: {  	[hbm:s6@s15], [sflag:s13] =	dma.strided [spmem:s14@s16], $0x50, s12, $0x10   }
0xc1: {  	_ =	swait.ge [sflag:s9], $0x50  }
0xc2: {  	[sflag:s9] =	ssyncset.done $0x0  }
0xc3: {  	[sflag:s9] =	ssyncadd.s32 $0xFFFFFFB0  }
0xc4: {  	_ =	sfence.sel $0x180000  }
0xc5: {  	[bflag:$0x0] =	sbarrier.arrive $0xFFFF  }
0xc6: {  	p0 =	sne.s32 s1, $0x0;
	_ =	strace $0x90000047  }
0xc7: {  	s0 =	sadd.s32 @!p0 $0x100000, s0;
	[bflag:$0x2] =	sbarrier.arrive $0xFFFF  }
0xc8: {  	[sflag:s0] =	ssyncadd.tile.s32 @!p0 $0x1;
	_ =	shalt  }
.Lfunc_end2:
_tile_overlayer_lowered:
.L_overlay_start_2:
0xc9: {  	(tag) =	ssettag $0x2  }
0xca: {  	s0 =	rddreg [dreg:$0x0];
	s2 =	stileid.u32  }
0xcb: {  	s1 =	rddreg [dreg:$0x1];
	p0 =	sne.s32 s2, $0x0  }
0xcc: {  	s3 =	rddreg [dreg:$0x2];
	[bflag:$0x3] =	sbarrier.arrive $0xFFFF;
	s2 =	simm.s32 @!p0 $0x1C02  }
0xcd: {  	[timem:s3], [sflag:s2] =	dma.local @!p0 [hbm:s0], s1  }
0xce: {  	s0 =	simm.s32 @!p0 $0x2  }
0xcf: {  	_ =	swait.ge @!p0 [sflag:s0], s1  }
0xd0: {  	s1 =	ssub.s32 @!p0 $0x0, s1;
	[sflag:s0] =	ssyncset.done @!p0 $0x0  }
0xd1: {  	[sflag:s0] =	ssyncadd.s32 @!p0 s1  }
0xd2: {  	[bflag:$0x3] =	sbarrier.arrive $0xFFFF  }
0xd3: {  	_ =	shalt  }

// kernel: kernel.9.cloned.1.call-start
scs
__scs_entry_jumppad:
0x0: {  	(pc) =	sbr.rel $0x88, $3  }
0x1: {  	(tag) =	ssettag $0x0;
	lr =	simm.s32 $0x1  }
0x2: {  	[smem:$0x3F9D] =	sst lr;
	_ =	strace $0xD0000000  }
0x3: {  	_ = 	snop  }
0x4: {  	_ = 	snop  }
0x5: {  	_ = 	snop  }
0x6: {  	_ = 	snop  }
0x7: {  	_ = 	snop  }
__scs_overlays_trampoline_lowered:
0x8: {  	[smem:$0x3FAC] =	sst s0  }
0x9: {  	[smem:$0x3FAD] =	sst s1  }
0xa: {  	[smem:$0x3FAE] =	sst s2  }
0xb: {  	[smem:$0x3FAF] =	sst s3  }
0xc: {  	[smem:$0x3FB0] =	sst s4  }
0xd: {  	[smem:$0x3FB1] =	sst s5  }
0xe: {  	[smem:$0x3FB2] =	sst s6  }
0xf: {  	[smem:$0x3FB3] =	sst s7  }
0x10: {  	[smem:$0x3FB4] =	sst s8  }
0x11: {  	[smem:$0x3FB5] =	sst s9;
	s0 =	simm.s32 @!p0 $0x0  }
0x12: {  	s1 =	sld [smem:$0x3F9B];
	s0 =	simm.s32 @p0 $0x1  }
0x13: {  	[smem:$0x3FB6] =	sst s0;
	s0 =	simm.s32 @!p1 $0x0  }
0x14: {  	s2 =	sld [smem:$0x3F9A];
	s0 =	simm.s32 @p1 $0x1  }
0x15: {  	[smem:$0x3FB7] =	sst s0;
	s0 =	simm.s32 @!p2 $0x0  }
0x16: {  	s3 =	sld [smem:$0x3FDB];
	s0 =	simm.s32 @p2 $0x1  }
0x17: {  	s4 =	simm.s32 $0x1BF5;
	[smem:$0x3FB9] =	sst s0  }
0x18: {  	s0 =	sld [smem:$0x3F9C];
	_ =	swait.ge [sflag:s4], $0x0  }
0x19: {  	s7 =	sld [smem:$0x3F9D]  }
0x1a: {  	s8 =	sadd.s32 $0xFFFFE003, lr  }
0x1b: {  	s9 =	sadd.s32 $0xFFFFFEF7, lr;
	s5 =	simm.s32 $0xFFFFFFFF;
	p2 =	slt.u32 s8, $0xFFFFF086  }
0x1c: {  	p1 =	slt.u32 s9, $0xF7A;
	s5 =	simm.s32 @!p2 $0x0  }
0x1d: {  	s5 =	simm.s32 @p1 $0x1;
	p0 =	seq.s32 s7, s2  }
0x1e: {  	s7 =	smul.u32 @!p0 $0xF7A, s2;
	p2 =	seq.s32 @!p0 s5, $0x0  }
0x1f: {  	s9 =	smul.u32 $0xF7A, s1;
	s8 =	simm.s32 @!p0 $0x1BF5;
	p2 =	por !p2, p0  }
0x20: {  	[sflag:s8] =	ssyncset.s32 @!p0 $0xFFFFF086;
	s6 =	sadd.s32 @!p0 s3, s7;
	s7 =	simm.s32 @!p0 $0x108  }
0x21: {  	s3 =	sadd.s32 s3, s9;
	s6 =	sadd.s32 @!p0 $0x88, s6;
	s7 =	simm.s32 @p2 $0x1082  }
0x22: {  	[simem:s7], [sflag:s8] =	dma.local @!p0 [hbm:s6], $0xF7A  }
0x23: {  	s9 =	sor.u32 $0xD0000000, s2;
	s6 =	simm.s32 $0x108;
	_ =	swait.ge @!p0 [sflag:s8], $0x0  }
0x24: {  	s3 =	sadd.s32 $0x88, s3;
	s6 =	simm.s32 @!p1 $0x1082;
	[sflag:s4] =	ssyncset.s32 $0xFFFFF086  }
0x25: {  	[simem:s6], [sflag:s4] =	dma.local [hbm:s3], $0xF7A  }
0x26: {  	[smem:$0x3F9D] =	sst s1;
	(tag) =	ssettag s2;
	_ =	strace s9  }
0x27: {  	s1 =	sld [smem:$0x3FAD]  }
0x28: {  	s2 =	sld [smem:$0x3FAE]  }
0x29: {  	s4 =	sld [smem:$0x3FB0]  }
0x2a: {  	p0 =	seq.s32 s5, $0x0;
	s5 =	sld [smem:$0x3FB1]  }
0x2b: {  	s6 =	sld [smem:$0x3FB2]  }
0x2c: {  	s7 =	sld [smem:$0x3FB3]  }
0x2d: {  	s3 =	simm.s32 $0x108;
	s8 =	sld [smem:$0x3FB4]  }
0x2e: {  	s3 =	simm.s32 @!p0 $0x1082;
	s9 =	sld [smem:$0x3FB5]  }
0x2f: {  	lr =	sadd.s32 s0, s3;
	s0 =	sld [smem:$0x3FAC]  }
0x30: {  	s3 =	sld [smem:$0x3FAF]  }
0x31: {  	[smem:$0x3FB8] =	sst s10  }
0x32: {  	s10 =	sld [smem:$0x3FB6];
	_ =	sdelay $0x3  }
0x33: {  	p0 =	seq.s32 s10, $0x1;
	s10 =	sld [smem:$0x3FB8];
	_ =	sdelay $0x3  }
0x34: {  	[smem:$0x3FB8] =	sst s10  }
0x35: {  	s10 =	sld [smem:$0x3FB7];
	_ =	sdelay $0x3  }
0x36: {  	p1 =	seq.s32 s10, $0x1;
	s10 =	sld [smem:$0x3FB8];
	_ =	sdelay $0x3  }
0x37: {  	[smem:$0x3FB8] =	sst s10  }
0x38: {  	s10 =	sld [smem:$0x3FB9]  }
0x39: {  	_ = 	snop;
	(pc) =	sbr.ind lr, $3  }
0x3a: {  	_ = 	snop  }
0x3b: {  	_ = 	snop  }
0x3c: {  	p2 =	seq.s32 s10, $0x1;
	s10 =	sld [smem:$0x3FB8]  }
0x3d: {  	_ =	shalt  }
0x3e: {  	_ =	shalt  }
0x3f: {  	_ =	shalt  }
0x40: {  	_ =	shalt  }
0x41: {  	_ =	shalt  }
0x42: {  	_ =	shalt  }
0x43: {  	_ =	shalt  }
0x44: {  	_ =	shalt  }
0x45: {  	_ =	shalt  }
0x46: {  	_ =	shalt  }
0x47: {  	_ =	shalt  }
0x48: {  	_ =	shalt  }
0x49: {  	_ =	shalt  }
0x4a: {  	_ =	shalt  }
0x4b: {  	_ =	shalt  }
0x4c: {  	_ =	shalt  }
0x4d: {  	_ =	shalt  }
0x4e: {  	_ =	shalt  }
0x4f: {  	_ =	shalt  }
0x50: {  	_ =	shalt  }
0x51: {  	_ =	shalt  }
0x52: {  	_ =	shalt  }
0x53: {  	_ =	shalt  }
0x54: {  	_ =	shalt  }
0x55: {  	_ =	shalt  }
0x56: {  	_ =	shalt  }
0x57: {  	_ =	shalt  }
0x58: {  	_ =	shalt  }
0x59: {  	_ =	shalt  }
0x5a: {  	_ =	shalt  }
0x5b: {  	_ =	shalt  }
0x5c: {  	_ =	shalt  }
0x5d: {  	_ =	shalt  }
0x5e: {  	_ =	shalt  }
0x5f: {  	_ =	shalt  }
0x60: {  	_ =	shalt  }
0x61: {  	_ =	shalt  }
0x62: {  	_ =	shalt  }
0x63: {  	_ =	shalt  }
0x64: {  	_ =	shalt  }
0x65: {  	_ =	shalt  }
0x66: {  	_ =	shalt  }
0x67: {  	_ =	shalt  }
0x68: {  	_ =	shalt  }
0x69: {  	_ =	shalt  }
0x6a: {  	_ =	shalt  }
0x6b: {  	_ =	shalt  }
0x6c: {  	_ =	shalt  }
0x6d: {  	_ =	shalt  }
0x6e: {  	_ =	shalt  }
0x6f: {  	_ =	shalt  }
0x70: {  	_ =	shalt  }
0x71: {  	_ =	shalt  }
0x72: {  	_ =	shalt  }
0x73: {  	_ =	shalt  }
0x74: {  	_ =	shalt  }
0x75: {  	_ =	shalt  }
0x76: {  	_ =	shalt  }
0x77: {  	_ =	shalt  }
0x78: {  	_ =	shalt  }
0x79: {  	_ =	shalt  }
0x7a: {  	_ =	shalt  }
0x7b: {  	_ =	shalt  }
0x7c: {  	_ =	shalt  }
0x7d: {  	_ =	shalt  }
0x7e: {  	_ =	shalt  }
0x7f: {  	_ =	shalt  }
0x80: {  	_ =	shalt  }
0x81: {  	_ =	shalt  }
0x82: {  	_ =	shalt  }
0x83: {  	_ =	shalt  }
0x84: {  	_ =	shalt  }
0x85: {  	_ =	shalt  }
0x86: {  	_ =	shalt  }
0x87: {  	_ =	shalt  }
.Lfunc_end0:
.L_simem_size_0:
called_computation.1_lowered:
.L_overlay_start_0:
0x88: {  	s2 =	sld [smem:$0x3FD9]  }
0x89: {  	s3 =	sld [smem:$0x3FFE];
	_ =	sdelay $0x1  }
0x8a: {  	s1 =	srdreg.scid  }
0x8b: {  	s0 =	sand.u32 $0x1, s1  }
0x8c: {  	s17 =	sshll.u32 s0, $0xA;
	s2 =	sadd.s32 s3, s2  }
0x8d: {  	s2 =	sadd.s32 s2, s17  }
0x8e: {  	[smem:$0x3FC4] =	sst s2  }
0x8f: {  	_ = 	snop  }
0x90: {  	s2 =	sld [smem:$0x3FD0];
	(tm) =	ssettm $0x1  }
0x91: {  	s18 =	sld [smem:$0x3FFB];
	_ =	sdelay $0x3  }
0x92: {  	_ =	strace s18  }
0x93: {  	s3 =	sld [smem:$0x3FFC];
	_ =	sdelay $0x3  }
0x94: {  	_ =	strace s3  }
0x95: {  	s3 =	sld [smem:$0x3FFD];
	_ =	sdelay $0x3  }
0x96: {  	_ =	strace s3  }
0x97: {  	_ =	strace $0x8FFFFFFF  }
0x98: {  	s19 =	sld [smem:$0x3FDB];
	_ =	sdelay $0x1  }
0x99: {  	s4 =	simm.s32 $_scs_section_size  }
0x9a: {  	s5 =	simm.s32 $_size__tile_overlayer_lowered;
	s6 =	simm.s32 $_tile_overlayer_lowered  }
0x9b: {  	s22 =	simm.s32 $0x1BFF;
	s21 =	sshll.u32 s6, $0x1;
	s3 =	sadd.s32 s4, s19  }
0x9c: {  	s7 =	simm.s32 $0x0;
	s20 =	sshll.u32 s5, $0x1;
	s5 =	sadd.s32 s21, s3  }
0x9d: {  	[timem:s7], [sflag:s22] =	dma.local [hbm:s5], s20  }
0x9e: {  	_ =	swait.ge [sflag:s22], s20  }
0x9f: {  	s4 =	ssub.s32 $0x0, s20;
	[sflag:s22] =	ssyncset.done $0x0  }
0xa0: {  	[sflag:s22] =	ssyncadd.s32 s4;
	_ =	sdelay $0x1  }
0xa1: {  	s23 =	simm.s32 $0x1B8B  }
0xa2: {  	_ =	swait.ge [sflag:s23], $0x1  }
0xa3: {  	[sflag:s23] =	ssyncset.done $0x0  }
0xa4: {  	s25 =	simm.s32 $0x1B8E;
	s24 =	sld [smem:$0x3FFE];
	[sflag:s23] =	ssyncadd.s32 $0xFFFFFFFF  }
0xa5: {  	s26 =	simm.s32 $execute0_lowered;
	[smem:$0x3FD2] =	sst s25  }
0xa6: {  	s5 =	sshll.u32 s26, $0x1;
	_ =	strace $0x80000049;
	[dreg:$0x1] =	wrdreg $0xFFFFFFFF  }
0xa7: {  	s28 =	simm.s32 $_size_execute0_lowered;
	s3 =	sadd.s32 s3, s5;
	[dreg:$0x0] =	wrdreg $0x0  }
0xa8: {  	s5 =	sshll.u32 s28, $0x1;
	[dreg:$0x2] =	wrdreg s3  }
0xa9: {  	[dreg:$0x3] =	wrdreg s5  }
0xaa: {  	[dreg:$0x4] =	wrdreg $0xC0  }
0xab: {  	_ =	task [dreg:s7], $0x5FFFF  }
0xac: {  	[dreg:$0x1] =	wrdreg $0xFFFFFFFF  }
0xad: {  	[dreg:$0x0] =	wrdreg $0x60  }
0xae: {  	[dreg:$0x2] =	wrdreg s24  }
0xaf: {  	[dreg:$0x3] =	wrdreg s2  }
0xb0: {  	[dreg:$0x4] =	wrdreg $0xB0000  }
0xb1: {  	[dreg:$0x5] =	wrdreg $0x9  }
0xb2: {  	_ =	task.clear_ibuf [dreg:s7], $0x6FFFF;
	_ =	strace $0x90000049  }
0xb3: {  	s29 =	simm.s32 $0x9;
	_ =	strace $0x8000004B  }
0xb4: {  	_ =	swait.ge [sflag:s29], $0x1  }
0xb5: {  	[sflag:s29] =	ssyncadd.s32 $0xFFFFFFFF  }
0xb6: {  	_ =	strace $0x9000004B  }
0xb7: {  	_ =	sfence  }
0xb8: {  	s30 =	sld [smem:$0x0];
	_ =	sdelay $0x2  }
0xb9: {  	s31 =	sshll.u32 s1, $0xD;
	s1 =	sshrl.u32 s1, $0x2  }
0xba: {  	s3 =	sand.u32 $0x4000, s31;
	s1 =	sadd.s32 s1, s30  }
0xbb: {  	s0 =	sor.u32 s3, s0;
	s1 =	sshll.u32 s1, $0x11  }
0xbc: {  	s0 =	sor.u32 s1, s0  }
0xbd: {  	s0 =	sadd.s32 $0x8F2B, s0  }
0xbe: {  	[sflag:s0] =	ssyncadd.remote.s32 $0x1  }
0xbf: {  	_ =	sfence.sel $0xFFFF  }
0xc0: {  	[dreg:$0x0] =	wrdreg $0xFFFFFFFF;
	(pc) =	sbr.abs _section_cstart, $3  }
0xc1: {  	[dreg:$0x1] =	wrdreg $0xFFFFFFFF  }
0xc2: {  	_ =	task.clear_ibuf [dreg:s7], $0x2FFFF;
	_ =	strace $0x9FFFFFFF  }
0xc3: {  	(tm) =	ssettm $0x7FFFFFFF  }
tec
execute0_lowered:
.L_overlay_start_1:
0x0: {  	(tag) =	ssettag $0x1  }
0x1: {  	s0 =	rddreg [dreg:$0x0]  }
0x2: {  	s2 =	rddreg [dreg:$0x1]  }
0x3: {  	s1 =	rddreg [dreg:$0x2];
	s4 =	srdreg.scid;
	s3 =	simm.s32 $0x0  }
0x4: {  	s20 =	stileid.u32;
	s28 =	simm.s32 $0xA;
	s29 =	simm.s32 $0xB  }
0x5: {  	s30 =	simm.s32 $0x50;
	s31 =	simm.s32 $0x1;
	s4 =	sand.u32 $0x1, s4  }
0x6: {  	[smem:$0x7FF] =	sst s3;
	s7 =	smul.u32 $0x14000, s20;
	s8 =	sadd.s32 $0xC000, s0  }
0x7: {  	s9 =	sadd.s32 $0x44000, s0;
	s13 =	sshll.u32 s20, $0xF;
	s5 =	ssub.s32 $0x2, s4  }
0x8: {  	_ =	strace $0x8000004A;
	s14 =	sshll.u32 s4, $0xE;
	s4 =	smul.u32 $0x140000, s4  }
0x9: {  	s6 =	sshrl.u32 s5, $0x1;
	s10 =	sadd.s32 $0x5000, s7;
	s11 =	sadd.s32 $0x7800, s7  }
0xa: {  	s12 =	sadd.s32 $0xA000, s7;
	s15 =	sadd.s32 $0xC800, s7;
	s13 =	sor.u32 s14, s13  }
0xb: {  	s14 =	sadd.s32 $0xF000, s7;
	s17 =	sadd.s32 $0x11800, s7;
	s5 =	ssub.s32 s5, s6  }
0xc: {  	s6 =	sor.u32 $0x2800, s7;
	s16 =	sshrl.u32 s13, $0x3;
	s7 =	sadd.s32 s7, s4  }
0xd: {  	s19 =	sadd.s32 s4, s10;
	s23 =	sadd.s32 s4, s11;
	s24 =	sadd.s32 s4, s12  }
0xe: {  	s25 =	sadd.s32 s4, s15;
	s13 =	sor.u32 $0x400, s13;
	s15 =	sadd.s32 s15, s1  }
0xf: {  	s18 =	sadd.s32 s4, s6;
	s7 =	sshrl.u32 s7, $0x3;
	s19 =	sshrl.u32 s19, $0x3  }
0x10: {  	s13 =	sshrl.u32 s13, $0x3;
	[dreg:$0x17] =	wrdreg s15;
	s7 =	sadd.s32 s9, s7  }
0x11: {  	s18 =	sshrl.u32 s18, $0x3;
	s22 =	sadd.s32 s9, s19;
	[dreg:$0x6] =	wrdreg s7  }
0x12: {  	s19 =	sshrl.u32 s25, $0x3;
	s25 =	sadd.s32 s8, s16;
	[dreg:$0x8] =	wrdreg s22  }
0x13: {  	s21 =	sadd.s32 s9, s18;
	s7 =	sshrl.u32 s23, $0x3;
	[dreg:$0xf] =	wrdreg s25  }
0x14: {  	s18 =	sshrl.u32 s24, $0x3;
	s24 =	sadd.s32 s2, s16;
	[dreg:$0x7] =	wrdreg s21  }
0x15: {  	s22 =	smul.u32 $0x50000, s20;
	s20 =	sadd.s32 s10, s1;
	[dreg:$0xe] =	wrdreg s24  }
0x16: {  	s23 =	sor.u32 $0x80, s16;
	s7 =	sadd.s32 s9, s7;
	[dreg:$0x14] =	wrdreg s20  }
0x17: {  	s16 =	sadd.s32 $0x1C000, s0;
	s26 =	sadd.s32 s9, s18;
	[dreg:$0x9] =	wrdreg s7  }
0x18: {  	s0 =	simm.s32 $0x3800;
	s18 =	sadd.s32 s9, s19;
	[dreg:$0xa] =	wrdreg s26  }
0x19: {  	s10 =	simm.s32 $0x7;
	s21 =	sadd.s32 s13, s8;
	[dreg:$0xb] =	wrdreg s18  }
0x1a: {  	s19 =	sadd.s32 s4, s14;
	s8 =	sadd.s32 s8, s23;
	[dreg:$0x4] =	wrdreg s21  }
0x1b: {  	s4 =	sadd.s32 s4, s17;
	s17 =	sadd.s32 s17, s1;
	[dreg:$0x10] =	wrdreg s8  }
0x1c: {  	s7 =	sshrl.u32 s19, $0x3;
	s26 =	smax.u32 s5, $0x1;
	[dreg:$0x19] =	wrdreg s17  }
0x1d: {  	s4 =	sshrl.u32 s4, $0x3;
	s19 =	sadd.s32 s6, s1;
	[dreg:$0x1a] =	wrdreg s26  }
0x1e: {  	s21 =	sadd.s32 s11, s1;
	s5 =	simm.s32 $0x2;
	[dreg:$0x13] =	wrdreg s19  }
0x1f: {  	s6 =	simm.s32 $0x5;
	s7 =	sadd.s32 s9, s7;
	[dreg:$0x15] =	wrdreg s21  }
0x20: {  	s8 =	simm.s32 $0x6;
	s4 =	sadd.s32 s9, s4;
	[dreg:$0xc] =	wrdreg s7  }
0x21: {  	s11 =	simm.s32 $0x8;
	[dreg:$0xd] =	wrdreg s4;
	s7 =	sadd.s32 s2, s23  }
0x22: {  	s26 =	simm.s32 $0x1000;
	s2 =	sadd.s32 s13, s2;
	[dreg:$0x11] =	wrdreg s7  }
0x23: {  	s4 =	sshrl.u32 s22, $0x2;
	s22 =	sadd.s32 s12, s1;
	[dreg:$0x5] =	wrdreg s2  }
0x24: {  	s9 =	simm.s32 $0x4;
	s23 =	sadd.s32 s14, s1;
	[dreg:$0x16] =	wrdreg s22  }
0x25: {  	s18 =	sadd.s32 s4, s1;
	s2 =	simm.s32 $0x6000;
	[dreg:$0x18] =	wrdreg s23  }
0x26: {  	v0 =	vimm.f32 $0.0e+00;
	s4 =	simm.s32 $0x8800;
	s7 =	simm.s32 $0x3;
	[dreg:$0x12] =	wrdreg s18  }
.LBB2_1:
0x27: {  	s12 =	simm.s32 $0x70;
	s13 =	simm.s32 $0x3C0  }
.LBB2_2:
0x28: {  	p0 =	sne.s32 s13, $0x9FC0;
	[tilespmem:s12+$0x1000] =	vst v0  }
0x29: {  	[tilespmem:s12+$0xF90] =	vst v0  }
0x2a: {  	[tilespmem:s12+$0xFA0] =	vst v0  }
.Ltmp0:
0x2b: {  	[tilespmem:s12+$0xFB0] =	vst v0;
	(pc) =	sbr.rel @p0 .LBB2_2-.Ltmp0, $4  }
0x2c: {  	[tilespmem:s12+$0xFC0] =	vst v0  }
0x2d: {  	[tilespmem:s12+$0xFD0] =	vst v0  }
0x2e: {  	[tilespmem:s12+$0xFE0] =	vst v0  }
0x2f: {  	[tilespmem:s12+$0xFF0] =	vst v0;
	s12 =	sshra.s32 s13, $0x2;
	s13 =	sadd.s32 $0x200, s13  }
0x30: {  	[tilespmem:s12+$0x1000] =	vst v0  }
0x31: {  	[tilespmem:s12+$0xF90] =	vst v0  }
0x32: {  	[tilespmem:s12+$0xFA0] =	vst v0  }
0x33: {  	[tilespmem:s12+$0xFB0] =	vst v0  }
0x34: {  	[tilespmem:s12+$0xFC0] =	vst v0  }
0x35: {  	[tilespmem:s12+$0xFD0] =	vst v0  }
0x36: {  	[tilespmem:s12+$0xFE0] =	vst v0  }
0x37: {  	[tilespmem:s12+$0xFF0] =	vst v0  }
0x38: {  	[spmem:s18] =	stream.linear.scatter [tilespmem:s26], [sflag:$0xA], $0x2800, $0x38;
	[tilespmem:$0x1F000] =	vst v63  }
0x39: {  	_ = 	snop  }
0x3a: {  	[spmem:s19] =	stream.linear.scatter [tilespmem:s26], [sflag:$0xA], $0x2800, $0x38;
	[tilespmem:$0x1F000] =	vst v63  }
0x3b: {  	_ = 	snop  }
0x3c: {  	[spmem:s20] =	stream.linear.scatter [tilespmem:s26], [sflag:$0xA], $0x2800, $0x38;
	[tilespmem:$0x1F000] =	vst v63  }
0x3d: {  	_ = 	snop  }
0x3e: {  	[spmem:s21] =	stream.linear.scatter [tilespmem:s26], [sflag:$0xA], $0x2800, $0x38;
	[tilespmem:$0x1F000] =	vst v63  }
0x3f: {  	_ = 	snop  }
0x40: {  	[spmem:s22] =	stream.linear.scatter [tilespmem:s26], [sflag:$0xA], $0x2800, $0x38;
	[tilespmem:$0x1F000] =	vst v63  }
0x41: {  	_ = 	snop  }
0x42: {  	[spmem:s15] =	stream.linear.scatter [tilespmem:s26], [sflag:$0xA], $0x2800, $0x38;
	[tilespmem:$0x1F000] =	vst v63  }
0x43: {  	_ = 	snop  }
0x44: {  	[spmem:s23] =	stream.linear.scatter [tilespmem:s26], [sflag:$0xA], $0x2800, $0x38;
	[tilespmem:$0x1F000] =	vst v63  }
0x45: {  	_ = 	snop  }
0x46: {  	[spmem:s17] =	stream.linear.scatter [tilespmem:s26], [sflag:$0xA], $0x2800, $0x38;
	[tilespmem:$0x1F000] =	vst v63  }
0x47: {  	_ =	swait.ge [sflag:s28], $0x2800  }
0x48: {  	[sflag:s28] =	ssyncset.done $0x0  }
0x49: {  	[sflag:s28] =	ssyncadd.s32 $0xFFFFD800  }
0x4a: {  	_ =	swait.ge [sflag:s28], $0x2800  }
0x4b: {  	[sflag:s28] =	ssyncset.done $0x0  }
0x4c: {  	[sflag:s28] =	ssyncadd.s32 $0xFFFFD800  }
0x4d: {  	_ =	swait.ge [sflag:s28], $0x2800  }
0x4e: {  	[sflag:s28] =	ssyncset.done $0x0  }
0x4f: {  	[sflag:s28] =	ssyncadd.s32 $0xFFFFD800  }
0x50: {  	_ =	swait.ge [sflag:s28], $0x2800  }
0x51: {  	[sflag:s28] =	ssyncset.done $0x0  }
0x52: {  	[sflag:s28] =	ssyncadd.s32 $0xFFFFD800  }
0x53: {  	_ =	swait.ge [sflag:s28], $0x2800  }
0x54: {  	[sflag:s28] =	ssyncset.done $0x0  }
0x55: {  	[sflag:s28] =	ssyncadd.s32 $0xFFFFD800  }
0x56: {  	_ =	swait.ge [sflag:s28], $0x2800  }
0x57: {  	[sflag:s28] =	ssyncset.done $0x0  }
0x58: {  	[sflag:s28] =	ssyncadd.s32 $0xFFFFD800  }
0x59: {  	_ =	swait.ge [sflag:s28], $0x2800  }
0x5a: {  	[sflag:s28] =	ssyncset.done $0x0  }
0x5b: {  	[sflag:s28] =	ssyncadd.s32 $0xFFFFD800  }
0x5c: {  	_ =	swait.ge [sflag:s28], $0x2800  }
0x5d: {  	[sflag:s28] =	ssyncset.done $0x0  }
0x5e: {  	s15 =	simm.s32 $0x0;
	s13 =	rddreg [dreg:$0xe];
	[sflag:s28] =	ssyncadd.s32 $0xFFFFD800  }
0x5f: {  	[tilespmem:s15], [sflag:$0xB] =	stream.linear.gather [hbm4b:s13+s15], $0x400, $0x38;
	[tilespmem:$0x1F000] =	vst v63  }
0x60: {  	_ =	swait.ge [sflag:s29], $0x400  }
0x61: {  	[sflag:s29] =	ssyncset.done $0x0  }
0x62: {  	s14 =	simm.s32 $0x800;
	s17 =	rddreg [dreg:$0xf];
	[sflag:s29] =	ssyncadd.s32 $0xFFFFFC00  }
0x63: {  	[tilespmem:s14], [sflag:$0xB] =	stream.linear.gather [hbm4b:s17+s15], $0x400, $0x38;
	[tilespmem:$0x1F000] =	vst v63  }
0x64: {  	_ =	swait.ge [sflag:s29], $0x400  }
0x65: {  	[sflag:s29] =	ssyncset.done $0x0  }
0x66: {  	s19 =	simm.s32 $0x400;
	s18 =	rddreg [dreg:$0x11];
	[sflag:s29] =	ssyncadd.s32 $0xFFFFFC00  }
0x67: {  	[tilespmem:s19], [sflag:$0x9] =	stream.linear.gather [hbm4b:s18+s15], $0x400, $0x38;
	[tilespmem:$0x1F000] =	vst v63  }
0x68: {  	s21 =	simm.s32 $0xC00;
	s20 =	rddreg [dreg:$0x10]  }
0x69: {  	[tilespmem:s21], [sflag:$0x9] =	stream.linear.gather [hbm4b:s20+s15], $0x400, $0x38;
	[tilespmem:$0x1F000] =	vst v63  }
0x6a: {  	p0 =	por $0x1, $0x1  }
0x6b: {  	[tilespmem:s26], [sflag:$0x1] =	stream.indirect.gather [hbm4b:s16+s30], $0x80, s15, s30, $0xb8;
	[tilespmem:$0x1F000] =	vst v63  }
0x6c: {  	p1 =	por p0, p0;
	s22 =	simm.s32 $0x80  }
0x6d: {  	[tilespmem:s0], [sflag:$0x2] =	stream.indirect.gather [hbm4b:s16+s30], $0x80, s22, s30, $0xb8;
	[tilespmem:$0x1F000] =	vst v63  }
0x6e: {  	s13 =	simm.s32 @!p1 $0x7;
	[bflag:$0x0] =	sbarrier.arrive $0xFFFF  }
0x6f: {  	_ =	swait.ge @!p1 [sflag:s13], $0x2800  }
0x70: {  	s12 =	sand.u32 $0x400, s15;
	[sflag:s13] =	ssyncset.done @!p1 $0x0  }
0x71: {  	s23 =	sor.u32 $0x100, s12;
	[sflag:s13] =	ssyncadd.s32 @!p1 $0xFFFFD800  }
0x72: {  	[tilespmem:s2], [sflag:$0x3] =	stream.indirect.gather [hbm4b:s16+s30], $0x80, s23, s30, $0xb8;
	[tilespmem:$0x1F000] =	vst v63  }
0x73: {  	_ =	swait.ge [sflag:s31], $0x2800  }
0x74: {  	[sflag:s31] =	ssyncset.done $0x0  }
0x75: {  	s24 =	sor.u32 $0x800, s12;
	s15 =	simm.s32 @!p1 $0x8;
	[sflag:s31] =	ssyncadd.s32 $0xFFFFD800  }
0x76: {  	[spmem:s1] =	stream.indirect.scatter.add.f32 [tilespmem:s26], [sflag:$0x5], $0x80, s24, s30, $0xb8;
	[tilespmem:$0x1F000] =	vst v63  }
0x77: {  	_ =	swait.ge @!p1 [sflag:s15], $0x2800  }
0x78: {  	[sflag:s15] =	ssyncset.done @!p1 $0x0  }
0x79: {  	s25 =	sor.u32 $0x180, s12;
	[sflag:s15] =	ssyncadd.s32 @!p1 $0xFFFFD800  }
0x7a: {  	[tilespmem:s4], [sflag:$0x4] =	stream.indirect.gather [hbm4b:s16+s30], $0x80, s25, s30, $0xb8;
	[tilespmem:$0x1F000] =	vst v63  }
0x7b: {  	_ =	swait.ge [sflag:s5], $0x2800  }
0x7c: {  	p1 =	por @!p0 $0x0, $0x0;
	[sflag:s5] =	ssyncset.done $0x0  }
0x7d: {  	s19 =	sadd.s32 $0x880, s12;
	p0 =	por p1, p0;
	[sflag:s5] =	ssyncadd.s32 $0xFFFFD800  }
0x7e: {  	[spmem:s1] =	stream.indirect.scatter.add.f32 [tilespmem:s0], [sflag:$0x6], $0x80, s19, s30, $0xb8;
	[tilespmem:$0x1F000] =	vst v63  }
0x7f: {  	s18 =	sxor.u32 @!p0 $0x400, s12;
	_ =	swait.ge [sflag:s6], $0x2800  }
0x80: {  	s19 =	simm.s32 @!p0 $0x0;
	s15 =	rddreg [dreg:$0x5];
	[sflag:s6] =	ssyncset.done $0x0  }
0x81: {  	s17 =	rddreg [dreg:$0x4];
	[sflag:s6] =	ssyncadd.s32 $0xFFFFD800;
	s15 =	sadd.s32 @!p0 $0x0, s15  }
0x82: {  	[tilespmem:s18], [sflag:$0x9] =	stream.linear.gather @!p0 [hbm4b:s15+s19], $0x400, $0x38;
	[tilespmem:$0x1F000] =	vst v63  }
0x83: {  	s17 =	sadd.s32 @!p0 $0x0, s17;
	s15 =	sor.u32 @!p0 $0x800, s18  }
0x84: {  	[tilespmem:s15], [sflag:$0x9] =	stream.linear.gather @!p0 [hbm4b:s17+s19], $0x400, $0x38;
	[tilespmem:$0x1F000] =	vst v63  }
0x85: {  	s20 =	sor.u32 $0x200, s12  }
0x86: {  	[tilespmem:s26], [sflag:$0x1] =	stream.indirect.gather [hbm4b:s16+s30], $0x80, s20, s30, $0xb8;
	[tilespmem:$0x1F000] =	vst v63  }
0x87: {  	_ =	swait.ge [sflag:s7], $0x2800  }
0x88: {  	[sflag:s7] =	ssyncset.done $0x0  }
0x89: {  	s13 =	sor.u32 $0x800, s23;
	[sflag:s7] =	ssyncadd.s32 $0xFFFFD800  }
0x8a: {  	[spmem:s1] =	stream.indirect.scatter.add.f32 [tilespmem:s2], [sflag:$0x7], $0x80, s13, s30, $0xb8;
	[tilespmem:$0x1F000] =	vst v63  }
0x8b: {  	_ =	swait.ge [sflag:s8], $0x2800  }
0x8c: {  	[sflag:s8] =	ssyncset.done $0x0  }
0x8d: {  	s21 =	sor.u32 $0x280, s12;
	[sflag:s8] =	ssyncadd.s32 $0xFFFFD800  }
0x8e: {  	[tilespmem:s0], [sflag:$0x2] =	stream.indirect.gather [hbm4b:s16+s30], $0x80, s21, s30, $0xb8;
	[tilespmem:$0x1F000] =	vst v63  }
0x8f: {  	_ =	swait.ge [sflag:s9], $0x2800  }
0x90: {  	[sflag:s9] =	ssyncset.done $0x0  }
0x91: {  	s22 =	sor.u32 $0x800, s25;
	[sflag:s9] =	ssyncadd.s32 $0xFFFFD800  }
0x92: {  	[spmem:s1] =	stream.indirect.scatter.add.f32 [tilespmem:s4], [sflag:$0x8], $0x80, s22, s30, $0xb8;
	[tilespmem:$0x1F000] =	vst v63  }
0x93: {  	_ =	swait.ge [sflag:s10], $0x2800  }
0x94: {  	[sflag:s10] =	ssyncset.done $0x0  }
0x95: {  	s13 =	sor.u32 $0x300, s12;
	[sflag:s10] =	ssyncadd.s32 $0xFFFFD800  }
0x96: {  	[tilespmem:s2], [sflag:$0x3] =	stream.indirect.gather [hbm4b:s16+s30], $0x80, s13, s30, $0xb8;
	[tilespmem:$0x1F000] =	vst v63  }
0x97: {  	_ =	swait.ge [sflag:s31], $0x2800  }
0x98: {  	[sflag:s31] =	ssyncset.done $0x0  }
0x99: {  	s23 =	sor.u32 $0xA00, s12;
	[sflag:s31] =	ssyncadd.s32 $0xFFFFD800  }
0x9a: {  	[spmem:s1] =	stream.indirect.scatter.add.f32 [tilespmem:s26], [sflag:$0x5], $0x80, s23, s30, $0xb8;
	[tilespmem:$0x1F000] =	vst v63  }
0x9b: {  	_ =	swait.ge [sflag:s11], $0x2800  }
0x9c: {  	[sflag:s11] =	ssyncset.done $0x0  }
0x9d: {  	s24 =	sor.u32 $0x380, s12;
	[sflag:s11] =	ssyncadd.s32 $0xFFFFD800  }
0x9e: {  	[tilespmem:s4], [sflag:$0x4] =	stream.indirect.gather [hbm4b:s16+s30], $0x80, s24, s30, $0xb8;
	[tilespmem:$0x1F000] =	vst v63  }
0x9f: {  	_ =	swait.ge [sflag:s5], $0x2800  }
0xa0: {  	[sflag:s5] =	ssyncset.done $0x0  }
0xa1: {  	s25 =	sor.u32 $0xA80, s12;
	[sflag:s5] =	ssyncadd.s32 $0xFFFFD800  }
0xa2: {  	[spmem:s1] =	stream.indirect.scatter.add.f32 [tilespmem:s0], [sflag:$0x6], $0x80, s25, s30, $0xb8;
	[tilespmem:$0x1F000] =	vst v63  }
0xa3: {  	_ =	swait.ge [sflag:s6], $0x2800  }
0xa4: {  	p0 =	por $0x0, $0x0;
	[sflag:s6] =	ssyncset.done $0x0  }
0xa5: {  	s14 =	simm.s32 @p0 $0x3;
	[sflag:s6] =	ssyncadd.s32 $0xFFFFD800  }
0xa6: {  	_ =	swait.ge @p0 [sflag:s14], $0x2800  }
0xa7: {  	s15 =	simm.s32 @p0 $0x6000;
	[sflag:s14] =	ssyncset.done @p0 $0x0  }
0xa8: {  	s18 =	sor.u32 @p0 $0x800, s13;
	[sflag:s14] =	ssyncadd.s32 @p0 $0xFFFFD800;
	s14 =	simm.s32 @p0 $0x50  }
0xa9: {  	[spmem:s1] =	stream.indirect.scatter.add.f32 @p0 [tilespmem:s15], [sflag:$0x7], $0x80, s18, s14, $0xb8;
	[tilespmem:$0x1F000] =	vst v63  }
0xaa: {  	s14 =	simm.s32 @p0 $0x6  }
0xab: {  	_ =	swait.ge @p0 [sflag:s14], $0x2800  }
0xac: {  	[sflag:s14] =	ssyncset.done @p0 $0x0  }
0xad: {  	s15 =	simm.s32 @!p0 $0x9;
	[sflag:s14] =	ssyncadd.s32 @p0 $0xFFFFD800  }
0xae: {  	_ =	swait.ge @!p0 [sflag:s15], $0x400  }
0xaf: {  	[sflag:s15] =	ssyncset.done @!p0 $0x0  }
0xb0: {  	[sflag:s15] =	ssyncadd.s32 @!p0 $0xFFFFFC00  }
0xb1: {  	_ =	swait.ge @!p0 [sflag:s15], $0x400  }
0xb2: {  	s18 =	sxor.u32 @!p0 $0x400, s12;
	[sflag:s15] =	ssyncset.done @!p0 $0x0  }
0xb3: {  	s14 =	simm.s32 @!p0 $0x1000;
	[sflag:s15] =	ssyncadd.s32 @!p0 $0xFFFFFC00;
	s15 =	simm.s32 @!p0 $0x50  }
0xb4: {  	[tilespmem:s14], [sflag:$0x1] =	stream.indirect.gather @!p0 [hbm4b:s16+s15], $0x80, s18, s15, $0xb8;
	[tilespmem:$0x1F000] =	vst v63  }
0xb5: {  	s14 =	simm.s32 @!p0 $0x3  }
0xb6: {  	_ =	swait.ge @!p0 [sflag:s14], $0x2800  }
0xb7: {  	[sflag:s14] =	ssyncset.done @!p0 $0x0  }
0xb8: {  	s13 =	sor.u32 @!p0 $0x800, s13;
	[sflag:s14] =	ssyncadd.s32 @!p0 $0xFFFFD800;
	s14 =	simm.s32 @!p0 $0x6000  }
0xb9: {  	[spmem:s1] =	stream.indirect.scatter.add.f32 @!p0 [tilespmem:s14], [sflag:$0x7], $0x80, s13, s15, $0xb8;
	[tilespmem:$0x1F000] =	vst v63  }
0xba: {  	s13 =	simm.s32 @!p0 $0x6  }
0xbb: {  	p6 =	por $0x0, $0x0;
	_ =	swait.ge @!p0 [sflag:s13], $0x2800  }
0xbc: {  	s17 =	sor.u32 $0x800, s24;
	s12 =	ssub.s32 @!p0 $0x480, s12;
	[sflag:s13] =	ssyncset.done @!p0 $0x0  }
0xbd: {  	s14 =	simm.s32 @!p0 $0x3800;
	[sflag:s13] =	ssyncadd.s32 @!p0 $0xFFFFD800;
	s13 =	simm.s32 $0x1  }
0xbe: {  	[tilespmem:s14], [sflag:$0x2] =	stream.indirect.gather @!p0 [hbm4b:s16+s15], $0x80, s12, s15, $0xb8;
	[tilespmem:$0x1F000] =	vst v63  }
0xbf: {  	s12 =	simm.s32 $0x80;
	s15 =	simm.s32 $0x100;
	_ =	swait.ge [sflag:s9], $0x2800  }
0xc0: {  	p0 =	por p6, p6;
	s14 =	simm.s32 $0x400;
	[sflag:s9] =	ssyncset.done $0x0  }
.LBB2_4:
0xc1: {  	s18 =	simm.s32 @!p0 $0x7;
	[sflag:s9] =	ssyncadd.s32 $0xFFFFD800  }
0xc2: {  	[spmem:s1] =	stream.indirect.scatter.add.f32 [tilespmem:s4], [sflag:$0x8], $0x80, s17, s30, $0xb8;
	[tilespmem:$0x1F000] =	vst v63  }
0xc3: {  	_ =	swait.ge @!p0 [sflag:s18], $0x2800  }
0xc4: {  	s25 =	sand.u32 $0x400, s14;
	[sflag:s18] =	ssyncset.done @!p0 $0x0  }
0xc5: {  	[sflag:s18] =	ssyncadd.s32 @!p0 $0xFFFFD800;
	s18 =	sor.u32 $0x100, s25  }
0xc6: {  	[tilespmem:s2], [sflag:$0x3] =	stream.indirect.gather [hbm4b:s16+s30], $0x80, s18, s30, $0xb8;
	[tilespmem:$0x1F000] =	vst v63  }
0xc7: {  	_ =	swait.ge [sflag:s31], $0x2800  }
0xc8: {  	[sflag:s31] =	ssyncset.done $0x0  }
0xc9: {  	s20 =	simm.s32 @!p0 $0x8;
	s19 =	sor.u32 $0x800, s25;
	[sflag:s31] =	ssyncadd.s32 $0xFFFFD800  }
0xca: {  	[spmem:s1] =	stream.indirect.scatter.add.f32 [tilespmem:s26], [sflag:$0x5], $0x80, s19, s30, $0xb8;
	[tilespmem:$0x1F000] =	vst v63  }
0xcb: {  	_ =	swait.ge @!p0 [sflag:s20], $0x2800  }
0xcc: {  	[sflag:s20] =	ssyncset.done @!p0 $0x0  }
0xcd: {  	p2 =	seq.s32 s15, $0x0;
	s19 =	sor.u32 $0x180, s25;
	[sflag:s20] =	ssyncadd.s32 @!p0 $0xFFFFD800  }
0xce: {  	[tilespmem:s4], [sflag:$0x4] =	stream.indirect.gather [hbm4b:s16+s30], $0x80, s19, s30, $0xb8;
	[tilespmem:$0x1F000] =	vst v63  }
0xcf: {  	p0 =	por p2, p2;
	p2 =	seq.s32 s13, $0x0;
	_ =	swait.ge [sflag:s5], $0x2800  }
0xd0: {  	p3 =	seq.s32 @!p2 s13, $0xF;
	[sflag:s5] =	ssyncset.done $0x0  }
0xd1: {  	s23 =	sadd.s32 $0x880, s25;
	p2 =	por p3, p2;
	[sflag:s5] =	ssyncadd.s32 $0xFFFFD800  }
0xd2: {  	[spmem:s1] =	stream.indirect.scatter.add.f32 [tilespmem:s0], [sflag:$0x6], $0x80, s23, s30, $0xb8;
	[tilespmem:$0x1F000] =	vst v63  }
0xd3: {  	s22 =	sxor.u32 @!p2 $0x400, s25;
	_ =	swait.ge [sflag:s6], $0x2800  }
0xd4: {  	s23 =	simm.s32 @!p2 $0x0;
	s20 =	rddreg [dreg:$0x5];
	[sflag:s6] =	ssyncset.done $0x0  }
0xd5: {  	s21 =	rddreg [dreg:$0x4];
	[sflag:s6] =	ssyncadd.s32 $0xFFFFD800;
	s20 =	sadd.s32 @!p2 s12, s20  }
0xd6: {  	[tilespmem:s22], [sflag:$0x9] =	stream.linear.gather @!p2 [hbm4b:s20+s23], $0x400, $0x38;
	[tilespmem:$0x1F000] =	vst v63  }
0xd7: {  	s24 =	sor.u32 @!p2 $0x800, s22;
	s20 =	sadd.s32 @!p2 s12, s21  }
0xd8: {  	[tilespmem:s24], [sflag:$0x9] =	stream.linear.gather @!p2 [hbm4b:s20+s23], $0x400, $0x38;
	[tilespmem:$0x1F000] =	vst v63  }
0xd9: {  	s24 =	sor.u32 $0x200, s25  }
0xda: {  	[tilespmem:s26], [sflag:$0x1] =	stream.indirect.gather [hbm4b:s16+s30], $0x80, s24, s30, $0xb8;
	[tilespmem:$0x1F000] =	vst v63  }
0xdb: {  	_ =	swait.ge [sflag:s7], $0x2800  }
0xdc: {  	[sflag:s7] =	ssyncset.done $0x0  }
0xdd: {  	s18 =	sor.u32 $0x800, s18;
	[sflag:s7] =	ssyncadd.s32 $0xFFFFD800  }
0xde: {  	[spmem:s1] =	stream.indirect.scatter.add.f32 [tilespmem:s2], [sflag:$0x7], $0x80, s18, s30, $0xb8;
	[tilespmem:$0x1F000] =	vst v63  }
0xdf: {  	_ =	swait.ge [sflag:s8], $0x2800  }
0xe0: {  	[sflag:s8] =	ssyncset.done $0x0  }
0xe1: {  	s20 =	sor.u32 $0x280, s25;
	[sflag:s8] =	ssyncadd.s32 $0xFFFFD800  }
0xe2: {  	[tilespmem:s0], [sflag:$0x2] =	stream.indirect.gather [hbm4b:s16+s30], $0x80, s20, s30, $0xb8;
	[tilespmem:$0x1F000] =	vst v63  }
0xe3: {  	_ =	swait.ge [sflag:s9], $0x2800  }
0xe4: {  	[sflag:s9] =	ssyncset.done $0x0  }
0xe5: {  	s21 =	sor.u32 $0x800, s19;
	[sflag:s9] =	ssyncadd.s32 $0xFFFFD800  }
0xe6: {  	[spmem:s1] =	stream.indirect.scatter.add.f32 [tilespmem:s4], [sflag:$0x8], $0x80, s21, s30, $0xb8;
	[tilespmem:$0x1F000] =	vst v63  }
0xe7: {  	_ =	swait.ge [sflag:s10], $0x2800  }
0xe8: {  	[sflag:s10] =	ssyncset.done $0x0  }
0xe9: {  	s19 =	sor.u32 $0x300, s25;
	[sflag:s10] =	ssyncadd.s32 $0xFFFFD800  }
0xea: {  	[tilespmem:s2], [sflag:$0x3] =	stream.indirect.gather [hbm4b:s16+s30], $0x80, s19, s30, $0xb8;
	[tilespmem:$0x1F000] =	vst v63  }
0xeb: {  	_ =	swait.ge [sflag:s31], $0x2800  }
0xec: {  	[sflag:s31] =	ssyncset.done $0x0  }
0xed: {  	s22 =	sor.u32 $0xA00, s25;
	[sflag:s31] =	ssyncadd.s32 $0xFFFFD800  }
0xee: {  	[spmem:s1] =	stream.indirect.scatter.add.f32 [tilespmem:s26], [sflag:$0x5], $0x80, s22, s30, $0xb8;
	[tilespmem:$0x1F000] =	vst v63  }
0xef: {  	_ =	swait.ge [sflag:s11], $0x2800  }
0xf0: {  	[sflag:s11] =	ssyncset.done $0x0  }
0xf1: {  	s23 =	sor.u32 $0x380, s25;
	[sflag:s11] =	ssyncadd.s32 $0xFFFFD800  }
0xf2: {  	[tilespmem:s4], [sflag:$0x4] =	stream.indirect.gather [hbm4b:s16+s30], $0x80, s23, s30, $0xb8;
	[tilespmem:$0x1F000] =	vst v63  }
0xf3: {  	_ =	swait.ge [sflag:s5], $0x2800  }
0xf4: {  	[sflag:s5] =	ssyncset.done $0x0  }
0xf5: {  	s24 =	sor.u32 $0xA80, s25;
	[sflag:s5] =	ssyncadd.s32 $0xFFFFD800  }
0xf6: {  	[spmem:s1] =	stream.indirect.scatter.add.f32 [tilespmem:s0], [sflag:$0x6], $0x80, s24, s30, $0xb8;
	[tilespmem:$0x1F000] =	vst v63  }
0xf7: {  	_ =	swait.ge [sflag:s6], $0x2800  }
0xf8: {  	s17 =	smov.u32 s15;
	p2 =	seq.s32 s12, $0x780;
	[sflag:s6] =	ssyncset.done $0x0  }
0xf9: {  	s12 =	smov.u32 s17;
	s17 =	simm.s32 @p2 $0x3;
	[sflag:s6] =	ssyncadd.s32 $0xFFFFD800  }
0xfa: {  	_ =	swait.ge @p2 [sflag:s17], $0x2800  }
0xfb: {  	s20 =	simm.s32 @p2 $0x6000;
	s21 =	sor.u32 @p2 $0x800, s19;
	[sflag:s17] =	ssyncset.done @p2 $0x0  }
0xfc: {  	s22 =	simm.s32 @p2 $0x50;
	[sflag:s17] =	ssyncadd.s32 @p2 $0xFFFFD800;
	s17 =	simm.s32 @p2 $0x6  }
0xfd: {  	[spmem:s1] =	stream.indirect.scatter.add.f32 @p2 [tilespmem:s20], [sflag:$0x7], $0x80, s21, s22, $0xb8;
	[tilespmem:$0x1F000] =	vst v63  }
0xfe: {  	_ =	swait.ge @p2 [sflag:s17], $0x2800  }
0xff: {  	[sflag:s17] =	ssyncset.done @p2 $0x0  }
0x100: {  	s20 =	simm.s32 @!p2 $0x9;
	[sflag:s17] =	ssyncadd.s32 @p2 $0xFFFFD800  }
0x101: {  	_ =	swait.ge @!p2 [sflag:s20], $0x400  }
0x102: {  	[sflag:s20] =	ssyncset.done @!p2 $0x0  }
0x103: {  	[sflag:s20] =	ssyncadd.s32 @!p2 $0xFFFFFC00  }
0x104: {  	_ =	swait.ge @!p2 [sflag:s20], $0x400  }
0x105: {  	s21 =	sxor.u32 @!p2 $0x400, s25;
	s22 =	simm.s32 @!p2 $0x50;
	[sflag:s20] =	ssyncset.done @!p2 $0x0  }
0x106: {  	s17 =	simm.s32 @!p2 $0x1000;
	[sflag:s20] =	ssyncadd.s32 @!p2 $0xFFFFFC00;
	s20 =	simm.s32 @!p2 $0x3  }
0x107: {  	[tilespmem:s17], [sflag:$0x1] =	stream.indirect.gather @!p2 [hbm4b:s16+s22], $0x80, s21, s22, $0xb8;
	[tilespmem:$0x1F000] =	vst v63  }
0x108: {  	_ =	swait.ge @!p2 [sflag:s20], $0x2800  }
0x109: {  	s15 =	sadd.s32 $0x80, s15;
	s17 =	sor.u32 @!p2 $0x800, s19;
	[sflag:s20] =	ssyncset.done @!p2 $0x0  }
0x10a: {  	s19 =	simm.s32 @!p2 $0x6000;
	[sflag:s20] =	ssyncadd.s32 @!p2 $0xFFFFD800;
	s20 =	simm.s32 @!p2 $0x6  }
0x10b: {  	[spmem:s1] =	stream.indirect.scatter.add.f32 @!p2 [tilespmem:s19], [sflag:$0x7], $0x80, s17, s22, $0xb8;
	[tilespmem:$0x1F000] =	vst v63  }
0x10c: {  	p1 =	sne.s32 s15, $0x800;
	_ =	swait.ge @!p2 [sflag:s20], $0x2800  }
.Ltmp1:
0x10d: {  	[sflag:s20] =	ssyncset.done @!p2 $0x0;
	(pc) =	sbr.rel @p1 .LBB2_4-.Ltmp1, $4  }
0x10e: {  	s17 =	ssub.s32 @!p2 $0x480, s25;
	s19 =	simm.s32 @!p2 $0x3800;
	[sflag:s20] =	ssyncadd.s32 @!p2 $0xFFFFD800  }
0x10f: {  	[tilespmem:s19], [sflag:$0x2] =	stream.indirect.gather @!p2 [hbm4b:s16+s22], $0x80, s17, s22, $0xb8;
	[tilespmem:$0x1F000] =	vst v63  }
0x110: {  	s14 =	sadd.s32 $0x400, s14;
	_ =	swait.ge [sflag:s9], $0x2800  }
0x111: {  	s13 =	sadd.s32 $0x1, s13;
	s17 =	sor.u32 $0x800, s23;
	[sflag:s9] =	ssyncset.done $0x0  }
0x112: {  	s15 =	simm.s32 @!p0 $0x7;
	[sflag:s9] =	ssyncadd.s32 $0xFFFFD800  }
0x113: {  	[spmem:s1] =	stream.indirect.scatter.add.f32 [tilespmem:s4], [sflag:$0x8], $0x80, s17, s30, $0xb8;
	[tilespmem:$0x1F000] =	vst v63  }
0x114: {  	_ =	swait.ge @!p0 [sflag:s15], $0x2800  }
0x115: {  	s14 =	sand.u32 $0x400, s14;
	[sflag:s15] =	ssyncset.done @!p0 $0x0  }
0x116: {  	s22 =	sor.u32 $0x100, s14;
	[sflag:s15] =	ssyncadd.s32 @!p0 $0xFFFFD800  }
0x117: {  	[tilespmem:s2], [sflag:$0x3] =	stream.indirect.gather [hbm4b:s16+s30], $0x80, s22, s30, $0xb8;
	[tilespmem:$0x1F000] =	vst v63  }
0x118: {  	_ =	swait.ge [sflag:s31], $0x2800  }
0x119: {  	[sflag:s31] =	ssyncset.done $0x0  }
0x11a: {  	s18 =	simm.s32 @!p0 $0x8;
	s23 =	sor.u32 $0x800, s14;
	[sflag:s31] =	ssyncadd.s32 $0xFFFFD800  }
0x11b: {  	[spmem:s1] =	stream.indirect.scatter.add.f32 [tilespmem:s26], [sflag:$0x5], $0x80, s23, s30, $0xb8;
	[tilespmem:$0x1F000] =	vst v63  }
0x11c: {  	_ =	swait.ge @!p0 [sflag:s18], $0x2800  }
0x11d: {  	[sflag:s18] =	ssyncset.done @!p0 $0x0  }
0x11e: {  	s24 =	sor.u32 $0x180, s14;
	[sflag:s18] =	ssyncadd.s32 @!p0 $0xFFFFD800  }
0x11f: {  	[tilespmem:s4], [sflag:$0x4] =	stream.indirect.gather [hbm4b:s16+s30], $0x80, s24, s30, $0xb8;
	[tilespmem:$0x1F000] =	vst v63  }
0x120: {  	p0 =	seq.s32 s13, $0x0;
	_ =	swait.ge [sflag:s5], $0x2800  }
0x121: {  	p1 =	seq.s32 @!p0 s13, $0xF;
	[sflag:s5] =	ssyncset.done $0x0  }
0x122: {  	s25 =	sadd.s32 $0x880, s14;
	p0 =	por p1, p0;
	[sflag:s5] =	ssyncadd.s32 $0xFFFFD800  }
0x123: {  	[spmem:s1] =	stream.indirect.scatter.add.f32 [tilespmem:s0], [sflag:$0x6], $0x80, s25, s30, $0xb8;
	[tilespmem:$0x1F000] =	vst v63  }
0x124: {  	s19 =	sxor.u32 @!p0 $0x400, s14;
	_ =	swait.ge [sflag:s6], $0x2800  }
0x125: {  	s20 =	simm.s32 @!p0 $0x0;
	s18 =	rddreg [dreg:$0x5];
	[sflag:s6] =	ssyncset.done $0x0  }
0x126: {  	s13 =	rddreg [dreg:$0x4];
	[sflag:s6] =	ssyncadd.s32 $0xFFFFD800;
	s18 =	sadd.s32 @!p0 s12, s18  }
0x127: {  	[tilespmem:s19], [sflag:$0x9] =	stream.linear.gather @!p0 [hbm4b:s18+s20], $0x400, $0x38;
	[tilespmem:$0x1F000] =	vst v63  }
0x128: {  	s13 =	sadd.s32 @!p0 s12, s13;
	s18 =	sor.u32 @!p0 $0x800, s19  }
0x129: {  	[tilespmem:s18], [sflag:$0x9] =	stream.linear.gather @!p0 [hbm4b:s13+s20], $0x400, $0x38;
	[tilespmem:$0x1F000] =	vst v63  }
0x12a: {  	s19 =	sor.u32 $0x200, s14  }
0x12b: {  	[tilespmem:s26], [sflag:$0x1] =	stream.indirect.gather [hbm4b:s16+s30], $0x80, s19, s30, $0xb8;
	[tilespmem:$0x1F000] =	vst v63  }
0x12c: {  	_ =	swait.ge [sflag:s7], $0x2800  }
0x12d: {  	[sflag:s7] =	ssyncset.done $0x0  }
0x12e: {  	s20 =	sor.u32 $0x800, s22;
	[sflag:s7] =	ssyncadd.s32 $0xFFFFD800  }
0x12f: {  	[spmem:s1] =	stream.indirect.scatter.add.f32 [tilespmem:s2], [sflag:$0x7], $0x80, s20, s30, $0xb8;
	[tilespmem:$0x1F000] =	vst v63  }
0x130: {  	_ =	swait.ge [sflag:s8], $0x2800  }
0x131: {  	[sflag:s8] =	ssyncset.done $0x0  }
0x132: {  	s21 =	sor.u32 $0x280, s14;
	[sflag:s8] =	ssyncadd.s32 $0xFFFFD800  }
0x133: {  	[tilespmem:s0], [sflag:$0x2] =	stream.indirect.gather [hbm4b:s16+s30], $0x80, s21, s30, $0xb8;
	[tilespmem:$0x1F000] =	vst v63  }
0x134: {  	_ =	swait.ge [sflag:s9], $0x2800  }
0x135: {  	[sflag:s9] =	ssyncset.done $0x0  }
0x136: {  	s22 =	sor.u32 $0x800, s24;
	[sflag:s9] =	ssyncadd.s32 $0xFFFFD800  }
0x137: {  	[spmem:s1] =	stream.indirect.scatter.add.f32 [tilespmem:s4], [sflag:$0x8], $0x80, s22, s30, $0xb8;
	[tilespmem:$0x1F000] =	vst v63  }
0x138: {  	_ =	swait.ge [sflag:s10], $0x2800  }
0x139: {  	[sflag:s10] =	ssyncset.done $0x0  }
0x13a: {  	s13 =	sor.u32 $0x300, s14;
	[sflag:s10] =	ssyncadd.s32 $0xFFFFD800  }
0x13b: {  	[tilespmem:s2], [sflag:$0x3] =	stream.indirect.gather [hbm4b:s16+s30], $0x80, s13, s30, $0xb8;
	[tilespmem:$0x1F000] =	vst v63  }
0x13c: {  	_ =	swait.ge [sflag:s31], $0x2800  }
0x13d: {  	[sflag:s31] =	ssyncset.done $0x0  }
0x13e: {  	s23 =	sor.u32 $0xA00, s14;
	[sflag:s31] =	ssyncadd.s32 $0xFFFFD800  }
0x13f: {  	[spmem:s1] =	stream.indirect.scatter.add.f32 [tilespmem:s26], [sflag:$0x5], $0x80, s23, s30, $0xb8;
	[tilespmem:$0x1F000] =	vst v63  }
0x140: {  	_ =	swait.ge [sflag:s11], $0x2800  }
0x141: {  	[sflag:s11] =	ssyncset.done $0x0  }
0x142: {  	s24 =	sor.u32 $0x380, s14;
	[sflag:s11] =	ssyncadd.s32 $0xFFFFD800  }
0x143: {  	[tilespmem:s4], [sflag:$0x4] =	stream.indirect.gather [hbm4b:s16+s30], $0x80, s24, s30, $0xb8;
	[tilespmem:$0x1F000] =	vst v63  }
0x144: {  	_ =	swait.ge [sflag:s5], $0x2800  }
0x145: {  	[sflag:s5] =	ssyncset.done $0x0  }
0x146: {  	s25 =	sor.u32 $0xA80, s14;
	[sflag:s5] =	ssyncadd.s32 $0xFFFFD800  }
0x147: {  	[spmem:s1] =	stream.indirect.scatter.add.f32 [tilespmem:s0], [sflag:$0x6], $0x80, s25, s30, $0xb8;
	[tilespmem:$0x1F000] =	vst v63  }
0x148: {  	_ =	swait.ge [sflag:s6], $0x2800  }
0x149: {  	p0 =	seq.s32 s12, $0x780;
	[sflag:s6] =	ssyncset.done $0x0  }
0x14a: {  	s12 =	simm.s32 @p0 $0x3;
	[sflag:s6] =	ssyncadd.s32 $0xFFFFD800  }
0x14b: {  	_ =	swait.ge @p0 [sflag:s12], $0x2800  }
0x14c: {  	s17 =	simm.s32 @p0 $0x6000;
	[sflag:s12] =	ssyncset.done @p0 $0x0  }
0x14d: {  	s18 =	sor.u32 @p0 $0x800, s13;
	[sflag:s12] =	ssyncadd.s32 @p0 $0xFFFFD800;
	s12 =	simm.s32 @p0 $0x50  }
0x14e: {  	[spmem:s1] =	stream.indirect.scatter.add.f32 @p0 [tilespmem:s17], [sflag:$0x7], $0x80, s18, s12, $0xb8;
	[tilespmem:$0x1F000] =	vst v63  }
0x14f: {  	s12 =	simm.s32 @p0 $0x6  }
0x150: {  	_ =	swait.ge @p0 [sflag:s12], $0x2800  }
0x151: {  	[sflag:s12] =	ssyncset.done @p0 $0x0  }
0x152: {  	s17 =	simm.s32 @!p0 $0x9;
	[sflag:s12] =	ssyncadd.s32 @p0 $0xFFFFD800  }
0x153: {  	_ =	swait.ge @!p0 [sflag:s17], $0x400  }
0x154: {  	[sflag:s17] =	ssyncset.done @!p0 $0x0  }
0x155: {  	[sflag:s17] =	ssyncadd.s32 @!p0 $0xFFFFFC00  }
0x156: {  	_ =	swait.ge @!p0 [sflag:s17], $0x400  }
0x157: {  	s18 =	sxor.u32 @!p0 $0x400, s14;
	[sflag:s17] =	ssyncset.done @!p0 $0x0  }
0x158: {  	s12 =	simm.s32 @!p0 $0x1000;
	[sflag:s17] =	ssyncadd.s32 @!p0 $0xFFFFFC00;
	s17 =	simm.s32 @!p0 $0x50  }
0x159: {  	[tilespmem:s12], [sflag:$0x1] =	stream.indirect.gather @!p0 [hbm4b:s16+s17], $0x80, s18, s17, $0xb8;
	[tilespmem:$0x1F000] =	vst v63  }
0x15a: {  	s12 =	simm.s32 @!p0 $0x3  }
0x15b: {  	_ =	swait.ge @!p0 [sflag:s12], $0x2800  }
0x15c: {  	[sflag:s12] =	ssyncset.done @!p0 $0x0  }
0x15d: {  	s13 =	sor.u32 @!p0 $0x800, s13;
	[sflag:s12] =	ssyncadd.s32 @!p0 $0xFFFFD800;
	s12 =	simm.s32 @!p0 $0x6000  }
0x15e: {  	[spmem:s1] =	stream.indirect.scatter.add.f32 @!p0 [tilespmem:s12], [sflag:$0x7], $0x80, s13, s17, $0xb8;
	[tilespmem:$0x1F000] =	vst v63  }
0x15f: {  	s12 =	simm.s32 @!p0 $0x6  }
0x160: {  	_ =	swait.ge @!p0 [sflag:s12], $0x2800  }
0x161: {  	[sflag:s12] =	ssyncset.done @!p0 $0x0  }
0x162: {  	s13 =	ssub.s32 @!p0 $0x480, s14;
	[sflag:s12] =	ssyncadd.s32 @!p0 $0xFFFFD800;
	s12 =	simm.s32 @!p0 $0x3800  }
0x163: {  	[tilespmem:s12], [sflag:$0x2] =	stream.indirect.gather @!p0 [hbm4b:s16+s17], $0x80, s13, s17, $0xb8;
	[tilespmem:$0x1F000] =	vst v63  }
0x164: {  	_ =	swait.ge [sflag:s9], $0x2800  }
0x165: {  	[sflag:s9] =	ssyncset.done $0x0  }
0x166: {  	s17 =	sor.u32 $0x800, s24;
	[sflag:s9] =	ssyncadd.s32 $0xFFFFD800  }
0x167: {  	[spmem:s1] =	stream.indirect.scatter.add.f32 [tilespmem:s4], [sflag:$0x8], $0x80, s17, s30, $0xb8;
	[tilespmem:$0x1F000] =	vst v63  }
0x168: {  	_ =	swait.ge [sflag:s10], $0x2800  }
0x169: {  	[sflag:s10] =	ssyncset.done $0x0  }
0x16a: {  	[sflag:s10] =	ssyncadd.s32 $0xFFFFD800  }
0x16b: {  	_ =	swait.ge [sflag:s11], $0x2800  }
0x16c: {  	[sflag:s11] =	ssyncset.done $0x0  }
0x16d: {  	[sflag:s11] =	ssyncadd.s32 $0xFFFFD800  }
0x16e: {  	s18 =	stileid.u32;
	[bflag:$0x0] =	sbarrier.arrive $0xFFFF  }
0x16f: {  	s12 =	sshll.u32 s18, $0x6;
	s18 =	rddreg [dreg:$0x12]  }
0x170: {  	s12 =	sor.u32 $0x1C0A, s12;
	s20 =	rddreg [dreg:$0x6];
	s19 =	sshrl.u32 s18, $0x3  }
0x171: {  	[hbm:s20], [sflag:s12] =	dma.local [spmem:s19], $0x500  }
0x172: {  	s19 =	rddreg [dreg:$0x13]  }
0x173: {  	s14 =	rddreg [dreg:$0x7];
	s21 =	sshrl.u32 s19, $0x3  }
0x174: {  	[hbm:s14], [sflag:s12] =	dma.local [spmem:s21], $0x500  }
0x175: {  	s20 =	rddreg [dreg:$0x14]  }
0x176: {  	s14 =	rddreg [dreg:$0x8];
	s22 =	sshrl.u32 s20, $0x3  }
0x177: {  	[hbm:s14], [sflag:s12] =	dma.local [spmem:s22], $0x500  }
0x178: {  	s21 =	rddreg [dreg:$0x15]  }
0x179: {  	s14 =	rddreg [dreg:$0x9];
	s23 =	sshrl.u32 s21, $0x3  }
0x17a: {  	[hbm:s14], [sflag:s12] =	dma.local [spmem:s23], $0x500  }
0x17b: {  	s22 =	rddreg [dreg:$0x16]  }
0x17c: {  	s14 =	rddreg [dreg:$0xa];
	s24 =	sshrl.u32 s22, $0x3  }
0x17d: {  	[hbm:s14], [sflag:s12] =	dma.local [spmem:s24], $0x500  }
0x17e: {  	s15 =	rddreg [dreg:$0x17]  }
0x17f: {  	s14 =	rddreg [dreg:$0xb];
	s25 =	sshrl.u32 s15, $0x3  }
0x180: {  	[hbm:s14], [sflag:s12] =	dma.local [spmem:s25], $0x500  }
0x181: {  	s23 =	rddreg [dreg:$0x18]  }
0x182: {  	s14 =	rddreg [dreg:$0xc];
	s17 =	sshrl.u32 s23, $0x3  }
0x183: {  	[hbm:s14], [sflag:s12] =	dma.local [spmem:s17], $0x500  }
0x184: {  	s17 =	rddreg [dreg:$0x19]  }
0x185: {  	s14 =	rddreg [dreg:$0xd];
	s24 =	sshrl.u32 s17, $0x3  }
0x186: {  	[hbm:s14], [sflag:s12] =	dma.local [spmem:s24], $0x500  }
0x187: {  	_ =	swait.ge [sflag:s28], $0x500  }
0x188: {  	[sflag:s28] =	ssyncset.done $0x0  }
0x189: {  	[sflag:s28] =	ssyncadd.s32 $0xFFFFFB00  }
0x18a: {  	_ =	swait.ge [sflag:s28], $0x500  }
0x18b: {  	[sflag:s28] =	ssyncset.done $0x0  }
0x18c: {  	[sflag:s28] =	ssyncadd.s32 $0xFFFFFB00  }
0x18d: {  	_ =	swait.ge [sflag:s28], $0x500  }
0x18e: {  	[sflag:s28] =	ssyncset.done $0x0  }
0x18f: {  	[sflag:s28] =	ssyncadd.s32 $0xFFFFFB00  }
0x190: {  	_ =	swait.ge [sflag:s28], $0x500  }
0x191: {  	[sflag:s28] =	ssyncset.done $0x0  }
0x192: {  	[sflag:s28] =	ssyncadd.s32 $0xFFFFFB00  }
0x193: {  	_ =	swait.ge [sflag:s28], $0x500  }
0x194: {  	[sflag:s28] =	ssyncset.done $0x0  }
0x195: {  	[sflag:s28] =	ssyncadd.s32 $0xFFFFFB00  }
0x196: {  	_ =	swait.ge [sflag:s28], $0x500  }
0x197: {  	[sflag:s28] =	ssyncset.done $0x0  }
0x198: {  	[sflag:s28] =	ssyncadd.s32 $0xFFFFFB00  }
0x199: {  	_ =	swait.ge [sflag:s28], $0x500  }
0x19a: {  	[sflag:s28] =	ssyncset.done $0x0  }
0x19b: {  	[sflag:s28] =	ssyncadd.s32 $0xFFFFFB00  }
0x19c: {  	_ =	swait.ge [sflag:s28], $0x500  }
0x19d: {  	s3 =	sadd.s32 $0x1, s3;
	s25 =	rddreg [dreg:$0x1a]  }
0x19e: {  	p0 =	sne.s32 s3, s25  }
.Ltmp2:
0x19f: {  	_ = 	snop;
	(pc) =	sbr.rel @p0 .LBB2_1-.Ltmp2, $3  }
0x1a0: {  	_ =	sdelay $0x1  }
0x1a1: {  	[sflag:s28] =	ssyncset.done $0x0  }
0x1a2: {  	[sflag:s28] =	ssyncadd.s32 $0xFFFFFB00  }
0x1a3: {  	_ =	sfence.sel $0x180000  }
0x1a4: {  	[bflag:$0x0] =	sbarrier.arrive $0xFFFF  }
0x1a5: {  	_ =	strace $0x9000004A  }
0x1a6: {  	s0 =	stileid.u32;
	[bflag:$0x2] =	sbarrier.arrive $0xFFFF  }
0x1a7: {  	p0 =	sne.s32 s0, $0x0;
	s0 =	rddreg [dreg:$0x3]  }
0x1a8: {  	s0 =	sadd.s32 @!p0 $0x100000, s0  }
0x1a9: {  	[sflag:s0] =	ssyncadd.tile.s32 @!p0 $0x1;
	_ =	shalt  }
.Lfunc_end2:
_tile_overlayer_lowered:
.L_overlay_start_2:
0x1aa: {  	(tag) =	ssettag $0x2  }
0x1ab: {  	s0 =	rddreg [dreg:$0x0];
	s2 =	stileid.u32  }
0x1ac: {  	s1 =	rddreg [dreg:$0x1];
	p0 =	sne.s32 s2, $0x0  }
0x1ad: {  	s3 =	rddreg [dreg:$0x2];
	[bflag:$0x3] =	sbarrier.arrive $0xFFFF;
	s2 =	simm.s32 @!p0 $0x1C0B  }
0x1ae: {  	[timem:s3], [sflag:s2] =	dma.local @!p0 [hbm:s0], s1  }
0x1af: {  	s0 =	simm.s32 @!p0 $0xB  }
0x1b0: {  	_ =	swait.ge @!p0 [sflag:s0], s1  }
0x1b1: {  	s1 =	ssub.s32 @!p0 $0x0, s1;
	[sflag:s0] =	ssyncset.done @!p0 $0x0  }
0x1b2: {  	[sflag:s0] =	ssyncadd.s32 @!p0 s1  }
0x1b3: {  	[bflag:$0x3] =	sbarrier.arrive $0xFFFF  }
0x1b4: {  	_ =	shalt  }

</sc_bundles>
